<compile_context>
chip_gen: v7x
topology: tpu7x:2x2x1
jax: 0.10.2.dev20260603
libtpu: 0.0.44.dev20260713+nightly
codegen_flags: <defaults>
</compile_context>

<pallas_src>
import functools

import jax
import jax.numpy as jnp
from jax import lax
from jax.experimental import pallas as pl
from jax.experimental.pallas import tpu as pltpu
from jax.experimental.pallas import tpu_sc as plsc

N_NODES = 10000
N_PAD = 10240
N_EDGES = 320000
D = 128
DA = 16

NC = 2
NS = 16
NW = NC * NS
EPT = N_EDGES // NW
CH = 80
NCHUNK = EPT // CH
RPS = N_PAD // NS
ZR = 128
BLK = 1024

_MESH = dict(core_axis_name="c", subcore_axis_name="s", num_cores=NC,
             num_subcores=NS)


def _worker_id():
  c = lax.axis_index("c")
  s = lax.axis_index("s")
  return c, s, c * NS + s


def _zero_rows16(ref, nrows):
  z = jnp.zeros((16,), jnp.float32)

  def body(j, carry):
    ref[j, :] = z
    return carry

  lax.fori_loop(0, nrows, body, 0)


def _zero_rows128(ref, nrows):
  z = jnp.zeros((16,), jnp.float32)

  def body(j, carry):
    for k in range(8):
      ref[j, pl.ds(k * 16, 16)] = z
    return carry

  lax.fori_loop(0, nrows, body, 0)


def _sc_degree_body(dst_hbm, deg_out, didx, ones_v, deg_sp):
  c, s, wid = _worker_id()

  _zero_rows16(ones_v, CH)
  for k in range(8):
    pltpu.sync_copy(ones_v, deg_sp.at[pl.ds(s * RPS + k * CH, CH)])

  onehot = jnp.where(lax.iota(jnp.int32, 16) == 0,
                     jnp.float32(1), jnp.float32(0))

  def fill(j, carry):
    ones_v[j, :] = onehot
    return carry

  lax.fori_loop(0, CH, fill, 0)
  plsc.subcore_barrier()

  def chunk(i, carry):
    off = wid * EPT + i * CH
    pltpu.sync_copy(dst_hbm.at[pl.ds(off, CH)], didx)
    pltpu.sync_copy(ones_v, deg_sp.at[didx], add=True)
    return carry

  lax.fori_loop(0, NCHUNK, chunk, 0)
  plsc.subcore_barrier()
  pltpu.sync_copy(deg_sp.at[pl.ds(s * RPS, RPS)],
                  deg_out.at[c, pl.ds(s * RPS, RPS)])


def _sc_degree(dst):
  f = pl.kernel(
      _sc_degree_body,
      out_type=jax.ShapeDtypeStruct((NC, N_PAD, DA), jnp.float32),
      mesh=plsc.VectorSubcoreMesh(**_MESH),
      scratch_types=[
          pltpu.VMEM((CH,), jnp.int32),
          pltpu.VMEM((CH, DA), jnp.float32),
          pltpu.VMEM_SHARED((N_PAD, DA), jnp.float32),
      ],
  )
  return f(dst)


def _sc_agg_body(src_hbm, dst_hbm, ht_hbm, acc_out,
                 sidx, didx, rows, acc_sp, sem):
  c, s, wid = _worker_id()

  _zero_rows128(rows, CH)
  for k in range(8):
    pltpu.sync_copy(rows, acc_sp.at[pl.ds(s * RPS + k * CH, CH)])
  plsc.subcore_barrier()

  def chunk(i, carry):
    off = wid * EPT + i * CH
    pltpu.sync_copy(src_hbm.at[pl.ds(off, CH)], sidx)
    pltpu.sync_copy(dst_hbm.at[pl.ds(off, CH)], didx)
    pltpu.async_copy(ht_hbm.at[sidx], rows, sem).wait()
    pltpu.sync_copy(rows, acc_sp.at[didx], add=True)
    return carry

  lax.fori_loop(0, NCHUNK, chunk, 0)
  plsc.subcore_barrier()
  pltpu.sync_copy(acc_sp.at[pl.ds(s * RPS, RPS)],
                  acc_out.at[c, pl.ds(s * RPS, RPS)])


def _sc_agg(src, dst, ht):
  f = pl.kernel(
      _sc_agg_body,
      out_type=jax.ShapeDtypeStruct((NC, N_PAD, D), jnp.float32),
      mesh=plsc.VectorSubcoreMesh(**_MESH),
      scratch_types=[
          pltpu.VMEM((CH,), jnp.int32),
          pltpu.VMEM((CH,), jnp.int32),
          pltpu.VMEM((CH, D), jnp.float32),
          pltpu.VMEM_SHARED((N_PAD, D), jnp.float32),
          pltpu.SemaphoreType.DMA,
      ],
  )
  return f(src, dst, ht)


def _sc_ea_body(src_hbm, dst_hbm, dinv2_hbm, attr_hbm, eat_out,
                sidx, didx, dv, atb, stg, eat_sp, sem):
  c, s, wid = _worker_id()

  _zero_rows16(stg, CH)
  for k in range(8):
    pltpu.sync_copy(stg, eat_sp.at[pl.ds(s * RPS + k * CH, CH)])
  plsc.subcore_barrier()

  def chunk(i, carry):
    off = wid * EPT + i * CH
    pltpu.sync_copy(src_hbm.at[pl.ds(off, CH)], sidx)
    pltpu.sync_copy(dst_hbm.at[pl.ds(off, CH)], didx)
    pltpu.async_copy(dinv2_hbm.at[sidx], dv, sem).wait()
    pltpu.sync_copy(attr_hbm.at[pl.ds(off, CH)], atb)

    def mul(j, carry2):
      stg[j, :] = dv[j, pl.ds(0, DA)] * atb[j, :]
      return carry2

    lax.fori_loop(0, CH, mul, 0)
    pltpu.sync_copy(stg, eat_sp.at[didx], add=True)
    return carry

  lax.fori_loop(0, NCHUNK, chunk, 0)
  plsc.subcore_barrier()
  pltpu.sync_copy(eat_sp.at[pl.ds(s * RPS, RPS)],
                  eat_out.at[c, pl.ds(s * RPS, RPS)])


def _sc_ea(src, dst, dinv2, attr):
  f = pl.kernel(
      _sc_ea_body,
      out_type=jax.ShapeDtypeStruct((NC, N_PAD, DA), jnp.float32),
      mesh=plsc.VectorSubcoreMesh(**_MESH),
      scratch_types=[
          pltpu.VMEM((CH,), jnp.int32),
          pltpu.VMEM((CH,), jnp.int32),
          pltpu.VMEM((CH, D), jnp.float32),
          pltpu.VMEM((CH, DA), jnp.float32),
          pltpu.VMEM((CH, DA), jnp.float32),
          pltpu.VMEM_SHARED((N_PAD, DA), jnp.float32),
          pltpu.SemaphoreType.DMA,
      ],
  )
  return f(src, dst, dinv2, attr)


def _tc_b_body(x_ref, w1_ref, b1_ref, d0_ref, d1_ref, dinv2_ref, h1t_ref):
  deg = d0_ref[:, :1] + d1_ref[:, :1] + 1.0
  dinv = lax.rsqrt(deg)
  dinv2_ref[...] = jnp.broadcast_to(dinv, (BLK, D))
  h = jnp.dot(x_ref[...], w1_ref[...], precision=lax.Precision.HIGHEST,
              preferred_element_type=jnp.float32) + b1_ref[...]
  h1t_ref[...] = dinv * h


def _tc_b(x, W1, b1r, d0, d1):
  row = lambda i: (i, 0)
  fixed = lambda i: (0, 0)
  return pl.pallas_call(
      _tc_b_body,
      grid=(N_PAD // BLK,),
      in_specs=[
          pl.BlockSpec((BLK, D), row),
          pl.BlockSpec((D, D), fixed),
          pl.BlockSpec((1, D), fixed),
          pl.BlockSpec((BLK, DA), row),
          pl.BlockSpec((BLK, DA), row),
      ],
      out_specs=[
          pl.BlockSpec((BLK, D), row),
          pl.BlockSpec((BLK, D), row),
      ],
      out_shape=[
          jax.ShapeDtypeStruct((N_PAD, D), jnp.float32),
          jax.ShapeDtypeStruct((N_PAD, D), jnp.float32),
      ],
  )(x, W1, b1r, d0, d1)


def _tc_d_body(a0, a1, e0, e1, h1t, dinv2, we1, w2, b2, we2,
               h2t_ref, e2_ref):
  dinvc = dinv2[:, :1]
  ea = dinv2[:, :DA] * (e0[...] + e1[...])
  edge1 = jnp.dot(ea, we1[...], precision=lax.Precision.HIGHEST,
                  preferred_element_type=jnp.float32)
  out1 = jnp.maximum(dinvc * (a0[...] + a1[...] + h1t[...]) + edge1, 0.0)
  h2 = jnp.dot(out1, w2[...], precision=lax.Precision.HIGHEST,
               preferred_element_type=jnp.float32) + b2[...]
  h2t_ref[...] = dinvc * h2
  e2_ref[...] = jnp.dot(ea, we2[...], precision=lax.Precision.HIGHEST,
                        preferred_element_type=jnp.float32)


def _tc_d(a0, a1, e0, e1, h1t, dinv2, We1, W2, b2r, We2):
  row = lambda i: (i, 0)
  fixed = lambda i: (0, 0)
  return pl.pallas_call(
      _tc_d_body,
      grid=(N_PAD // BLK,),
      in_specs=[
          pl.BlockSpec((BLK, D), row),
          pl.BlockSpec((BLK, D), row),
          pl.BlockSpec((BLK, DA), row),
          pl.BlockSpec((BLK, DA), row),
          pl.BlockSpec((BLK, D), row),
          pl.BlockSpec((BLK, D), row),
          pl.BlockSpec((DA, D), fixed),
          pl.BlockSpec((D, D), fixed),
          pl.BlockSpec((1, D), fixed),
          pl.BlockSpec((DA, D), fixed),
      ],
      out_specs=[
          pl.BlockSpec((BLK, D), row),
          pl.BlockSpec((BLK, D), row),
      ],
      out_shape=[
          jax.ShapeDtypeStruct((N_PAD, D), jnp.float32),
          jax.ShapeDtypeStruct((N_PAD, D), jnp.float32),
      ],
  )(a0, a1, e0, e1, h1t, dinv2, We1, W2, b2r, We2)


def _tc_f_body(a0, a1, h2t, e2, dinv2, out_ref):
  out_ref[...] = dinv2[:, :1] * (a0[...] + a1[...] + h2t[...]) + e2[...]


def _tc_f(a0, a1, h2t, e2, dinv2):
  row = lambda i: (i, 0)
  return pl.pallas_call(
      _tc_f_body,
      grid=(N_PAD // BLK,),
      in_specs=[
          pl.BlockSpec((BLK, D), row),
          pl.BlockSpec((BLK, D), row),
          pl.BlockSpec((BLK, D), row),
          pl.BlockSpec((BLK, D), row),
          pl.BlockSpec((BLK, D), row),
      ],
      out_specs=pl.BlockSpec((BLK, D), row),
      out_shape=jax.ShapeDtypeStruct((N_PAD, D), jnp.float32),
  )(a0, a1, h2t, e2, dinv2)


def kernel(x, edge_index, edge_attr, W1, b1, We1, W2, b2, We2):
  src = edge_index[0]
  dst = edge_index[1]
  b1r = b1.reshape(1, D)
  b2r = b2.reshape(1, D)
  xp = jnp.pad(x, ((0, N_PAD - N_NODES), (0, 0)))

  degp = _sc_degree(dst)
  dinv2, h1t = _tc_b(xp, W1, b1r, degp[0], degp[1])
  accp = _sc_agg(src, dst, h1t)
  eatp = _sc_ea(src, dst, dinv2, edge_attr)
  h2t, e2 = _tc_d(accp[0], accp[1], eatp[0], eatp[1], h1t, dinv2,
                  We1, W2, b2r, We2)
  acc2p = _sc_agg(src, dst, h2t)
  return _tc_f(acc2p[0], acc2p[1], h2t, e2, dinv2)[:N_NODES]

# --- scband reference (transcript-rebuilt; emitter-appended) ---
"""Pipeline reference for scband-super-encoder-35759897706995 (READ-ONLY COPY).

The authoritative reference and input builder live on the scoring server;
editing this copy changes nothing except your own understanding.
"""

import jax, jax.numpy as jnp
import numpy as np

EMB_DIM = 128
D_EDGE = 16
N_NODES = 10000
N_EDGES = 320000


def _gcn_layer(x, src, dst, edge_attr, W, b, We):
    N = x.shape[0]
    d = W.shape[1]
    # add self loops (standard GCNConv behavior); self-loop edge features are zero
    loop = jnp.arange(N, dtype=src.dtype)
    src_f = jnp.concatenate([src, loop], axis=0)
    dst_f = jnp.concatenate([dst, loop], axis=0)
    e = edge_attr @ We  # project edge features to emb_dim
    e_f = jnp.concatenate([e, jnp.zeros((N, d), dtype=e.dtype)], axis=0)
    # symmetric normalization from in-degree (including self loops)
    deg = jnp.zeros((N,), dtype=x.dtype).at[dst_f].add(1.0)
    dinv = jnp.where(deg > 0, 1.0 / jnp.sqrt(deg), 0.0)
    norm = dinv[src_f] * dinv[dst_f]
    h = x @ W + b
    msg = norm[:, None] * (h[src_f] + e_f)  # message = norm * (x_j + edge_attr)
    out = jnp.zeros((N, d), dtype=h.dtype).at[dst_f].add(msg)  # aggr='add'
    return out


def setup_inputs(seed: int = 0) -> dict:
    key = jax.random.key(seed)
    ks = jax.random.split(key, 9)
    x = jax.random.normal(ks[0], (N_NODES, EMB_DIM), dtype=jnp.float32)
    edge_index = jax.random.randint(ks[1], (2, N_EDGES), 0, N_NODES, dtype=jnp.int64 if jax.config.read('jax_enable_x64') else jnp.int32).astype(jnp.int32)
    edge_attr = jax.random.normal(ks[2], (N_EDGES, D_EDGE), dtype=jnp.float32)
    s = 1.0 / np.sqrt(EMB_DIM)
    W1 = jax.random.uniform(ks[3], (EMB_DIM, EMB_DIM), jnp.float32, -s, s)
    b1 = jnp.zeros((EMB_DIM,), dtype=jnp.float32)
    We1 = jax.random.uniform(ks[4], (D_EDGE, EMB_DIM), jnp.float32, -s, s)
    W2 = jax.random.uniform(ks[5], (EMB_DIM, EMB_DIM), jnp.float32, -s, s)
    b2 = jnp.zeros((EMB_DIM,), dtype=jnp.float32)
    We2 = jax.random.uniform(ks[6], (D_EDGE, EMB_DIM), jnp.float32, -s, s)
    return {"x": x, "edge_index": edge_index, "edge_attr": edge_attr,
            "W1": W1, "b1": b1, "We1": We1, "W2": W2, "b2": b2, "We2": We2}


def reference(x, edge_index, edge_attr, W1, b1, We1, W2, b2, We2):
    src = edge_index[0]
    dst = edge_index[1]
    out = _gcn_layer(x, src, dst, edge_attr, W1, b1, We1)
    out = jax.nn.relu(out)
    out = _gcn_layer(out, src, dst, edge_attr, W2, b2, We2)
    return out

if __name__ == "__main__":
    import jax
    _d = setup_inputs()
    print(jax.jit(kernel)(*tuple(_d.values())))

</pallas_src>

<mosaic_0001>
#map = affine_map<(d0, d1) -> (0)>
#map1 = affine_map<(d0, d1) -> (0, 0, 0)>
module attributes {stable_mosaic.version = 14 : i64} {
  func.func @_sc_degree_body(%arg0: i32, %arg1: i32, %arg2: memref<320000xi32, #tpu.memory_space<hbm>>, %arg3: memref<2x10240x16xf32, #tpu.memory_space<hbm>>, %arg4: memref<80xi32, #tpu.memory_space<vmem>>, %arg5: memref<80x16xf32, #tpu.memory_space<vmem>>, %arg6: memref<10240x16xf32, #tpu.memory_space<vmem_shared>>) attributes {dimension_semantics = [#tpu.dimension_semantics<core_parallel>, #tpu.dimension_semantics<subcore_parallel>], iteration_bounds = array<i64: 2, 16>, scalar_prefetch = 0 : i64, scratch_operands = 3 : i64, tpu.core_type = #tpu.core_type<sc_vector_subcore>, window_params = [{transform_indices = #map}, {transform_indices = #map1}]} {
    %mul3A = arith.constant 16 : i32
    %mul3A_0 = arith.muli %arg0, %mul3A : i32
    %add3A = arith.addi %mul3A_0, %arg1 : i32
    %broadcast_in_dim3A = arith.constant 0.000000e+00 : f32
    %broadcast_in_dim3A_1 = vector.broadcast %broadcast_in_dim3A : f32 to vector<16xf32>
    %scan3A = arith.constant 0 : i32
    %scan3A_2 = arith.constant 0 : i32
    %scan3A_3 = arith.constant 80 : i32
    %scan3A_4 = arith.addi %scan3A_2, %scan3A_3 : i32
    %scan3A_5 = arith.constant 1 : i32
    scf.for %scan3A_61 = %scan3A_2 to %scan3A_4 step %scan3A_5  : i32 {
      %swap3A = arith.index_cast %scan3A_61 : i32 to index
      %swap3A_62 = arith.constant 0 : index
      %swap3A_63 = tpu.vector_load %arg5[%swap3A, %swap3A_62] {strides = array<i32>} : memref<80x16xf32, #tpu.memory_space<vmem>>, vector<1x16xf32>,
      %swap3A_64 = vector.shape_cast %swap3A_63 : vector<1x16xf32> to vector<16xf32>
      %swap3A_65 = vector.shape_cast %broadcast_in_dim3A_1 : vector<16xf32> to vector<1x16xf32>
      tpu.vector_store %arg5[%swap3A, %swap3A_62], %swap3A_65 {strides = array<i32>} : memref<80x16xf32, #tpu.memory_space<vmem>>, vector<1x16xf32>,
    }
    %scan3A_6 = arith.constant 80 : i32
    %mul3A_7 = arith.constant 640 : i32
    %mul3A_8 = arith.muli %arg1, %mul3A_7 : i32
    %add3A_9 = arith.constant 0 : i32
    %add3A_10 = arith.addi %mul3A_8, %add3A_9 : i32
    "tpu.region"() ({
      %run_scoped3A = tpu.sem_alloc : memref<!tpu.dma_semaphore, #tpu.memory_space<semaphore_mem>>
      %dma_start3A = arith.constant 0 : i32
      %dma_start3A_61 = tpu.memref_slice %arg6[%add3A_10, %dma_start3A] : memref<10240x16xf32, #tpu.memory_space<vmem_shared>> -> memref<80x16xf32, #tpu.memory_space<vmem_shared>>
      %dma_start3A_62 = arith.constant 0 : i32
      %dma_start3A_63 = tpu.memref_slice %arg6[%add3A_10, %dma_start3A_62] : memref<10240x16xf32, #tpu.memory_space<vmem_shared>> -> memref<80x16xf32, #tpu.memory_space<vmem_shared>>
      tpu.enqueue_dma source(%arg5 : memref<80x16xf32, #tpu.memory_space<vmem>>) target(%dma_start3A_63 : memref<80x16xf32, #tpu.memory_space<vmem_shared>>) target_semaphore(%run_scoped3A : memref<!tpu.dma_semaphore, #tpu.memory_space<semaphore_mem>>)
      %dma_wait3A = arith.constant 0 : i32
      %dma_wait3A_64 = tpu.memref_slice %arg6[%add3A_10, %dma_wait3A] : memref<10240x16xf32, #tpu.memory_space<vmem_shared>> -> memref<80x16xf32, #tpu.memory_space<vmem_shared>>
      %dma_wait3A_65 = arith.constant 0 : i32
      %dma_wait3A_66 = tpu.memref_slice %arg6[%add3A_10, %dma_wait3A_65] : memref<10240x16xf32, #tpu.memory_space<vmem_shared>> -> memref<80x16xf32, #tpu.memory_space<vmem_shared>>
      tpu.wait_dma2 semaphore(%run_scoped3A : memref<!tpu.dma_semaphore, #tpu.memory_space<semaphore_mem>>) src(%arg5 : memref<80x16xf32, #tpu.memory_space<vmem>>) dst(%dma_wait3A_66 : memref<80x16xf32, #tpu.memory_space<vmem_shared>>)
      tpu.yield
    }) : () -> ()
    %mul3A_11 = arith.constant 640 : i32
    %mul3A_12 = arith.muli %arg1, %mul3A_11 : i32
    %add3A_13 = arith.constant 80 : i32
    %add3A_14 = arith.addi %mul3A_12, %add3A_13 : i32
    "tpu.region"() ({
      %run_scoped3A = tpu.sem_alloc : memref<!tpu.dma_semaphore, #tpu.memory_space<semaphore_mem>>
      %dma_start3A = arith.constant 0 : i32
      %dma_start3A_61 = tpu.memref_slice %arg6[%add3A_14, %dma_start3A] : memref<10240x16xf32, #tpu.memory_space<vmem_shared>> -> memref<80x16xf32, #tpu.memory_space<vmem_shared>>
      %dma_start3A_62 = arith.constant 0 : i32
      %dma_start3A_63 = tpu.memref_slice %arg6[%add3A_14, %dma_start3A_62] : memref<10240x16xf32, #tpu.memory_space<vmem_shared>> -> memref<80x16xf32, #tpu.memory_space<vmem_shared>>
      tpu.enqueue_dma source(%arg5 : memref<80x16xf32, #tpu.memory_space<vmem>>) target(%dma_start3A_63 : memref<80x16xf32, #tpu.memory_space<vmem_shared>>) target_semaphore(%run_scoped3A : memref<!tpu.dma_semaphore, #tpu.memory_space<semaphore_mem>>)
      %dma_wait3A = arith.constant 0 : i32
      %dma_wait3A_64 = tpu.memref_slice %arg6[%add3A_14, %dma_wait3A] : memref<10240x16xf32, #tpu.memory_space<vmem_shared>> -> memref<80x16xf32, #tpu.memory_space<vmem_shared>>
      %dma_wait3A_65 = arith.constant 0 : i32
      %dma_wait3A_66 = tpu.memref_slice %arg6[%add3A_14, %dma_wait3A_65] : memref<10240x16xf32, #tpu.memory_space<vmem_shared>> -> memref<80x16xf32, #tpu.memory_space<vmem_shared>>
      tpu.wait_dma2 semaphore(%run_scoped3A : memref<!tpu.dma_semaphore, #tpu.memory_space<semaphore_mem>>) src(%arg5 : memref<80x16xf32, #tpu.memory_space<vmem>>) dst(%dma_wait3A_66 : memref<80x16xf32, #tpu.memory_space<vmem_shared>>)
      tpu.yield
    }) : () -> ()
    %mul3A_15 = arith.constant 640 : i32
    %mul3A_16 = arith.muli %arg1, %mul3A_15 : i32
    %add3A_17 = arith.constant 160 : i32
    %add3A_18 = arith.addi %mul3A_16, %add3A_17 : i32
    "tpu.region"() ({
      %run_scoped3A = tpu.sem_alloc : memref<!tpu.dma_semaphore, #tpu.memory_space<semaphore_mem>>
      %dma_start3A = arith.constant 0 : i32
      %dma_start3A_61 = tpu.memref_slice %arg6[%add3A_18, %dma_start3A] : memref<10240x16xf32, #tpu.memory_space<vmem_shared>> -> memref<80x16xf32, #tpu.memory_space<vmem_shared>>
      %dma_start3A_62 = arith.constant 0 : i32
      %dma_start3A_63 = tpu.memref_slice %arg6[%add3A_18, %dma_start3A_62] : memref<10240x16xf32, #tpu.memory_space<vmem_shared>> -> memref<80x16xf32, #tpu.memory_space<vmem_shared>>
      tpu.enqueue_dma source(%arg5 : memref<80x16xf32, #tpu.memory_space<vmem>>) target(%dma_start3A_63 : memref<80x16xf32, #tpu.memory_space<vmem_shared>>) target_semaphore(%run_scoped3A : memref<!tpu.dma_semaphore, #tpu.memory_space<semaphore_mem>>)
      %dma_wait3A = arith.constant 0 : i32
      %dma_wait3A_64 = tpu.memref_slice %arg6[%add3A_18, %dma_wait3A] : memref<10240x16xf32, #tpu.memory_space<vmem_shared>> -> memref<80x16xf32, #tpu.memory_space<vmem_shared>>
      %dma_wait3A_65 = arith.constant 0 : i32
      %dma_wait3A_66 = tpu.memref_slice %arg6[%add3A_18, %dma_wait3A_65] : memref<10240x16xf32, #tpu.memory_space<vmem_shared>> -> memref<80x16xf32, #tpu.memory_space<vmem_shared>>
      tpu.wait_dma2 semaphore(%run_scoped3A : memref<!tpu.dma_semaphore, #tpu.memory_space<semaphore_mem>>) src(%arg5 : memref<80x16xf32, #tpu.memory_space<vmem>>) dst(%dma_wait3A_66 : memref<80x16xf32, #tpu.memory_space<vmem_shared>>)
      tpu.yield
    }) : () -> ()
    %mul3A_19 = arith.constant 640 : i32
    %mul3A_20 = arith.muli %arg1, %mul3A_19 : i32
    %add3A_21 = arith.constant 240 : i32
    %add3A_22 = arith.addi %mul3A_20, %add3A_21 : i32
    "tpu.region"() ({
      %run_scoped3A = tpu.sem_alloc : memref<!tpu.dma_semaphore, #tpu.memory_space<semaphore_mem>>
      %dma_start3A = arith.constant 0 : i32
      %dma_start3A_61 = tpu.memref_slice %arg6[%add3A_22, %dma_start3A] : memref<10240x16xf32, #tpu.memory_space<vmem_shared>> -> memref<80x16xf32, #tpu.memory_space<vmem_shared>>
      %dma_start3A_62 = arith.constant 0 : i32
      %dma_start3A_63 = tpu.memref_slice %arg6[%add3A_22, %dma_start3A_62] : memref<10240x16xf32, #tpu.memory_space<vmem_shared>> -> memref<80x16xf32, #tpu.memory_space<vmem_shared>>
      tpu.enqueue_dma source(%arg5 : memref<80x16xf32, #tpu.memory_space<vmem>>) target(%dma_start3A_63 : memref<80x16xf32, #tpu.memory_space<vmem_shared>>) target_semaphore(%run_scoped3A : memref<!tpu.dma_semaphore, #tpu.memory_space<semaphore_mem>>)
      %dma_wait3A = arith.constant 0 : i32
      %dma_wait3A_64 = tpu.memref_slice %arg6[%add3A_22, %dma_wait3A] : memref<10240x16xf32, #tpu.memory_space<vmem_shared>> -> memref<80x16xf32, #tpu.memory_space<vmem_shared>>
      %dma_wait3A_65 = arith.constant 0 : i32
      %dma_wait3A_66 = tpu.memref_slice %arg6[%add3A_22, %dma_wait3A_65] : memref<10240x16xf32, #tpu.memory_space<vmem_shared>> -> memref<80x16xf32, #tpu.memory_space<vmem_shared>>
      tpu.wait_dma2 semaphore(%run_scoped3A : memref<!tpu.dma_semaphore, #tpu.memory_space<semaphore_mem>>) src(%arg5 : memref<80x16xf32, #tpu.memory_space<vmem>>) dst(%dma_wait3A_66 : memref<80x16xf32, #tpu.memory_space<vmem_shared>>)
      tpu.yield
    }) : () -> ()
    %mul3A_23 = arith.constant 640 : i32
    %mul3A_24 = arith.muli %arg1, %mul3A_23 : i32
    %add3A_25 = arith.constant 320 : i32
    %add3A_26 = arith.addi %mul3A_24, %add3A_25 : i32
    "tpu.region"() ({
      %run_scoped3A = tpu.sem_alloc : memref<!tpu.dma_semaphore, #tpu.memory_space<semaphore_mem>>
      %dma_start3A = arith.constant 0 : i32
      %dma_start3A_61 = tpu.memref_slice %arg6[%add3A_26, %dma_start3A] : memref<10240x16xf32, #tpu.memory_space<vmem_shared>> -> memref<80x16xf32, #tpu.memory_space<vmem_shared>>
      %dma_start3A_62 = arith.constant 0 : i32
      %dma_start3A_63 = tpu.memref_slice %arg6[%add3A_26, %dma_start3A_62] : memref<10240x16xf32, #tpu.memory_space<vmem_shared>> -> memref<80x16xf32, #tpu.memory_space<vmem_shared>>
      tpu.enqueue_dma source(%arg5 : memref<80x16xf32, #tpu.memory_space<vmem>>) target(%dma_start3A_63 : memref<80x16xf32, #tpu.memory_space<vmem_shared>>) target_semaphore(%run_scoped3A : memref<!tpu.dma_semaphore, #tpu.memory_space<semaphore_mem>>)
      %dma_wait3A = arith.constant 0 : i32
      %dma_wait3A_64 = tpu.memref_slice %arg6[%add3A_26, %dma_wait3A] : memref<10240x16xf32, #tpu.memory_space<vmem_shared>> -> memref<80x16xf32, #tpu.memory_space<vmem_shared>>
      %dma_wait3A_65 = arith.constant 0 : i32
      %dma_wait3A_66 = tpu.memref_slice %arg6[%add3A_26, %dma_wait3A_65] : memref<10240x16xf32, #tpu.memory_space<vmem_shared>> -> memref<80x16xf32, #tpu.memory_space<vmem_shared>>
      tpu.wait_dma2 semaphore(%run_scoped3A : memref<!tpu.dma_semaphore, #tpu.memory_space<semaphore_mem>>) src(%arg5 : memref<80x16xf32, #tpu.memory_space<vmem>>) dst(%dma_wait3A_66 : memref<80x16xf32, #tpu.memory_space<vmem_shared>>)
      tpu.yield
    }) : () -> ()
    %mul3A_27 = arith.constant 640 : i32
    %mul3A_28 = arith.muli %arg1, %mul3A_27 : i32
    %add3A_29 = arith.constant 400 : i32
    %add3A_30 = arith.addi %mul3A_28, %add3A_29 : i32
    "tpu.region"() ({
      %run_scoped3A = tpu.sem_alloc : memref<!tpu.dma_semaphore, #tpu.memory_space<semaphore_mem>>
      %dma_start3A = arith.constant 0 : i32
      %dma_start3A_61 = tpu.memref_slice %arg6[%add3A_30, %dma_start3A] : memref<10240x16xf32, #tpu.memory_space<vmem_shared>> -> memref<80x16xf32, #tpu.memory_space<vmem_shared>>
      %dma_start3A_62 = arith.constant 0 : i32
      %dma_start3A_63 = tpu.memref_slice %arg6[%add3A_30, %dma_start3A_62] : memref<10240x16xf32, #tpu.memory_space<vmem_shared>> -> memref<80x16xf32, #tpu.memory_space<vmem_shared>>
      tpu.enqueue_dma source(%arg5 : memref<80x16xf32, #tpu.memory_space<vmem>>) target(%dma_start3A_63 : memref<80x16xf32, #tpu.memory_space<vmem_shared>>) target_semaphore(%run_scoped3A : memref<!tpu.dma_semaphore, #tpu.memory_space<semaphore_mem>>)
      %dma_wait3A = arith.constant 0 : i32
      %dma_wait3A_64 = tpu.memref_slice %arg6[%add3A_30, %dma_wait3A] : memref<10240x16xf32, #tpu.memory_space<vmem_shared>> -> memref<80x16xf32, #tpu.memory_space<vmem_shared>>
      %dma_wait3A_65 = arith.constant 0 : i32
      %dma_wait3A_66 = tpu.memref_slice %arg6[%add3A_30, %dma_wait3A_65] : memref<10240x16xf32, #tpu.memory_space<vmem_shared>> -> memref<80x16xf32, #tpu.memory_space<vmem_shared>>
      tpu.wait_dma2 semaphore(%run_scoped3A : memref<!tpu.dma_semaphore, #tpu.memory_space<semaphore_mem>>) src(%arg5 : memref<80x16xf32, #tpu.memory_space<vmem>>) dst(%dma_wait3A_66 : memref<80x16xf32, #tpu.memory_space<vmem_shared>>)
      tpu.yield
    }) : () -> ()
    %mul3A_31 = arith.constant 640 : i32
    %mul3A_32 = arith.muli %arg1, %mul3A_31 : i32
    %add3A_33 = arith.constant 480 : i32
    %add3A_34 = arith.addi %mul3A_32, %add3A_33 : i32
    "tpu.region"() ({
      %run_scoped3A = tpu.sem_alloc : memref<!tpu.dma_semaphore, #tpu.memory_space<semaphore_mem>>
      %dma_start3A = arith.constant 0 : i32
      %dma_start3A_61 = tpu.memref_slice %arg6[%add3A_34, %dma_start3A] : memref<10240x16xf32, #tpu.memory_space<vmem_shared>> -> memref<80x16xf32, #tpu.memory_space<vmem_shared>>
      %dma_start3A_62 = arith.constant 0 : i32
      %dma_start3A_63 = tpu.memref_slice %arg6[%add3A_34, %dma_start3A_62] : memref<10240x16xf32, #tpu.memory_space<vmem_shared>> -> memref<80x16xf32, #tpu.memory_space<vmem_shared>>
      tpu.enqueue_dma source(%arg5 : memref<80x16xf32, #tpu.memory_space<vmem>>) target(%dma_start3A_63 : memref<80x16xf32, #tpu.memory_space<vmem_shared>>) target_semaphore(%run_scoped3A : memref<!tpu.dma_semaphore, #tpu.memory_space<semaphore_mem>>)
      %dma_wait3A = arith.constant 0 : i32
      %dma_wait3A_64 = tpu.memref_slice %arg6[%add3A_34, %dma_wait3A] : memref<10240x16xf32, #tpu.memory_space<vmem_shared>> -> memref<80x16xf32, #tpu.memory_space<vmem_shared>>
      %dma_wait3A_65 = arith.constant 0 : i32
      %dma_wait3A_66 = tpu.memref_slice %arg6[%add3A_34, %dma_wait3A_65] : memref<10240x16xf32, #tpu.memory_space<vmem_shared>> -> memref<80x16xf32, #tpu.memory_space<vmem_shared>>
      tpu.wait_dma2 semaphore(%run_scoped3A : memref<!tpu.dma_semaphore, #tpu.memory_space<semaphore_mem>>) src(%arg5 : memref<80x16xf32, #tpu.memory_space<vmem>>) dst(%dma_wait3A_66 : memref<80x16xf32, #tpu.memory_space<vmem_shared>>)
      tpu.yield
    }) : () -> ()
    %mul3A_35 = arith.constant 640 : i32
    %mul3A_36 = arith.muli %arg1, %mul3A_35 : i32
    %add3A_37 = arith.constant 560 : i32
    %add3A_38 = arith.addi %mul3A_36, %add3A_37 : i32
    "tpu.region"() ({
      %run_scoped3A = tpu.sem_alloc : memref<!tpu.dma_semaphore, #tpu.memory_space<semaphore_mem>>
      %dma_start3A = arith.constant 0 : i32
      %dma_start3A_61 = tpu.memref_slice %arg6[%add3A_38, %dma_start3A] : memref<10240x16xf32, #tpu.memory_space<vmem_shared>> -> memref<80x16xf32, #tpu.memory_space<vmem_shared>>
      %dma_start3A_62 = arith.constant 0 : i32
      %dma_start3A_63 = tpu.memref_slice %arg6[%add3A_38, %dma_start3A_62] : memref<10240x16xf32, #tpu.memory_space<vmem_shared>> -> memref<80x16xf32, #tpu.memory_space<vmem_shared>>
      tpu.enqueue_dma source(%arg5 : memref<80x16xf32, #tpu.memory_space<vmem>>) target(%dma_start3A_63 : memref<80x16xf32, #tpu.memory_space<vmem_shared>>) target_semaphore(%run_scoped3A : memref<!tpu.dma_semaphore, #tpu.memory_space<semaphore_mem>>)
      %dma_wait3A = arith.constant 0 : i32
      %dma_wait3A_64 = tpu.memref_slice %arg6[%add3A_38, %dma_wait3A] : memref<10240x16xf32, #tpu.memory_space<vmem_shared>> -> memref<80x16xf32, #tpu.memory_space<vmem_shared>>
      %dma_wait3A_65 = arith.constant 0 : i32
      %dma_wait3A_66 = tpu.memref_slice %arg6[%add3A_38, %dma_wait3A_65] : memref<10240x16xf32, #tpu.memory_space<vmem_shared>> -> memref<80x16xf32, #tpu.memory_space<vmem_shared>>
      tpu.wait_dma2 semaphore(%run_scoped3A : memref<!tpu.dma_semaphore, #tpu.memory_space<semaphore_mem>>) src(%arg5 : memref<80x16xf32, #tpu.memory_space<vmem>>) dst(%dma_wait3A_66 : memref<80x16xf32, #tpu.memory_space<vmem_shared>>)
      tpu.yield
    }) : () -> ()
    %iota3A = tpu.iota {dimensions = array<i32: 0>} : vector<16xi32>
    %eq3A = arith.constant 0 : i32
    %eq3A_39 = vector.broadcast %eq3A : i32 to vector<16xi32>
    %eq3A_40 = arith.cmpi eq, %iota3A, %eq3A_39 : vector<16xi32>
    %jit3A = arith.constant 1.000000e+00 : f32
    %jit3A_41 = arith.constant 0.000000e+00 : f32
    %broadcast_in_dim3A_42 = vector.broadcast %jit3A : f32 to vector<16xf32>
    %broadcast_in_dim3A_43 = vector.broadcast %jit3A_41 : f32 to vector<16xf32>
    %select_n3A = arith.select %eq3A_40, %broadcast_in_dim3A_42, %broadcast_in_dim3A_43 : vector<16xi1>, vector<16xf32>
    %scan3A_44 = arith.constant 0 : i32
    %scan3A_45 = arith.constant 0 : i32
    %scan3A_46 = arith.constant 80 : i32
    %scan3A_47 = arith.addi %scan3A_45, %scan3A_46 : i32
    %scan3A_48 = arith.constant 1 : i32
    scf.for %scan3A_61 = %scan3A_45 to %scan3A_47 step %scan3A_48  : i32 {
      %swap3A = arith.index_cast %scan3A_61 : i32 to index
      %swap3A_62 = arith.constant 0 : index
      %swap3A_63 = tpu.vector_load %arg5[%swap3A, %swap3A_62] {strides = array<i32>} : memref<80x16xf32, #tpu.memory_space<vmem>>, vector<1x16xf32>,
      %swap3A_64 = vector.shape_cast %swap3A_63 : vector<1x16xf32> to vector<16xf32>
      %swap3A_65 = vector.shape_cast %select_n3A : vector<16xf32> to vector<1x16xf32>
      tpu.vector_store %arg5[%swap3A, %swap3A_62], %swap3A_65 {strides = array<i32>} : memref<80x16xf32, #tpu.memory_space<vmem>>, vector<1x16xf32>,
    }
    %scan3A_49 = arith.constant 80 : i32
    %barrier3A = arith.constant 0 : index
    tpu.barrier barrier_id(%barrier3A)
    %scan3A_50 = arith.constant 0 : i32
    %scan3A_51 = arith.constant 0 : i32
    %scan3A_52 = arith.constant 125 : i32
    %scan3A_53 = arith.addi %scan3A_51, %scan3A_52 : i32
    %scan3A_54 = arith.constant 1 : i32
    scf.for %scan3A_61 = %scan3A_51 to %scan3A_53 step %scan3A_54  : i32 {
      %mul3A_62 = arith.constant 10000 : i32
      %mul3A_63 = arith.muli %add3A, %mul3A_62 : i32
      %mul3A_64 = arith.constant 80 : i32
      %mul3A_65 = arith.muli %scan3A_61, %mul3A_64 : i32
      %add3A_66 = arith.addi %mul3A_63, %mul3A_65 : i32
      "tpu.region"() ({
        %run_scoped3A = tpu.sem_alloc : memref<!tpu.dma_semaphore, #tpu.memory_space<semaphore_mem>>
        %dma_start3A = tpu.memref_slice %arg2[%add3A_66] : memref<320000xi32, #tpu.memory_space<hbm>> -> memref<80xi32, #tpu.memory_space<hbm>>
        %dma_start3A_67 = tpu.memref_slice %arg2[%add3A_66] : memref<320000xi32, #tpu.memory_space<hbm>> -> memref<80xi32, #tpu.memory_space<hbm>>
        tpu.enqueue_dma source(%dma_start3A_67 : memref<80xi32, #tpu.memory_space<hbm>>) target(%arg4 : memref<80xi32, #tpu.memory_space<vmem>>) target_semaphore(%run_scoped3A : memref<!tpu.dma_semaphore, #tpu.memory_space<semaphore_mem>>)
        %dma_wait3A = tpu.memref_slice %arg2[%add3A_66] : memref<320000xi32, #tpu.memory_space<hbm>> -> memref<80xi32, #tpu.memory_space<hbm>>
        %dma_wait3A_68 = tpu.memref_slice %arg2[%add3A_66] : memref<320000xi32, #tpu.memory_space<hbm>> -> memref<80xi32, #tpu.memory_space<hbm>>
        tpu.wait_dma2 semaphore(%run_scoped3A : memref<!tpu.dma_semaphore, #tpu.memory_space<semaphore_mem>>) src(%dma_wait3A_68 : memref<80xi32, #tpu.memory_space<hbm>>) dst(%arg4 : memref<80xi32, #tpu.memory_space<vmem>>)
        tpu.yield
      }) : () -> ()
      "tpu.region"() ({
        %run_scoped3A = tpu.sem_alloc : memref<!tpu.dma_semaphore, #tpu.memory_space<semaphore_mem>>
        %dma_start3A = arith.constant 0 : i32
        %dma_start3A_67 = arith.constant 0 : i32
        %dma_start3A_68 = tpu.memref_slice %arg6[%dma_start3A, %dma_start3A_67] : memref<10240x16xf32, #tpu.memory_space<vmem_shared>> -> memref<10240x16xf32, #tpu.memory_space<vmem_shared>>
        tpu.enqueue_indirect_dma source(%arg5 : memref<80x16xf32, #tpu.memory_space<vmem>>) target(%dma_start3A_68 : memref<10240x16xf32, #tpu.memory_space<vmem_shared>>) offsets(%arg4 : memref<80xi32, #tpu.memory_space<vmem>>) semaphore(%run_scoped3A : memref<!tpu.dma_semaphore, #tpu.memory_space<semaphore_mem>>) {add = true}
        %dma_wait3A = arith.constant 0 : i32
        %dma_wait3A_69 = arith.constant 0 : i32
        %dma_wait3A_70 = tpu.memref_slice %arg6[%dma_wait3A, %dma_wait3A_69] : memref<10240x16xf32, #tpu.memory_space<vmem_shared>> -> memref<10240x16xf32, #tpu.memory_space<vmem_shared>>
        tpu.wait_indirect_dma semaphore(%run_scoped3A : memref<!tpu.dma_semaphore, #tpu.memory_space<semaphore_mem>>) src(%arg5 : memref<80x16xf32, #tpu.memory_space<vmem>>) dst(%dma_wait3A_70 : memref<10240x16xf32, #tpu.memory_space<vmem_shared>>)
        tpu.yield
      }) : () -> ()
    }
    %scan3A_55 = arith.constant 125 : i32
    %barrier3A_56 = arith.constant 0 : index
    tpu.barrier barrier_id(%barrier3A_56)
    %mul3A_57 = arith.constant 640 : i32
    %mul3A_58 = arith.muli %arg1, %mul3A_57 : i32
    %mul3A_59 = arith.constant 640 : i32
    %mul3A_60 = arith.muli %arg1, %mul3A_59 : i32
    "tpu.region"() ({
      %run_scoped3A = tpu.sem_alloc : memref<!tpu.dma_semaphore, #tpu.memory_space<semaphore_mem>>
      %dma_start3A = arith.constant 0 : i32
      %dma_start3A_61 = tpu.memref_slice %arg3[%arg0, %mul3A_60, %dma_start3A] : memref<2x10240x16xf32, #tpu.memory_space<hbm>> -> memref<1x640x16xf32, #tpu.memory_space<hbm>>
      %dma_start3A_62 = tpu.memref_squeeze %dma_start3A_61 : memref<1x640x16xf32, #tpu.memory_space<hbm>> -> memref<640x16xf32, #tpu.memory_space<hbm>>
      %dma_start3A_63 = arith.constant 0 : i32
      %dma_start3A_64 = tpu.memref_slice %arg6[%mul3A_58, %dma_start3A_63] : memref<10240x16xf32, #tpu.memory_space<vmem_shared>> -> memref<640x16xf32, #tpu.memory_space<vmem_shared>>
      tpu.enqueue_dma source(%dma_start3A_64 : memref<640x16xf32, #tpu.memory_space<vmem_shared>>) target(%dma_start3A_62 : memref<640x16xf32, #tpu.memory_space<hbm>>) target_semaphore(%run_scoped3A : memref<!tpu.dma_semaphore, #tpu.memory_space<semaphore_mem>>)
      %dma_wait3A = arith.constant 0 : i32
      %dma_wait3A_65 = tpu.memref_slice %arg3[%arg0, %mul3A_60, %dma_wait3A] : memref<2x10240x16xf32, #tpu.memory_space<hbm>> -> memref<1x640x16xf32, #tpu.memory_space<hbm>>
      %dma_wait3A_66 = tpu.memref_squeeze %dma_wait3A_65 : memref<1x640x16xf32, #tpu.memory_space<hbm>> -> memref<640x16xf32, #tpu.memory_space<hbm>>
      %dma_wait3A_67 = arith.constant 0 : i32
      %dma_wait3A_68 = tpu.memref_slice %arg6[%mul3A_58, %dma_wait3A_67] : memref<10240x16xf32, #tpu.memory_space<vmem_shared>> -> memref<640x16xf32, #tpu.memory_space<vmem_shared>>
      tpu.wait_dma2 semaphore(%run_scoped3A : memref<!tpu.dma_semaphore, #tpu.memory_space<semaphore_mem>>) src(%dma_wait3A_68 : memref<640x16xf32, #tpu.memory_space<vmem_shared>>) dst(%dma_wait3A_66 : memref<640x16xf32, #tpu.memory_space<hbm>>)
      tpu.yield
    }) : () -> ()
    return
  }
}

#map = affine_map<(d0, d1) -> (0)>
#map1 = affine_map<(d0, d1) -> (0, 0)>
#map2 = affine_map<(d0, d1) -> (0, 0, 0)>
module attributes {stable_mosaic.version = 14 : i64} {
  func.func @_sc_ea_body(%arg0: i32, %arg1: i32, %arg2: memref<320000xi32, #tpu.memory_space<hbm>>, %arg3: memref<320000xi32, #tpu.memory_space<hbm>>, %arg4: memref<10240x128xf32, #tpu.memory_space<hbm>>, %arg5: memref<320000x16xf32, #tpu.memory_space<hbm>>, %arg6: memref<2x10240x16xf32, #tpu.memory_space<hbm>>, %arg7: memref<80xi32, #tpu.memory_space<vmem>>, %arg8: memref<80xi32, #tpu.memory_space<vmem>>, %arg9: memref<80x128xf32, #tpu.memory_space<vmem>>, %arg10: memref<80x16xf32, #tpu.memory_space<vmem>>, %arg11: memref<80x16xf32, #tpu.memory_space<vmem>>, %arg12: memref<10240x16xf32, #tpu.memory_space<vmem_shared>>, %arg13: memref<!tpu.dma_semaphore, #tpu.memory_space<semaphore_mem>>) attributes {dimension_semantics = [#tpu.dimension_semantics<core_parallel>, #tpu.dimension_semantics<subcore_parallel>], iteration_bounds = array<i64: 2, 16>, scalar_prefetch = 0 : i64, scratch_operands = 7 : i64, tpu.core_type = #tpu.core_type<sc_vector_subcore>, window_params = [{transform_indices = #map}, {transform_indices = #map}, {transform_indices = #map1}, {transform_indices = #map1}, {transform_indices = #map2}]} {
    %mul3A = arith.constant 16 : i32
    %mul3A_0 = arith.muli %arg0, %mul3A : i32
    %add3A = arith.addi %mul3A_0, %arg1 : i32
    %broadcast_in_dim3A = arith.constant 0.000000e+00 : f32
    %broadcast_in_dim3A_1 = vector.broadcast %broadcast_in_dim3A : f32 to vector<16xf32>
    %scan3A = arith.constant 0 : i32
    %scan3A_2 = arith.constant 0 : i32
    %scan3A_3 = arith.constant 80 : i32
    %scan3A_4 = arith.addi %scan3A_2, %scan3A_3 : i32
    %scan3A_5 = arith.constant 1 : i32
    scf.for %scan3A_50 = %scan3A_2 to %scan3A_4 step %scan3A_5  : i32 {
      %swap3A = arith.index_cast %scan3A_50 : i32 to index
      %swap3A_51 = arith.constant 0 : index
      %swap3A_52 = tpu.vector_load %arg11[%swap3A, %swap3A_51] {strides = array<i32>} : memref<80x16xf32, #tpu.memory_space<vmem>>, vector<1x16xf32>,
      %swap3A_53 = vector.shape_cast %swap3A_52 : vector<1x16xf32> to vector<16xf32>
      %swap3A_54 = vector.shape_cast %broadcast_in_dim3A_1 : vector<16xf32> to vector<1x16xf32>
      tpu.vector_store %arg11[%swap3A, %swap3A_51], %swap3A_54 {strides = array<i32>} : memref<80x16xf32, #tpu.memory_space<vmem>>, vector<1x16xf32>,
    }
    %scan3A_6 = arith.constant 80 : i32
    %mul3A_7 = arith.constant 640 : i32
    %mul3A_8 = arith.muli %arg1, %mul3A_7 : i32
    %add3A_9 = arith.constant 0 : i32
    %add3A_10 = arith.addi %mul3A_8, %add3A_9 : i32
    "tpu.region"() ({
      %run_scoped3A = tpu.sem_alloc : memref<!tpu.dma_semaphore, #tpu.memory_space<semaphore_mem>>
      %dma_start3A = arith.constant 0 : i32
      %dma_start3A_50 = tpu.memref_slice %arg12[%add3A_10, %dma_start3A] : memref<10240x16xf32, #tpu.memory_space<vmem_shared>> -> memref<80x16xf32, #tpu.memory_space<vmem_shared>>
      %dma_start3A_51 = arith.constant 0 : i32
      %dma_start3A_52 = tpu.memref_slice %arg12[%add3A_10, %dma_start3A_51] : memref<10240x16xf32, #tpu.memory_space<vmem_shared>> -> memref<80x16xf32, #tpu.memory_space<vmem_shared>>
      tpu.enqueue_dma source(%arg11 : memref<80x16xf32, #tpu.memory_space<vmem>>) target(%dma_start3A_52 : memref<80x16xf32, #tpu.memory_space<vmem_shared>>) target_semaphore(%run_scoped3A : memref<!tpu.dma_semaphore, #tpu.memory_space<semaphore_mem>>)
      %dma_wait3A = arith.constant 0 : i32
      %dma_wait3A_53 = tpu.memref_slice %arg12[%add3A_10, %dma_wait3A] : memref<10240x16xf32, #tpu.memory_space<vmem_shared>> -> memref<80x16xf32, #tpu.memory_space<vmem_shared>>
      %dma_wait3A_54 = arith.constant 0 : i32
      %dma_wait3A_55 = tpu.memref_slice %arg12[%add3A_10, %dma_wait3A_54] : memref<10240x16xf32, #tpu.memory_space<vmem_shared>> -> memref<80x16xf32, #tpu.memory_space<vmem_shared>>
      tpu.wait_dma2 semaphore(%run_scoped3A : memref<!tpu.dma_semaphore, #tpu.memory_space<semaphore_mem>>) src(%arg11 : memref<80x16xf32, #tpu.memory_space<vmem>>) dst(%dma_wait3A_55 : memref<80x16xf32, #tpu.memory_space<vmem_shared>>)
      tpu.yield
    }) : () -> ()
    %mul3A_11 = arith.constant 640 : i32
    %mul3A_12 = arith.muli %arg1, %mul3A_11 : i32
    %add3A_13 = arith.constant 80 : i32
    %add3A_14 = arith.addi %mul3A_12, %add3A_13 : i32
    "tpu.region"() ({
      %run_scoped3A = tpu.sem_alloc : memref<!tpu.dma_semaphore, #tpu.memory_space<semaphore_mem>>
      %dma_start3A = arith.constant 0 : i32
      %dma_start3A_50 = tpu.memref_slice %arg12[%add3A_14, %dma_start3A] : memref<10240x16xf32, #tpu.memory_space<vmem_shared>> -> memref<80x16xf32, #tpu.memory_space<vmem_shared>>
      %dma_start3A_51 = arith.constant 0 : i32
      %dma_start3A_52 = tpu.memref_slice %arg12[%add3A_14, %dma_start3A_51] : memref<10240x16xf32, #tpu.memory_space<vmem_shared>> -> memref<80x16xf32, #tpu.memory_space<vmem_shared>>
      tpu.enqueue_dma source(%arg11 : memref<80x16xf32, #tpu.memory_space<vmem>>) target(%dma_start3A_52 : memref<80x16xf32, #tpu.memory_space<vmem_shared>>) target_semaphore(%run_scoped3A : memref<!tpu.dma_semaphore, #tpu.memory_space<semaphore_mem>>)
      %dma_wait3A = arith.constant 0 : i32
      %dma_wait3A_53 = tpu.memref_slice %arg12[%add3A_14, %dma_wait3A] : memref<10240x16xf32, #tpu.memory_space<vmem_shared>> -> memref<80x16xf32, #tpu.memory_space<vmem_shared>>
      %dma_wait3A_54 = arith.constant 0 : i32
      %dma_wait3A_55 = tpu.memref_slice %arg12[%add3A_14, %dma_wait3A_54] : memref<10240x16xf32, #tpu.memory_space<vmem_shared>> -> memref<80x16xf32, #tpu.memory_space<vmem_shared>>
      tpu.wait_dma2 semaphore(%run_scoped3A : memref<!tpu.dma_semaphore, #tpu.memory_space<semaphore_mem>>) src(%arg11 : memref<80x16xf32, #tpu.memory_space<vmem>>) dst(%dma_wait3A_55 : memref<80x16xf32, #tpu.memory_space<vmem_shared>>)
      tpu.yield
    }) : () -> ()
    %mul3A_15 = arith.constant 640 : i32
    %mul3A_16 = arith.muli %arg1, %mul3A_15 : i32
    %add3A_17 = arith.constant 160 : i32
    %add3A_18 = arith.addi %mul3A_16, %add3A_17 : i32
    "tpu.region"() ({
      %run_scoped3A = tpu.sem_alloc : memref<!tpu.dma_semaphore, #tpu.memory_space<semaphore_mem>>
      %dma_start3A = arith.constant 0 : i32
      %dma_start3A_50 = tpu.memref_slice %arg12[%add3A_18, %dma_start3A] : memref<10240x16xf32, #tpu.memory_space<vmem_shared>> -> memref<80x16xf32, #tpu.memory_space<vmem_shared>>
      %dma_start3A_51 = arith.constant 0 : i32
      %dma_start3A_52 = tpu.memref_slice %arg12[%add3A_18, %dma_start3A_51] : memref<10240x16xf32, #tpu.memory_space<vmem_shared>> -> memref<80x16xf32, #tpu.memory_space<vmem_shared>>
      tpu.enqueue_dma source(%arg11 : memref<80x16xf32, #tpu.memory_space<vmem>>) target(%dma_start3A_52 : memref<80x16xf32, #tpu.memory_space<vmem_shared>>) target_semaphore(%run_scoped3A : memref<!tpu.dma_semaphore, #tpu.memory_space<semaphore_mem>>)
      %dma_wait3A = arith.constant 0 : i32
      %dma_wait3A_53 = tpu.memref_slice %arg12[%add3A_18, %dma_wait3A] : memref<10240x16xf32, #tpu.memory_space<vmem_shared>> -> memref<80x16xf32, #tpu.memory_space<vmem_shared>>
      %dma_wait3A_54 = arith.constant 0 : i32
      %dma_wait3A_55 = tpu.memref_slice %arg12[%add3A_18, %dma_wait3A_54] : memref<10240x16xf32, #tpu.memory_space<vmem_shared>> -> memref<80x16xf32, #tpu.memory_space<vmem_shared>>
      tpu.wait_dma2 semaphore(%run_scoped3A : memref<!tpu.dma_semaphore, #tpu.memory_space<semaphore_mem>>) src(%arg11 : memref<80x16xf32, #tpu.memory_space<vmem>>) dst(%dma_wait3A_55 : memref<80x16xf32, #tpu.memory_space<vmem_shared>>)
      tpu.yield
    }) : () -> ()
    %mul3A_19 = arith.constant 640 : i32
    %mul3A_20 = arith.muli %arg1, %mul3A_19 : i32
    %add3A_21 = arith.constant 240 : i32
    %add3A_22 = arith.addi %mul3A_20, %add3A_21 : i32
    "tpu.region"() ({
      %run_scoped3A = tpu.sem_alloc : memref<!tpu.dma_semaphore, #tpu.memory_space<semaphore_mem>>
      %dma_start3A = arith.constant 0 : i32
      %dma_start3A_50 = tpu.memref_slice %arg12[%add3A_22, %dma_start3A] : memref<10240x16xf32, #tpu.memory_space<vmem_shared>> -> memref<80x16xf32, #tpu.memory_space<vmem_shared>>
      %dma_start3A_51 = arith.constant 0 : i32
      %dma_start3A_52 = tpu.memref_slice %arg12[%add3A_22, %dma_start3A_51] : memref<10240x16xf32, #tpu.memory_space<vmem_shared>> -> memref<80x16xf32, #tpu.memory_space<vmem_shared>>
      tpu.enqueue_dma source(%arg11 : memref<80x16xf32, #tpu.memory_space<vmem>>) target(%dma_start3A_52 : memref<80x16xf32, #tpu.memory_space<vmem_shared>>) target_semaphore(%run_scoped3A : memref<!tpu.dma_semaphore, #tpu.memory_space<semaphore_mem>>)
      %dma_wait3A = arith.constant 0 : i32
      %dma_wait3A_53 = tpu.memref_slice %arg12[%add3A_22, %dma_wait3A] : memref<10240x16xf32, #tpu.memory_space<vmem_shared>> -> memref<80x16xf32, #tpu.memory_space<vmem_shared>>
      %dma_wait3A_54 = arith.constant 0 : i32
      %dma_wait3A_55 = tpu.memref_slice %arg12[%add3A_22, %dma_wait3A_54] : memref<10240x16xf32, #tpu.memory_space<vmem_shared>> -> memref<80x16xf32, #tpu.memory_space<vmem_shared>>
      tpu.wait_dma2 semaphore(%run_scoped3A : memref<!tpu.dma_semaphore, #tpu.memory_space<semaphore_mem>>) src(%arg11 : memref<80x16xf32, #tpu.memory_space<vmem>>) dst(%dma_wait3A_55 : memref<80x16xf32, #tpu.memory_space<vmem_shared>>)
      tpu.yield
    }) : () -> ()
    %mul3A_23 = arith.constant 640 : i32
    %mul3A_24 = arith.muli %arg1, %mul3A_23 : i32
    %add3A_25 = arith.constant 320 : i32
    %add3A_26 = arith.addi %mul3A_24, %add3A_25 : i32
    "tpu.region"() ({
      %run_scoped3A = tpu.sem_alloc : memref<!tpu.dma_semaphore, #tpu.memory_space<semaphore_mem>>
      %dma_start3A = arith.constant 0 : i32
      %dma_start3A_50 = tpu.memref_slice %arg12[%add3A_26, %dma_start3A] : memref<10240x16xf32, #tpu.memory_space<vmem_shared>> -> memref<80x16xf32, #tpu.memory_space<vmem_shared>>
      %dma_start3A_51 = arith.constant 0 : i32
      %dma_start3A_52 = tpu.memref_slice %arg12[%add3A_26, %dma_start3A_51] : memref<10240x16xf32, #tpu.memory_space<vmem_shared>> -> memref<80x16xf32, #tpu.memory_space<vmem_shared>>
      tpu.enqueue_dma source(%arg11 : memref<80x16xf32, #tpu.memory_space<vmem>>) target(%dma_start3A_52 : memref<80x16xf32, #tpu.memory_space<vmem_shared>>) target_semaphore(%run_scoped3A : memref<!tpu.dma_semaphore, #tpu.memory_space<semaphore_mem>>)
      %dma_wait3A = arith.constant 0 : i32
      %dma_wait3A_53 = tpu.memref_slice %arg12[%add3A_26, %dma_wait3A] : memref<10240x16xf32, #tpu.memory_space<vmem_shared>> -> memref<80x16xf32, #tpu.memory_space<vmem_shared>>
      %dma_wait3A_54 = arith.constant 0 : i32
      %dma_wait3A_55 = tpu.memref_slice %arg12[%add3A_26, %dma_wait3A_54] : memref<10240x16xf32, #tpu.memory_space<vmem_shared>> -> memref<80x16xf32, #tpu.memory_space<vmem_shared>>
      tpu.wait_dma2 semaphore(%run_scoped3A : memref<!tpu.dma_semaphore, #tpu.memory_space<semaphore_mem>>) src(%arg11 : memref<80x16xf32, #tpu.memory_space<vmem>>) dst(%dma_wait3A_55 : memref<80x16xf32, #tpu.memory_space<vmem_shared>>)
      tpu.yield
    }) : () -> ()
    %mul3A_27 = arith.constant 640 : i32
    %mul3A_28 = arith.muli %arg1, %mul3A_27 : i32
    %add3A_29 = arith.constant 400 : i32
    %add3A_30 = arith.addi %mul3A_28, %add3A_29 : i32
    "tpu.region"() ({
      %run_scoped3A = tpu.sem_alloc : memref<!tpu.dma_semaphore, #tpu.memory_space<semaphore_mem>>
      %dma_start3A = arith.constant 0 : i32
      %dma_start3A_50 = tpu.memref_slice %arg12[%add3A_30, %dma_start3A] : memref<10240x16xf32, #tpu.memory_space<vmem_shared>> -> memref<80x16xf32, #tpu.memory_space<vmem_shared>>
      %dma_start3A_51 = arith.constant 0 : i32
      %dma_start3A_52 = tpu.memref_slice %arg12[%add3A_30, %dma_start3A_51] : memref<10240x16xf32, #tpu.memory_space<vmem_shared>> -> memref<80x16xf32, #tpu.memory_space<vmem_shared>>
      tpu.enqueue_dma source(%arg11 : memref<80x16xf32, #tpu.memory_space<vmem>>) target(%dma_start3A_52 : memref<80x16xf32, #tpu.memory_space<vmem_shared>>) target_semaphore(%run_scoped3A : memref<!tpu.dma_semaphore, #tpu.memory_space<semaphore_mem>>)
      %dma_wait3A = arith.constant 0 : i32
      %dma_wait3A_53 = tpu.memref_slice %arg12[%add3A_30, %dma_wait3A] : memref<10240x16xf32, #tpu.memory_space<vmem_shared>> -> memref<80x16xf32, #tpu.memory_space<vmem_shared>>
      %dma_wait3A_54 = arith.constant 0 : i32
      %dma_wait3A_55 = tpu.memref_slice %arg12[%add3A_30, %dma_wait3A_54] : memref<10240x16xf32, #tpu.memory_space<vmem_shared>> -> memref<80x16xf32, #tpu.memory_space<vmem_shared>>
      tpu.wait_dma2 semaphore(%run_scoped3A : memref<!tpu.dma_semaphore, #tpu.memory_space<semaphore_mem>>) src(%arg11 : memref<80x16xf32, #tpu.memory_space<vmem>>) dst(%dma_wait3A_55 : memref<80x16xf32, #tpu.memory_space<vmem_shared>>)
      tpu.yield
    }) : () -> ()
    %mul3A_31 = arith.constant 640 : i32
    %mul3A_32 = arith.muli %arg1, %mul3A_31 : i32
    %add3A_33 = arith.constant 480 : i32
    %add3A_34 = arith.addi %mul3A_32, %add3A_33 : i32
    "tpu.region"() ({
      %run_scoped3A = tpu.sem_alloc : memref<!tpu.dma_semaphore, #tpu.memory_space<semaphore_mem>>
      %dma_start3A = arith.constant 0 : i32
      %dma_start3A_50 = tpu.memref_slice %arg12[%add3A_34, %dma_start3A] : memref<10240x16xf32, #tpu.memory_space<vmem_shared>> -> memref<80x16xf32, #tpu.memory_space<vmem_shared>>
      %dma_start3A_51 = arith.constant 0 : i32
      %dma_start3A_52 = tpu.memref_slice %arg12[%add3A_34, %dma_start3A_51] : memref<10240x16xf32, #tpu.memory_space<vmem_shared>> -> memref<80x16xf32, #tpu.memory_space<vmem_shared>>
      tpu.enqueue_dma source(%arg11 : memref<80x16xf32, #tpu.memory_space<vmem>>) target(%dma_start3A_52 : memref<80x16xf32, #tpu.memory_space<vmem_shared>>) target_semaphore(%run_scoped3A : memref<!tpu.dma_semaphore, #tpu.memory_space<semaphore_mem>>)
      %dma_wait3A = arith.constant 0 : i32
      %dma_wait3A_53 = tpu.memref_slice %arg12[%add3A_34, %dma_wait3A] : memref<10240x16xf32, #tpu.memory_space<vmem_shared>> -> memref<80x16xf32, #tpu.memory_space<vmem_shared>>
      %dma_wait3A_54 = arith.constant 0 : i32
      %dma_wait3A_55 = tpu.memref_slice %arg12[%add3A_34, %dma_wait3A_54] : memref<10240x16xf32, #tpu.memory_space<vmem_shared>> -> memref<80x16xf32, #tpu.memory_space<vmem_shared>>
      tpu.wait_dma2 semaphore(%run_scoped3A : memref<!tpu.dma_semaphore, #tpu.memory_space<semaphore_mem>>) src(%arg11 : memref<80x16xf32, #tpu.memory_space<vmem>>) dst(%dma_wait3A_55 : memref<80x16xf32, #tpu.memory_space<vmem_shared>>)
      tpu.yield
    }) : () -> ()
    %mul3A_35 = arith.constant 640 : i32
    %mul3A_36 = arith.muli %arg1, %mul3A_35 : i32
    %add3A_37 = arith.constant 560 : i32
    %add3A_38 = arith.addi %mul3A_36, %add3A_37 : i32
    "tpu.region"() ({
      %run_scoped3A = tpu.sem_alloc : memref<!tpu.dma_semaphore, #tpu.memory_space<semaphore_mem>>
      %dma_start3A = arith.constant 0 : i32
      %dma_start3A_50 = tpu.memref_slice %arg12[%add3A_38, %dma_start3A] : memref<10240x16xf32, #tpu.memory_space<vmem_shared>> -> memref<80x16xf32, #tpu.memory_space<vmem_shared>>
      %dma_start3A_51 = arith.constant 0 : i32
      %dma_start3A_52 = tpu.memref_slice %arg12[%add3A_38, %dma_start3A_51] : memref<10240x16xf32, #tpu.memory_space<vmem_shared>> -> memref<80x16xf32, #tpu.memory_space<vmem_shared>>
      tpu.enqueue_dma source(%arg11 : memref<80x16xf32, #tpu.memory_space<vmem>>) target(%dma_start3A_52 : memref<80x16xf32, #tpu.memory_space<vmem_shared>>) target_semaphore(%run_scoped3A : memref<!tpu.dma_semaphore, #tpu.memory_space<semaphore_mem>>)
      %dma_wait3A = arith.constant 0 : i32
      %dma_wait3A_53 = tpu.memref_slice %arg12[%add3A_38, %dma_wait3A] : memref<10240x16xf32, #tpu.memory_space<vmem_shared>> -> memref<80x16xf32, #tpu.memory_space<vmem_shared>>
      %dma_wait3A_54 = arith.constant 0 : i32
      %dma_wait3A_55 = tpu.memref_slice %arg12[%add3A_38, %dma_wait3A_54] : memref<10240x16xf32, #tpu.memory_space<vmem_shared>> -> memref<80x16xf32, #tpu.memory_space<vmem_shared>>
      tpu.wait_dma2 semaphore(%run_scoped3A : memref<!tpu.dma_semaphore, #tpu.memory_space<semaphore_mem>>) src(%arg11 : memref<80x16xf32, #tpu.memory_space<vmem>>) dst(%dma_wait3A_55 : memref<80x16xf32, #tpu.memory_space<vmem_shared>>)
      tpu.yield
    }) : () -> ()
    %barrier3A = arith.constant 0 : index
    tpu.barrier barrier_id(%barrier3A)
    %scan3A_39 = arith.constant 0 : i32
    %scan3A_40 = arith.constant 0 : i32
    %scan3A_41 = arith.constant 125 : i32
    %scan3A_42 = arith.addi %scan3A_40, %scan3A_41 : i32
    %scan3A_43 = arith.constant 1 : i32
    scf.for %scan3A_50 = %scan3A_40 to %scan3A_42 step %scan3A_43  : i32 {
      %mul3A_51 = arith.constant 10000 : i32
      %mul3A_52 = arith.muli %add3A, %mul3A_51 : i32
      %mul3A_53 = arith.constant 80 : i32
      %mul3A_54 = arith.muli %scan3A_50, %mul3A_53 : i32
      %add3A_55 = arith.addi %mul3A_52, %mul3A_54 : i32
      "tpu.region"() ({
        %run_scoped3A = tpu.sem_alloc : memref<!tpu.dma_semaphore, #tpu.memory_space<semaphore_mem>>
        %dma_start3A_66 = tpu.memref_slice %arg2[%add3A_55] : memref<320000xi32, #tpu.memory_space<hbm>> -> memref<80xi32, #tpu.memory_space<hbm>>
        %dma_start3A_67 = tpu.memref_slice %arg2[%add3A_55] : memref<320000xi32, #tpu.memory_space<hbm>> -> memref<80xi32, #tpu.memory_space<hbm>>
        tpu.enqueue_dma source(%dma_start3A_67 : memref<80xi32, #tpu.memory_space<hbm>>) target(%arg7 : memref<80xi32, #tpu.memory_space<vmem>>) target_semaphore(%run_scoped3A : memref<!tpu.dma_semaphore, #tpu.memory_space<semaphore_mem>>)
        %dma_wait3A_68 = tpu.memref_slice %arg2[%add3A_55] : memref<320000xi32, #tpu.memory_space<hbm>> -> memref<80xi32, #tpu.memory_space<hbm>>
        %dma_wait3A_69 = tpu.memref_slice %arg2[%add3A_55] : memref<320000xi32, #tpu.memory_space<hbm>> -> memref<80xi32, #tpu.memory_space<hbm>>
        tpu.wait_dma2 semaphore(%run_scoped3A : memref<!tpu.dma_semaphore, #tpu.memory_space<semaphore_mem>>) src(%dma_wait3A_69 : memref<80xi32, #tpu.memory_space<hbm>>) dst(%arg7 : memref<80xi32, #tpu.memory_space<vmem>>)
        tpu.yield
      }) : () -> ()
      "tpu.region"() ({
        %run_scoped3A = tpu.sem_alloc : memref<!tpu.dma_semaphore, #tpu.memory_space<semaphore_mem>>
        %dma_start3A_66 = tpu.memref_slice %arg3[%add3A_55] : memref<320000xi32, #tpu.memory_space<hbm>> -> memref<80xi32, #tpu.memory_space<hbm>>
        %dma_start3A_67 = tpu.memref_slice %arg3[%add3A_55] : memref<320000xi32, #tpu.memory_space<hbm>> -> memref<80xi32, #tpu.memory_space<hbm>>
        tpu.enqueue_dma source(%dma_start3A_67 : memref<80xi32, #tpu.memory_space<hbm>>) target(%arg8 : memref<80xi32, #tpu.memory_space<vmem>>) target_semaphore(%run_scoped3A : memref<!tpu.dma_semaphore, #tpu.memory_space<semaphore_mem>>)
        %dma_wait3A_68 = tpu.memref_slice %arg3[%add3A_55] : memref<320000xi32, #tpu.memory_space<hbm>> -> memref<80xi32, #tpu.memory_space<hbm>>
        %dma_wait3A_69 = tpu.memref_slice %arg3[%add3A_55] : memref<320000xi32, #tpu.memory_space<hbm>> -> memref<80xi32, #tpu.memory_space<hbm>>
        tpu.wait_dma2 semaphore(%run_scoped3A : memref<!tpu.dma_semaphore, #tpu.memory_space<semaphore_mem>>) src(%dma_wait3A_69 : memref<80xi32, #tpu.memory_space<hbm>>) dst(%arg8 : memref<80xi32, #tpu.memory_space<vmem>>)
        tpu.yield
      }) : () -> ()
      %dma_start3A = arith.constant 0 : i32
      %dma_start3A_56 = arith.constant 0 : i32
      %dma_start3A_57 = tpu.memref_slice %arg4[%dma_start3A, %dma_start3A_56] : memref<10240x128xf32, #tpu.memory_space<hbm>> -> memref<10240x128xf32, #tpu.memory_space<hbm>>
      tpu.enqueue_indirect_dma source(%dma_start3A_57 : memref<10240x128xf32, #tpu.memory_space<hbm>>) target(%arg9 : memref<80x128xf32, #tpu.memory_space<vmem>>) offsets(%arg7 : memref<80xi32, #tpu.memory_space<vmem>>) semaphore(%arg13 : memref<!tpu.dma_semaphore, #tpu.memory_space<semaphore_mem>>)
      %dma_wait3A = arith.constant 0 : i32
      %dma_wait3A_58 = arith.constant 0 : i32
      %dma_wait3A_59 = tpu.memref_slice %arg4[%dma_wait3A, %dma_wait3A_58] : memref<10240x128xf32, #tpu.memory_space<hbm>> -> memref<10240x128xf32, #tpu.memory_space<hbm>>
      tpu.wait_indirect_dma semaphore(%arg13 : memref<!tpu.dma_semaphore, #tpu.memory_space<semaphore_mem>>) src(%dma_wait3A_59 : memref<10240x128xf32, #tpu.memory_space<hbm>>) dst(%arg9 : memref<80x128xf32, #tpu.memory_space<vmem>>)
      "tpu.region"() ({
        %run_scoped3A = tpu.sem_alloc : memref<!tpu.dma_semaphore, #tpu.memory_space<semaphore_mem>>
        %dma_start3A_66 = arith.constant 0 : i32
        %dma_start3A_67 = tpu.memref_slice %arg5[%add3A_55, %dma_start3A_66] : memref<320000x16xf32, #tpu.memory_space<hbm>> -> memref<80x16xf32, #tpu.memory_space<hbm>>
        %dma_start3A_68 = arith.constant 0 : i32
        %dma_start3A_69 = tpu.memref_slice %arg5[%add3A_55, %dma_start3A_68] : memref<320000x16xf32, #tpu.memory_space<hbm>> -> memref<80x16xf32, #tpu.memory_space<hbm>>
        tpu.enqueue_dma source(%dma_start3A_69 : memref<80x16xf32, #tpu.memory_space<hbm>>) target(%arg10 : memref<80x16xf32, #tpu.memory_space<vmem>>) target_semaphore(%run_scoped3A : memref<!tpu.dma_semaphore, #tpu.memory_space<semaphore_mem>>)
        %dma_wait3A_70 = arith.constant 0 : i32
        %dma_wait3A_71 = tpu.memref_slice %arg5[%add3A_55, %dma_wait3A_70] : memref<320000x16xf32, #tpu.memory_space<hbm>> -> memref<80x16xf32, #tpu.memory_space<hbm>>
        %dma_wait3A_72 = arith.constant 0 : i32
        %dma_wait3A_73 = tpu.memref_slice %arg5[%add3A_55, %dma_wait3A_72] : memref<320000x16xf32, #tpu.memory_space<hbm>> -> memref<80x16xf32, #tpu.memory_space<hbm>>
        tpu.wait_dma2 semaphore(%run_scoped3A : memref<!tpu.dma_semaphore, #tpu.memory_space<semaphore_mem>>) src(%dma_wait3A_73 : memref<80x16xf32, #tpu.memory_space<hbm>>) dst(%arg10 : memref<80x16xf32, #tpu.memory_space<vmem>>)
        tpu.yield
      }) : () -> ()
      %scan3A_60 = arith.constant 0 : i32
      %scan3A_61 = arith.constant 0 : i32
      %scan3A_62 = arith.constant 80 : i32
      %scan3A_63 = arith.addi %scan3A_61, %scan3A_62 : i32
      %scan3A_64 = arith.constant 1 : i32
      scf.for %scan3A_66 = %scan3A_61 to %scan3A_63 step %scan3A_64  : i32 {
        %get3A = arith.index_cast %scan3A_66 : i32 to index
        %get3A_67 = arith.constant 0 : index
        %get3A_68 = tpu.vector_load %arg9[%get3A, %get3A_67] {strides = array<i32>} : memref<80x128xf32, #tpu.memory_space<vmem>>, vector<1x16xf32>,
        %get3A_69 = vector.shape_cast %get3A_68 : vector<1x16xf32> to vector<16xf32>
        %get3A_70 = arith.index_cast %scan3A_66 : i32 to index
        %get3A_71 = arith.constant 0 : index
        %get3A_72 = tpu.vector_load %arg10[%get3A_70, %get3A_71] {strides = array<i32>} : memref<80x16xf32, #tpu.memory_space<vmem>>, vector<1x16xf32>,
        %get3A_73 = vector.shape_cast %get3A_72 : vector<1x16xf32> to vector<16xf32>
        %mul3A_74 = arith.mulf %get3A_69, %get3A_73 : vector<16xf32>
        %swap3A = arith.index_cast %scan3A_66 : i32 to index
        %swap3A_75 = arith.constant 0 : index
        %swap3A_76 = tpu.vector_load %arg11[%swap3A, %swap3A_75] {strides = array<i32>} : memref<80x16xf32, #tpu.memory_space<vmem>>, vector<1x16xf32>,
        %swap3A_77 = vector.shape_cast %swap3A_76 : vector<1x16xf32> to vector<16xf32>
        %swap3A_78 = vector.shape_cast %mul3A_74 : vector<16xf32> to vector<1x16xf32>
        tpu.vector_store %arg11[%swap3A, %swap3A_75], %swap3A_78 {strides = array<i32>} : memref<80x16xf32, #tpu.memory_space<vmem>>, vector<1x16xf32>,
      }
      %scan3A_65 = arith.constant 80 : i32
      "tpu.region"() ({
        %run_scoped3A = tpu.sem_alloc : memref<!tpu.dma_semaphore, #tpu.memory_space<semaphore_mem>>
        %dma_start3A_66 = arith.constant 0 : i32
        %dma_start3A_67 = arith.constant 0 : i32
        %dma_start3A_68 = tpu.memref_slice %arg12[%dma_start3A_66, %dma_start3A_67] : memref<10240x16xf32, #tpu.memory_space<vmem_shared>> -> memref<10240x16xf32, #tpu.memory_space<vmem_shared>>
        tpu.enqueue_indirect_dma source(%arg11 : memref<80x16xf32, #tpu.memory_space<vmem>>) target(%dma_start3A_68 : memref<10240x16xf32, #tpu.memory_space<vmem_shared>>) offsets(%arg8 : memref<80xi32, #tpu.memory_space<vmem>>) semaphore(%run_scoped3A : memref<!tpu.dma_semaphore, #tpu.memory_space<semaphore_mem>>) {add = true}
        %dma_wait3A_69 = arith.constant 0 : i32
        %dma_wait3A_70 = arith.constant 0 : i32
        %dma_wait3A_71 = tpu.memref_slice %arg12[%dma_wait3A_69, %dma_wait3A_70] : memref<10240x16xf32, #tpu.memory_space<vmem_shared>> -> memref<10240x16xf32, #tpu.memory_space<vmem_shared>>
        tpu.wait_indirect_dma semaphore(%run_scoped3A : memref<!tpu.dma_semaphore, #tpu.memory_space<semaphore_mem>>) src(%arg11 : memref<80x16xf32, #tpu.memory_space<vmem>>) dst(%dma_wait3A_71 : memref<10240x16xf32, #tpu.memory_space<vmem_shared>>)
        tpu.yield
      }) : () -> ()
    }
    %scan3A_44 = arith.constant 125 : i32
    %barrier3A_45 = arith.constant 0 : index
    tpu.barrier barrier_id(%barrier3A_45)
    %mul3A_46 = arith.constant 640 : i32
    %mul3A_47 = arith.muli %arg1, %mul3A_46 : i32
    %mul3A_48 = arith.constant 640 : i32
    %mul3A_49 = arith.muli %arg1, %mul3A_48 : i32
    "tpu.region"() ({
      %run_scoped3A = tpu.sem_alloc : memref<!tpu.dma_semaphore, #tpu.memory_space<semaphore_mem>>
      %dma_start3A = arith.constant 0 : i32
      %dma_start3A_50 = tpu.memref_slice %arg6[%arg0, %mul3A_49, %dma_start3A] : memref<2x10240x16xf32, #tpu.memory_space<hbm>> -> memref<1x640x16xf32, #tpu.memory_space<hbm>>
      %dma_start3A_51 = tpu.memref_squeeze %dma_start3A_50 : memref<1x640x16xf32, #tpu.memory_space<hbm>> -> memref<640x16xf32, #tpu.memory_space<hbm>>
      %dma_start3A_52 = arith.constant 0 : i32
      %dma_start3A_53 = tpu.memref_slice %arg12[%mul3A_47, %dma_start3A_52] : memref<10240x16xf32, #tpu.memory_space<vmem_shared>> -> memref<640x16xf32, #tpu.memory_space<vmem_shared>>
      tpu.enqueue_dma source(%dma_start3A_53 : memref<640x16xf32, #tpu.memory_space<vmem_shared>>) target(%dma_start3A_51 : memref<640x16xf32, #tpu.memory_space<hbm>>) target_semaphore(%run_scoped3A : memref<!tpu.dma_semaphore, #tpu.memory_space<semaphore_mem>>)
      %dma_wait3A = arith.constant 0 : i32
      %dma_wait3A_54 = tpu.memref_slice %arg6[%arg0, %mul3A_49, %dma_wait3A] : memref<2x10240x16xf32, #tpu.memory_space<hbm>> -> memref<1x640x16xf32, #tpu.memory_space<hbm>>
      %dma_wait3A_55 = tpu.memref_squeeze %dma_wait3A_54 : memref<1x640x16xf32, #tpu.memory_space<hbm>> -> memref<640x16xf32, #tpu.memory_space<hbm>>
      %dma_wait3A_56 = arith.constant 0 : i32
      %dma_wait3A_57 = tpu.memref_slice %arg12[%mul3A_47, %dma_wait3A_56] : memref<10240x16xf32, #tpu.memory_space<vmem_shared>> -> memref<640x16xf32, #tpu.memory_space<vmem_shared>>
      tpu.wait_dma2 semaphore(%run_scoped3A : memref<!tpu.dma_semaphore, #tpu.memory_space<semaphore_mem>>) src(%dma_wait3A_57 : memref<640x16xf32, #tpu.memory_space<vmem_shared>>) dst(%dma_wait3A_55 : memref<640x16xf32, #tpu.memory_space<hbm>>)
      tpu.yield
    }) : () -> ()
    return
  }
}

#map = affine_map<(d0, d1) -> (0)>
#map1 = affine_map<(d0, d1) -> (0, 0)>
#map2 = affine_map<(d0, d1) -> (0, 0, 0)>
module attributes {stable_mosaic.version = 14 : i64} {
  func.func @_sc_agg_body(%arg0: i32, %arg1: i32, %arg2: memref<320000xi32, #tpu.memory_space<hbm>>, %arg3: memref<320000xi32, #tpu.memory_space<hbm>>, %arg4: memref<10240x128xf32, #tpu.memory_space<hbm>>, %arg5: memref<2x10240x128xf32, #tpu.memory_space<hbm>>, %arg6: memref<80xi32, #tpu.memory_space<vmem>>, %arg7: memref<80xi32, #tpu.memory_space<vmem>>, %arg8: memref<80x128xf32, #tpu.memory_space<vmem>>, %arg9: memref<10240x128xf32, #tpu.memory_space<vmem_shared>>, %arg10: memref<!tpu.dma_semaphore, #tpu.memory_space<semaphore_mem>>) attributes {dimension_semantics = [#tpu.dimension_semantics<core_parallel>, #tpu.dimension_semantics<subcore_parallel>], iteration_bounds = array<i64: 2, 16>, scalar_prefetch = 0 : i64, scratch_operands = 5 : i64, tpu.core_type = #tpu.core_type<sc_vector_subcore>, window_params = [{transform_indices = #map}, {transform_indices = #map}, {transform_indices = #map1}, {transform_indices = #map2}]} {
    %mul3A = arith.constant 16 : i32
    %mul3A_0 = arith.muli %arg0, %mul3A : i32
    %add3A = arith.addi %mul3A_0, %arg1 : i32
    %broadcast_in_dim3A = arith.constant 0.000000e+00 : f32
    %broadcast_in_dim3A_1 = vector.broadcast %broadcast_in_dim3A : f32 to vector<16xf32>
    %scan3A = arith.constant 0 : i32
    %scan3A_2 = arith.constant 0 : i32
    %scan3A_3 = arith.constant 80 : i32
    %scan3A_4 = arith.addi %scan3A_2, %scan3A_3 : i32
    %scan3A_5 = arith.constant 1 : i32
    scf.for %scan3A_50 = %scan3A_2 to %scan3A_4 step %scan3A_5  : i32 {
      %swap3A = arith.index_cast %scan3A_50 : i32 to index
      %swap3A_51 = arith.constant 0 : index
      %swap3A_52 = tpu.vector_load %arg8[%swap3A, %swap3A_51] {strides = array<i32>} : memref<80x128xf32, #tpu.memory_space<vmem>>, vector<1x16xf32>,
      %swap3A_53 = vector.shape_cast %swap3A_52 : vector<1x16xf32> to vector<16xf32>
      %swap3A_54 = vector.shape_cast %broadcast_in_dim3A_1 : vector<16xf32> to vector<1x16xf32>
      tpu.vector_store %arg8[%swap3A, %swap3A_51], %swap3A_54 {strides = array<i32>} : memref<80x128xf32, #tpu.memory_space<vmem>>, vector<1x16xf32>,
      %swap3A_55 = arith.index_cast %scan3A_50 : i32 to index
      %swap3A_56 = arith.constant 16 : index
      %swap3A_57 = tpu.vector_load %arg8[%swap3A_55, %swap3A_56] {strides = array<i32>} : memref<80x128xf32, #tpu.memory_space<vmem>>, vector<1x16xf32>,
      %swap3A_58 = vector.shape_cast %swap3A_57 : vector<1x16xf32> to vector<16xf32>
      %swap3A_59 = vector.shape_cast %broadcast_in_dim3A_1 : vector<16xf32> to vector<1x16xf32>
      tpu.vector_store %arg8[%swap3A_55, %swap3A_56], %swap3A_59 {strides = array<i32>} : memref<80x128xf32, #tpu.memory_space<vmem>>, vector<1x16xf32>,
      %swap3A_60 = arith.index_cast %scan3A_50 : i32 to index
      %swap3A_61 = arith.constant 32 : index
      %swap3A_62 = tpu.vector_load %arg8[%swap3A_60, %swap3A_61] {strides = array<i32>} : memref<80x128xf32, #tpu.memory_space<vmem>>, vector<1x16xf32>,
      %swap3A_63 = vector.shape_cast %swap3A_62 : vector<1x16xf32> to vector<16xf32>
      %swap3A_64 = vector.shape_cast %broadcast_in_dim3A_1 : vector<16xf32> to vector<1x16xf32>
      tpu.vector_store %arg8[%swap3A_60, %swap3A_61], %swap3A_64 {strides = array<i32>} : memref<80x128xf32, #tpu.memory_space<vmem>>, vector<1x16xf32>,
      %swap3A_65 = arith.index_cast %scan3A_50 : i32 to index
      %swap3A_66 = arith.constant 48 : index
      %swap3A_67 = tpu.vector_load %arg8[%swap3A_65, %swap3A_66] {strides = array<i32>} : memref<80x128xf32, #tpu.memory_space<vmem>>, vector<1x16xf32>,
      %swap3A_68 = vector.shape_cast %swap3A_67 : vector<1x16xf32> to vector<16xf32>
      %swap3A_69 = vector.shape_cast %broadcast_in_dim3A_1 : vector<16xf32> to vector<1x16xf32>
      tpu.vector_store %arg8[%swap3A_65, %swap3A_66], %swap3A_69 {strides = array<i32>} : memref<80x128xf32, #tpu.memory_space<vmem>>, vector<1x16xf32>,
      %swap3A_70 = arith.index_cast %scan3A_50 : i32 to index
      %swap3A_71 = arith.constant 64 : index
      %swap3A_72 = tpu.vector_load %arg8[%swap3A_70, %swap3A_71] {strides = array<i32>} : memref<80x128xf32, #tpu.memory_space<vmem>>, vector<1x16xf32>,
      %swap3A_73 = vector.shape_cast %swap3A_72 : vector<1x16xf32> to vector<16xf32>
      %swap3A_74 = vector.shape_cast %broadcast_in_dim3A_1 : vector<16xf32> to vector<1x16xf32>
      tpu.vector_store %arg8[%swap3A_70, %swap3A_71], %swap3A_74 {strides = array<i32>} : memref<80x128xf32, #tpu.memory_space<vmem>>, vector<1x16xf32>,
      %swap3A_75 = arith.index_cast %scan3A_50 : i32 to index
      %swap3A_76 = arith.constant 80 : index
      %swap3A_77 = tpu.vector_load %arg8[%swap3A_75, %swap3A_76] {strides = array<i32>} : memref<80x128xf32, #tpu.memory_space<vmem>>, vector<1x16xf32>,
      %swap3A_78 = vector.shape_cast %swap3A_77 : vector<1x16xf32> to vector<16xf32>
      %swap3A_79 = vector.shape_cast %broadcast_in_dim3A_1 : vector<16xf32> to vector<1x16xf32>
      tpu.vector_store %arg8[%swap3A_75, %swap3A_76], %swap3A_79 {strides = array<i32>} : memref<80x128xf32, #tpu.memory_space<vmem>>, vector<1x16xf32>,
      %swap3A_80 = arith.index_cast %scan3A_50 : i32 to index
      %swap3A_81 = arith.constant 96 : index
      %swap3A_82 = tpu.vector_load %arg8[%swap3A_80, %swap3A_81] {strides = array<i32>} : memref<80x128xf32, #tpu.memory_space<vmem>>, vector<1x16xf32>,
      %swap3A_83 = vector.shape_cast %swap3A_82 : vector<1x16xf32> to vector<16xf32>
      %swap3A_84 = vector.shape_cast %broadcast_in_dim3A_1 : vector<16xf32> to vector<1x16xf32>
      tpu.vector_store %arg8[%swap3A_80, %swap3A_81], %swap3A_84 {strides = array<i32>} : memref<80x128xf32, #tpu.memory_space<vmem>>, vector<1x16xf32>,
      %swap3A_85 = arith.index_cast %scan3A_50 : i32 to index
      %swap3A_86 = arith.constant 112 : index
      %swap3A_87 = tpu.vector_load %arg8[%swap3A_85, %swap3A_86] {strides = array<i32>} : memref<80x128xf32, #tpu.memory_space<vmem>>, vector<1x16xf32>,
      %swap3A_88 = vector.shape_cast %swap3A_87 : vector<1x16xf32> to vector<16xf32>
      %swap3A_89 = vector.shape_cast %broadcast_in_dim3A_1 : vector<16xf32> to vector<1x16xf32>
      tpu.vector_store %arg8[%swap3A_85, %swap3A_86], %swap3A_89 {strides = array<i32>} : memref<80x128xf32, #tpu.memory_space<vmem>>, vector<1x16xf32>,
    }
    %scan3A_6 = arith.constant 80 : i32
    %mul3A_7 = arith.constant 640 : i32
    %mul3A_8 = arith.muli %arg1, %mul3A_7 : i32
    %add3A_9 = arith.constant 0 : i32
    %add3A_10 = arith.addi %mul3A_8, %add3A_9 : i32
    "tpu.region"() ({
      %run_scoped3A = tpu.sem_alloc : memref<!tpu.dma_semaphore, #tpu.memory_space<semaphore_mem>>
      %dma_start3A = arith.constant 0 : i32
      %dma_start3A_50 = tpu.memref_slice %arg9[%add3A_10, %dma_start3A] : memref<10240x128xf32, #tpu.memory_space<vmem_shared>> -> memref<80x128xf32, #tpu.memory_space<vmem_shared>>
      %dma_start3A_51 = arith.constant 0 : i32
      %dma_start3A_52 = tpu.memref_slice %arg9[%add3A_10, %dma_start3A_51] : memref<10240x128xf32, #tpu.memory_space<vmem_shared>> -> memref<80x128xf32, #tpu.memory_space<vmem_shared>>
      tpu.enqueue_dma source(%arg8 : memref<80x128xf32, #tpu.memory_space<vmem>>) target(%dma_start3A_52 : memref<80x128xf32, #tpu.memory_space<vmem_shared>>) target_semaphore(%run_scoped3A : memref<!tpu.dma_semaphore, #tpu.memory_space<semaphore_mem>>)
      %dma_wait3A = arith.constant 0 : i32
      %dma_wait3A_53 = tpu.memref_slice %arg9[%add3A_10, %dma_wait3A] : memref<10240x128xf32, #tpu.memory_space<vmem_shared>> -> memref<80x128xf32, #tpu.memory_space<vmem_shared>>
      %dma_wait3A_54 = arith.constant 0 : i32
      %dma_wait3A_55 = tpu.memref_slice %arg9[%add3A_10, %dma_wait3A_54] : memref<10240x128xf32, #tpu.memory_space<vmem_shared>> -> memref<80x128xf32, #tpu.memory_space<vmem_shared>>
      tpu.wait_dma2 semaphore(%run_scoped3A : memref<!tpu.dma_semaphore, #tpu.memory_space<semaphore_mem>>) src(%arg8 : memref<80x128xf32, #tpu.memory_space<vmem>>) dst(%dma_wait3A_55 : memref<80x128xf32, #tpu.memory_space<vmem_shared>>)
      tpu.yield
    }) : () -> ()
    %mul3A_11 = arith.constant 640 : i32
    %mul3A_12 = arith.muli %arg1, %mul3A_11 : i32
    %add3A_13 = arith.constant 80 : i32
    %add3A_14 = arith.addi %mul3A_12, %add3A_13 : i32
    "tpu.region"() ({
      %run_scoped3A = tpu.sem_alloc : memref<!tpu.dma_semaphore, #tpu.memory_space<semaphore_mem>>
      %dma_start3A = arith.constant 0 : i32
      %dma_start3A_50 = tpu.memref_slice %arg9[%add3A_14, %dma_start3A] : memref<10240x128xf32, #tpu.memory_space<vmem_shared>> -> memref<80x128xf32, #tpu.memory_space<vmem_shared>>
      %dma_start3A_51 = arith.constant 0 : i32
      %dma_start3A_52 = tpu.memref_slice %arg9[%add3A_14, %dma_start3A_51] : memref<10240x128xf32, #tpu.memory_space<vmem_shared>> -> memref<80x128xf32, #tpu.memory_space<vmem_shared>>
      tpu.enqueue_dma source(%arg8 : memref<80x128xf32, #tpu.memory_space<vmem>>) target(%dma_start3A_52 : memref<80x128xf32, #tpu.memory_space<vmem_shared>>) target_semaphore(%run_scoped3A : memref<!tpu.dma_semaphore, #tpu.memory_space<semaphore_mem>>)
      %dma_wait3A = arith.constant 0 : i32
      %dma_wait3A_53 = tpu.memref_slice %arg9[%add3A_14, %dma_wait3A] : memref<10240x128xf32, #tpu.memory_space<vmem_shared>> -> memref<80x128xf32, #tpu.memory_space<vmem_shared>>
      %dma_wait3A_54 = arith.constant 0 : i32
      %dma_wait3A_55 = tpu.memref_slice %arg9[%add3A_14, %dma_wait3A_54] : memref<10240x128xf32, #tpu.memory_space<vmem_shared>> -> memref<80x128xf32, #tpu.memory_space<vmem_shared>>
      tpu.wait_dma2 semaphore(%run_scoped3A : memref<!tpu.dma_semaphore, #tpu.memory_space<semaphore_mem>>) src(%arg8 : memref<80x128xf32, #tpu.memory_space<vmem>>) dst(%dma_wait3A_55 : memref<80x128xf32, #tpu.memory_space<vmem_shared>>)
      tpu.yield
    }) : () -> ()
    %mul3A_15 = arith.constant 640 : i32
    %mul3A_16 = arith.muli %arg1, %mul3A_15 : i32
    %add3A_17 = arith.constant 160 : i32
    %add3A_18 = arith.addi %mul3A_16, %add3A_17 : i32
    "tpu.region"() ({
      %run_scoped3A = tpu.sem_alloc : memref<!tpu.dma_semaphore, #tpu.memory_space<semaphore_mem>>
      %dma_start3A = arith.constant 0 : i32
      %dma_start3A_50 = tpu.memref_slice %arg9[%add3A_18, %dma_start3A] : memref<10240x128xf32, #tpu.memory_space<vmem_shared>> -> memref<80x128xf32, #tpu.memory_space<vmem_shared>>
      %dma_start3A_51 = arith.constant 0 : i32
      %dma_start3A_52 = tpu.memref_slice %arg9[%add3A_18, %dma_start3A_51] : memref<10240x128xf32, #tpu.memory_space<vmem_shared>> -> memref<80x128xf32, #tpu.memory_space<vmem_shared>>
      tpu.enqueue_dma source(%arg8 : memref<80x128xf32, #tpu.memory_space<vmem>>) target(%dma_start3A_52 : memref<80x128xf32, #tpu.memory_space<vmem_shared>>) target_semaphore(%run_scoped3A : memref<!tpu.dma_semaphore, #tpu.memory_space<semaphore_mem>>)
      %dma_wait3A = arith.constant 0 : i32
      %dma_wait3A_53 = tpu.memref_slice %arg9[%add3A_18, %dma_wait3A] : memref<10240x128xf32, #tpu.memory_space<vmem_shared>> -> memref<80x128xf32, #tpu.memory_space<vmem_shared>>
      %dma_wait3A_54 = arith.constant 0 : i32
      %dma_wait3A_55 = tpu.memref_slice %arg9[%add3A_18, %dma_wait3A_54] : memref<10240x128xf32, #tpu.memory_space<vmem_shared>> -> memref<80x128xf32, #tpu.memory_space<vmem_shared>>
      tpu.wait_dma2 semaphore(%run_scoped3A : memref<!tpu.dma_semaphore, #tpu.memory_space<semaphore_mem>>) src(%arg8 : memref<80x128xf32, #tpu.memory_space<vmem>>) dst(%dma_wait3A_55 : memref<80x128xf32, #tpu.memory_space<vmem_shared>>)
      tpu.yield
    }) : () -> ()
    %mul3A_19 = arith.constant 640 : i32
    %mul3A_20 = arith.muli %arg1, %mul3A_19 : i32
    %add3A_21 = arith.constant 240 : i32
    %add3A_22 = arith.addi %mul3A_20, %add3A_21 : i32
    "tpu.region"() ({
      %run_scoped3A = tpu.sem_alloc : memref<!tpu.dma_semaphore, #tpu.memory_space<semaphore_mem>>
      %dma_start3A = arith.constant 0 : i32
      %dma_start3A_50 = tpu.memref_slice %arg9[%add3A_22, %dma_start3A] : memref<10240x128xf32, #tpu.memory_space<vmem_shared>> -> memref<80x128xf32, #tpu.memory_space<vmem_shared>>
      %dma_start3A_51 = arith.constant 0 : i32
      %dma_start3A_52 = tpu.memref_slice %arg9[%add3A_22, %dma_start3A_51] : memref<10240x128xf32, #tpu.memory_space<vmem_shared>> -> memref<80x128xf32, #tpu.memory_space<vmem_shared>>
      tpu.enqueue_dma source(%arg8 : memref<80x128xf32, #tpu.memory_space<vmem>>) target(%dma_start3A_52 : memref<80x128xf32, #tpu.memory_space<vmem_shared>>) target_semaphore(%run_scoped3A : memref<!tpu.dma_semaphore, #tpu.memory_space<semaphore_mem>>)
      %dma_wait3A = arith.constant 0 : i32
      %dma_wait3A_53 = tpu.memref_slice %arg9[%add3A_22, %dma_wait3A] : memref<10240x128xf32, #tpu.memory_space<vmem_shared>> -> memref<80x128xf32, #tpu.memory_space<vmem_shared>>
      %dma_wait3A_54 = arith.constant 0 : i32
      %dma_wait3A_55 = tpu.memref_slice %arg9[%add3A_22, %dma_wait3A_54] : memref<10240x128xf32, #tpu.memory_space<vmem_shared>> -> memref<80x128xf32, #tpu.memory_space<vmem_shared>>
      tpu.wait_dma2 semaphore(%run_scoped3A : memref<!tpu.dma_semaphore, #tpu.memory_space<semaphore_mem>>) src(%arg8 : memref<80x128xf32, #tpu.memory_space<vmem>>) dst(%dma_wait3A_55 : memref<80x128xf32, #tpu.memory_space<vmem_shared>>)
      tpu.yield
    }) : () -> ()
    %mul3A_23 = arith.constant 640 : i32
    %mul3A_24 = arith.muli %arg1, %mul3A_23 : i32
    %add3A_25 = arith.constant 320 : i32
    %add3A_26 = arith.addi %mul3A_24, %add3A_25 : i32
    "tpu.region"() ({
      %run_scoped3A = tpu.sem_alloc : memref<!tpu.dma_semaphore, #tpu.memory_space<semaphore_mem>>
      %dma_start3A = arith.constant 0 : i32
      %dma_start3A_50 = tpu.memref_slice %arg9[%add3A_26, %dma_start3A] : memref<10240x128xf32, #tpu.memory_space<vmem_shared>> -> memref<80x128xf32, #tpu.memory_space<vmem_shared>>
      %dma_start3A_51 = arith.constant 0 : i32
      %dma_start3A_52 = tpu.memref_slice %arg9[%add3A_26, %dma_start3A_51] : memref<10240x128xf32, #tpu.memory_space<vmem_shared>> -> memref<80x128xf32, #tpu.memory_space<vmem_shared>>
      tpu.enqueue_dma source(%arg8 : memref<80x128xf32, #tpu.memory_space<vmem>>) target(%dma_start3A_52 : memref<80x128xf32, #tpu.memory_space<vmem_shared>>) target_semaphore(%run_scoped3A : memref<!tpu.dma_semaphore, #tpu.memory_space<semaphore_mem>>)
      %dma_wait3A = arith.constant 0 : i32
      %dma_wait3A_53 = tpu.memref_slice %arg9[%add3A_26, %dma_wait3A] : memref<10240x128xf32, #tpu.memory_space<vmem_shared>> -> memref<80x128xf32, #tpu.memory_space<vmem_shared>>
      %dma_wait3A_54 = arith.constant 0 : i32
      %dma_wait3A_55 = tpu.memref_slice %arg9[%add3A_26, %dma_wait3A_54] : memref<10240x128xf32, #tpu.memory_space<vmem_shared>> -> memref<80x128xf32, #tpu.memory_space<vmem_shared>>
      tpu.wait_dma2 semaphore(%run_scoped3A : memref<!tpu.dma_semaphore, #tpu.memory_space<semaphore_mem>>) src(%arg8 : memref<80x128xf32, #tpu.memory_space<vmem>>) dst(%dma_wait3A_55 : memref<80x128xf32, #tpu.memory_space<vmem_shared>>)
      tpu.yield
    }) : () -> ()
    %mul3A_27 = arith.constant 640 : i32
    %mul3A_28 = arith.muli %arg1, %mul3A_27 : i32
    %add3A_29 = arith.constant 400 : i32
    %add3A_30 = arith.addi %mul3A_28, %add3A_29 : i32
    "tpu.region"() ({
      %run_scoped3A = tpu.sem_alloc : memref<!tpu.dma_semaphore, #tpu.memory_space<semaphore_mem>>
      %dma_start3A = arith.constant 0 : i32
      %dma_start3A_50 = tpu.memref_slice %arg9[%add3A_30, %dma_start3A] : memref<10240x128xf32, #tpu.memory_space<vmem_shared>> -> memref<80x128xf32, #tpu.memory_space<vmem_shared>>
      %dma_start3A_51 = arith.constant 0 : i32
      %dma_start3A_52 = tpu.memref_slice %arg9[%add3A_30, %dma_start3A_51] : memref<10240x128xf32, #tpu.memory_space<vmem_shared>> -> memref<80x128xf32, #tpu.memory_space<vmem_shared>>
      tpu.enqueue_dma source(%arg8 : memref<80x128xf32, #tpu.memory_space<vmem>>) target(%dma_start3A_52 : memref<80x128xf32, #tpu.memory_space<vmem_shared>>) target_semaphore(%run_scoped3A : memref<!tpu.dma_semaphore, #tpu.memory_space<semaphore_mem>>)
      %dma_wait3A = arith.constant 0 : i32
      %dma_wait3A_53 = tpu.memref_slice %arg9[%add3A_30, %dma_wait3A] : memref<10240x128xf32, #tpu.memory_space<vmem_shared>> -> memref<80x128xf32, #tpu.memory_space<vmem_shared>>
      %dma_wait3A_54 = arith.constant 0 : i32
      %dma_wait3A_55 = tpu.memref_slice %arg9[%add3A_30, %dma_wait3A_54] : memref<10240x128xf32, #tpu.memory_space<vmem_shared>> -> memref<80x128xf32, #tpu.memory_space<vmem_shared>>
      tpu.wait_dma2 semaphore(%run_scoped3A : memref<!tpu.dma_semaphore, #tpu.memory_space<semaphore_mem>>) src(%arg8 : memref<80x128xf32, #tpu.memory_space<vmem>>) dst(%dma_wait3A_55 : memref<80x128xf32, #tpu.memory_space<vmem_shared>>)
      tpu.yield
    }) : () -> ()
    %mul3A_31 = arith.constant 640 : i32
    %mul3A_32 = arith.muli %arg1, %mul3A_31 : i32
    %add3A_33 = arith.constant 480 : i32
    %add3A_34 = arith.addi %mul3A_32, %add3A_33 : i32
    "tpu.region"() ({
      %run_scoped3A = tpu.sem_alloc : memref<!tpu.dma_semaphore, #tpu.memory_space<semaphore_mem>>
      %dma_start3A = arith.constant 0 : i32
      %dma_start3A_50 = tpu.memref_slice %arg9[%add3A_34, %dma_start3A] : memref<10240x128xf32, #tpu.memory_space<vmem_shared>> -> memref<80x128xf32, #tpu.memory_space<vmem_shared>>
      %dma_start3A_51 = arith.constant 0 : i32
      %dma_start3A_52 = tpu.memref_slice %arg9[%add3A_34, %dma_start3A_51] : memref<10240x128xf32, #tpu.memory_space<vmem_shared>> -> memref<80x128xf32, #tpu.memory_space<vmem_shared>>
      tpu.enqueue_dma source(%arg8 : memref<80x128xf32, #tpu.memory_space<vmem>>) target(%dma_start3A_52 : memref<80x128xf32, #tpu.memory_space<vmem_shared>>) target_semaphore(%run_scoped3A : memref<!tpu.dma_semaphore, #tpu.memory_space<semaphore_mem>>)
      %dma_wait3A = arith.constant 0 : i32
      %dma_wait3A_53 = tpu.memref_slice %arg9[%add3A_34, %dma_wait3A] : memref<10240x128xf32, #tpu.memory_space<vmem_shared>> -> memref<80x128xf32, #tpu.memory_space<vmem_shared>>
      %dma_wait3A_54 = arith.constant 0 : i32
      %dma_wait3A_55 = tpu.memref_slice %arg9[%add3A_34, %dma_wait3A_54] : memref<10240x128xf32, #tpu.memory_space<vmem_shared>> -> memref<80x128xf32, #tpu.memory_space<vmem_shared>>
      tpu.wait_dma2 semaphore(%run_scoped3A : memref<!tpu.dma_semaphore, #tpu.memory_space<semaphore_mem>>) src(%arg8 : memref<80x128xf32, #tpu.memory_space<vmem>>) dst(%dma_wait3A_55 : memref<80x128xf32, #tpu.memory_space<vmem_shared>>)
      tpu.yield
    }) : () -> ()
    %mul3A_35 = arith.constant 640 : i32
    %mul3A_36 = arith.muli %arg1, %mul3A_35 : i32
    %add3A_37 = arith.constant 560 : i32
    %add3A_38 = arith.addi %mul3A_36, %add3A_37 : i32
    "tpu.region"() ({
      %run_scoped3A = tpu.sem_alloc : memref<!tpu.dma_semaphore, #tpu.memory_space<semaphore_mem>>
      %dma_start3A = arith.constant 0 : i32
      %dma_start3A_50 = tpu.memref_slice %arg9[%add3A_38, %dma_start3A] : memref<10240x128xf32, #tpu.memory_space<vmem_shared>> -> memref<80x128xf32, #tpu.memory_space<vmem_shared>>
      %dma_start3A_51 = arith.constant 0 : i32
      %dma_start3A_52 = tpu.memref_slice %arg9[%add3A_38, %dma_start3A_51] : memref<10240x128xf32, #tpu.memory_space<vmem_shared>> -> memref<80x128xf32, #tpu.memory_space<vmem_shared>>
      tpu.enqueue_dma source(%arg8 : memref<80x128xf32, #tpu.memory_space<vmem>>) target(%dma_start3A_52 : memref<80x128xf32, #tpu.memory_space<vmem_shared>>) target_semaphore(%run_scoped3A : memref<!tpu.dma_semaphore, #tpu.memory_space<semaphore_mem>>)
      %dma_wait3A = arith.constant 0 : i32
      %dma_wait3A_53 = tpu.memref_slice %arg9[%add3A_38, %dma_wait3A] : memref<10240x128xf32, #tpu.memory_space<vmem_shared>> -> memref<80x128xf32, #tpu.memory_space<vmem_shared>>
      %dma_wait3A_54 = arith.constant 0 : i32
      %dma_wait3A_55 = tpu.memref_slice %arg9[%add3A_38, %dma_wait3A_54] : memref<10240x128xf32, #tpu.memory_space<vmem_shared>> -> memref<80x128xf32, #tpu.memory_space<vmem_shared>>
      tpu.wait_dma2 semaphore(%run_scoped3A : memref<!tpu.dma_semaphore, #tpu.memory_space<semaphore_mem>>) src(%arg8 : memref<80x128xf32, #tpu.memory_space<vmem>>) dst(%dma_wait3A_55 : memref<80x128xf32, #tpu.memory_space<vmem_shared>>)
      tpu.yield
    }) : () -> ()
    %barrier3A = arith.constant 0 : index
    tpu.barrier barrier_id(%barrier3A)
    %scan3A_39 = arith.constant 0 : i32
    %scan3A_40 = arith.constant 0 : i32
    %scan3A_41 = arith.constant 125 : i32
    %scan3A_42 = arith.addi %scan3A_40, %scan3A_41 : i32
    %scan3A_43 = arith.constant 1 : i32
    scf.for %scan3A_50 = %scan3A_40 to %scan3A_42 step %scan3A_43  : i32 {
      %mul3A_51 = arith.constant 10000 : i32
      %mul3A_52 = arith.muli %add3A, %mul3A_51 : i32
      %mul3A_53 = arith.constant 80 : i32
      %mul3A_54 = arith.muli %scan3A_50, %mul3A_53 : i32
      %add3A_55 = arith.addi %mul3A_52, %mul3A_54 : i32
      "tpu.region"() ({
        %run_scoped3A = tpu.sem_alloc : memref<!tpu.dma_semaphore, #tpu.memory_space<semaphore_mem>>
        %dma_start3A_60 = tpu.memref_slice %arg2[%add3A_55] : memref<320000xi32, #tpu.memory_space<hbm>> -> memref<80xi32, #tpu.memory_space<hbm>>
        %dma_start3A_61 = tpu.memref_slice %arg2[%add3A_55] : memref<320000xi32, #tpu.memory_space<hbm>> -> memref<80xi32, #tpu.memory_space<hbm>>
        tpu.enqueue_dma source(%dma_start3A_61 : memref<80xi32, #tpu.memory_space<hbm>>) target(%arg6 : memref<80xi32, #tpu.memory_space<vmem>>) target_semaphore(%run_scoped3A : memref<!tpu.dma_semaphore, #tpu.memory_space<semaphore_mem>>)
        %dma_wait3A_62 = tpu.memref_slice %arg2[%add3A_55] : memref<320000xi32, #tpu.memory_space<hbm>> -> memref<80xi32, #tpu.memory_space<hbm>>
        %dma_wait3A_63 = tpu.memref_slice %arg2[%add3A_55] : memref<320000xi32, #tpu.memory_space<hbm>> -> memref<80xi32, #tpu.memory_space<hbm>>
        tpu.wait_dma2 semaphore(%run_scoped3A : memref<!tpu.dma_semaphore, #tpu.memory_space<semaphore_mem>>) src(%dma_wait3A_63 : memref<80xi32, #tpu.memory_space<hbm>>) dst(%arg6 : memref<80xi32, #tpu.memory_space<vmem>>)
        tpu.yield
      }) : () -> ()
      "tpu.region"() ({
        %run_scoped3A = tpu.sem_alloc : memref<!tpu.dma_semaphore, #tpu.memory_space<semaphore_mem>>
        %dma_start3A_60 = tpu.memref_slice %arg3[%add3A_55] : memref<320000xi32, #tpu.memory_space<hbm>> -> memref<80xi32, #tpu.memory_space<hbm>>
        %dma_start3A_61 = tpu.memref_slice %arg3[%add3A_55] : memref<320000xi32, #tpu.memory_space<hbm>> -> memref<80xi32, #tpu.memory_space<hbm>>
        tpu.enqueue_dma source(%dma_start3A_61 : memref<80xi32, #tpu.memory_space<hbm>>) target(%arg7 : memref<80xi32, #tpu.memory_space<vmem>>) target_semaphore(%run_scoped3A : memref<!tpu.dma_semaphore, #tpu.memory_space<semaphore_mem>>)
        %dma_wait3A_62 = tpu.memref_slice %arg3[%add3A_55] : memref<320000xi32, #tpu.memory_space<hbm>> -> memref<80xi32, #tpu.memory_space<hbm>>
        %dma_wait3A_63 = tpu.memref_slice %arg3[%add3A_55] : memref<320000xi32, #tpu.memory_space<hbm>> -> memref<80xi32, #tpu.memory_space<hbm>>
        tpu.wait_dma2 semaphore(%run_scoped3A : memref<!tpu.dma_semaphore, #tpu.memory_space<semaphore_mem>>) src(%dma_wait3A_63 : memref<80xi32, #tpu.memory_space<hbm>>) dst(%arg7 : memref<80xi32, #tpu.memory_space<vmem>>)
        tpu.yield
      }) : () -> ()
      %dma_start3A = arith.constant 0 : i32
      %dma_start3A_56 = arith.constant 0 : i32
      %dma_start3A_57 = tpu.memref_slice %arg4[%dma_start3A, %dma_start3A_56] : memref<10240x128xf32, #tpu.memory_space<hbm>> -> memref<10240x128xf32, #tpu.memory_space<hbm>>
      tpu.enqueue_indirect_dma source(%dma_start3A_57 : memref<10240x128xf32, #tpu.memory_space<hbm>>) target(%arg8 : memref<80x128xf32, #tpu.memory_space<vmem>>) offsets(%arg6 : memref<80xi32, #tpu.memory_space<vmem>>) semaphore(%arg10 : memref<!tpu.dma_semaphore, #tpu.memory_space<semaphore_mem>>)
      %dma_wait3A = arith.constant 0 : i32
      %dma_wait3A_58 = arith.constant 0 : i32
      %dma_wait3A_59 = tpu.memref_slice %arg4[%dma_wait3A, %dma_wait3A_58] : memref<10240x128xf32, #tpu.memory_space<hbm>> -> memref<10240x128xf32, #tpu.memory_space<hbm>>
      tpu.wait_indirect_dma semaphore(%arg10 : memref<!tpu.dma_semaphore, #tpu.memory_space<semaphore_mem>>) src(%dma_wait3A_59 : memref<10240x128xf32, #tpu.memory_space<hbm>>) dst(%arg8 : memref<80x128xf32, #tpu.memory_space<vmem>>)
      "tpu.region"() ({
        %run_scoped3A = tpu.sem_alloc : memref<!tpu.dma_semaphore, #tpu.memory_space<semaphore_mem>>
        %dma_start3A_60 = arith.constant 0 : i32
        %dma_start3A_61 = arith.constant 0 : i32
        %dma_start3A_62 = tpu.memref_slice %arg9[%dma_start3A_60, %dma_start3A_61] : memref<10240x128xf32, #tpu.memory_space<vmem_shared>> -> memref<10240x128xf32, #tpu.memory_space<vmem_shared>>
        tpu.enqueue_indirect_dma source(%arg8 : memref<80x128xf32, #tpu.memory_space<vmem>>) target(%dma_start3A_62 : memref<10240x128xf32, #tpu.memory_space<vmem_shared>>) offsets(%arg7 : memref<80xi32, #tpu.memory_space<vmem>>) semaphore(%run_scoped3A : memref<!tpu.dma_semaphore, #tpu.memory_space<semaphore_mem>>) {add = true}
        %dma_wait3A_63 = arith.constant 0 : i32
        %dma_wait3A_64 = arith.constant 0 : i32
        %dma_wait3A_65 = tpu.memref_slice %arg9[%dma_wait3A_63, %dma_wait3A_64] : memref<10240x128xf32, #tpu.memory_space<vmem_shared>> -> memref<10240x128xf32, #tpu.memory_space<vmem_shared>>
        tpu.wait_indirect_dma semaphore(%run_scoped3A : memref<!tpu.dma_semaphore, #tpu.memory_space<semaphore_mem>>) src(%arg8 : memref<80x128xf32, #tpu.memory_space<vmem>>) dst(%dma_wait3A_65 : memref<10240x128xf32, #tpu.memory_space<vmem_shared>>)
        tpu.yield
      }) : () -> ()
    }
    %scan3A_44 = arith.constant 125 : i32
    %barrier3A_45 = arith.constant 0 : index
    tpu.barrier barrier_id(%barrier3A_45)
    %mul3A_46 = arith.constant 640 : i32
    %mul3A_47 = arith.muli %arg1, %mul3A_46 : i32
    %mul3A_48 = arith.constant 640 : i32
    %mul3A_49 = arith.muli %arg1, %mul3A_48 : i32
    "tpu.region"() ({
      %run_scoped3A = tpu.sem_alloc : memref<!tpu.dma_semaphore, #tpu.memory_space<semaphore_mem>>
      %dma_start3A = arith.constant 0 : i32
      %dma_start3A_50 = tpu.memref_slice %arg5[%arg0, %mul3A_49, %dma_start3A] : memref<2x10240x128xf32, #tpu.memory_space<hbm>> -> memref<1x640x128xf32, #tpu.memory_space<hbm>>
      %dma_start3A_51 = tpu.memref_squeeze %dma_start3A_50 : memref<1x640x128xf32, #tpu.memory_space<hbm>> -> memref<640x128xf32, #tpu.memory_space<hbm>>
      %dma_start3A_52 = arith.constant 0 : i32
      %dma_start3A_53 = tpu.memref_slice %arg9[%mul3A_47, %dma_start3A_52] : memref<10240x128xf32, #tpu.memory_space<vmem_shared>> -> memref<640x128xf32, #tpu.memory_space<vmem_shared>>
      tpu.enqueue_dma source(%dma_start3A_53 : memref<640x128xf32, #tpu.memory_space<vmem_shared>>) target(%dma_start3A_51 : memref<640x128xf32, #tpu.memory_space<hbm>>) target_semaphore(%run_scoped3A : memref<!tpu.dma_semaphore, #tpu.memory_space<semaphore_mem>>)
      %dma_wait3A = arith.constant 0 : i32
      %dma_wait3A_54 = tpu.memref_slice %arg5[%arg0, %mul3A_49, %dma_wait3A] : memref<2x10240x128xf32, #tpu.memory_space<hbm>> -> memref<1x640x128xf32, #tpu.memory_space<hbm>>
      %dma_wait3A_55 = tpu.memref_squeeze %dma_wait3A_54 : memref<1x640x128xf32, #tpu.memory_space<hbm>> -> memref<640x128xf32, #tpu.memory_space<hbm>>
      %dma_wait3A_56 = arith.constant 0 : i32
      %dma_wait3A_57 = tpu.memref_slice %arg9[%mul3A_47, %dma_wait3A_56] : memref<10240x128xf32, #tpu.memory_space<vmem_shared>> -> memref<640x128xf32, #tpu.memory_space<vmem_shared>>
      tpu.wait_dma2 semaphore(%run_scoped3A : memref<!tpu.dma_semaphore, #tpu.memory_space<semaphore_mem>>) src(%dma_wait3A_57 : memref<640x128xf32, #tpu.memory_space<vmem_shared>>) dst(%dma_wait3A_55 : memref<640x128xf32, #tpu.memory_space<hbm>>)
      tpu.yield
    }) : () -> ()
    return
  }
}

#map = affine_map<(d0, d1) -> (0)>
#map1 = affine_map<(d0, d1) -> (0, 0)>
#map2 = affine_map<(d0, d1) -> (0, 0, 0)>
module attributes {stable_mosaic.version = 14 : i64} {
  func.func @_sc_agg_body(%arg0: i32, %arg1: i32, %arg2: memref<320000xi32, #tpu.memory_space<hbm>>, %arg3: memref<320000xi32, #tpu.memory_space<hbm>>, %arg4: memref<10240x128xf32, #tpu.memory_space<hbm>>, %arg5: memref<2x10240x128xf32, #tpu.memory_space<hbm>>, %arg6: memref<80xi32, #tpu.memory_space<vmem>>, %arg7: memref<80xi32, #tpu.memory_space<vmem>>, %arg8: memref<80x128xf32, #tpu.memory_space<vmem>>, %arg9: memref<10240x128xf32, #tpu.memory_space<vmem_shared>>, %arg10: memref<!tpu.dma_semaphore, #tpu.memory_space<semaphore_mem>>) attributes {dimension_semantics = [#tpu.dimension_semantics<core_parallel>, #tpu.dimension_semantics<subcore_parallel>], iteration_bounds = array<i64: 2, 16>, scalar_prefetch = 0 : i64, scratch_operands = 5 : i64, tpu.core_type = #tpu.core_type<sc_vector_subcore>, window_params = [{transform_indices = #map}, {transform_indices = #map}, {transform_indices = #map1}, {transform_indices = #map2}]} {
    %mul3A = arith.constant 16 : i32
    %mul3A_0 = arith.muli %arg0, %mul3A : i32
    %add3A = arith.addi %mul3A_0, %arg1 : i32
    %broadcast_in_dim3A = arith.constant 0.000000e+00 : f32
    %broadcast_in_dim3A_1 = vector.broadcast %broadcast_in_dim3A : f32 to vector<16xf32>
    %scan3A = arith.constant 0 : i32
    %scan3A_2 = arith.constant 0 : i32
    %scan3A_3 = arith.constant 80 : i32
    %scan3A_4 = arith.addi %scan3A_2, %scan3A_3 : i32
    %scan3A_5 = arith.constant 1 : i32
    scf.for %scan3A_50 = %scan3A_2 to %scan3A_4 step %scan3A_5  : i32 {
      %swap3A = arith.index_cast %scan3A_50 : i32 to index
      %swap3A_51 = arith.constant 0 : index
      %swap3A_52 = tpu.vector_load %arg8[%swap3A, %swap3A_51] {strides = array<i32>} : memref<80x128xf32, #tpu.memory_space<vmem>>, vector<1x16xf32>,
      %swap3A_53 = vector.shape_cast %swap3A_52 : vector<1x16xf32> to vector<16xf32>
      %swap3A_54 = vector.shape_cast %broadcast_in_dim3A_1 : vector<16xf32> to vector<1x16xf32>
      tpu.vector_store %arg8[%swap3A, %swap3A_51], %swap3A_54 {strides = array<i32>} : memref<80x128xf32, #tpu.memory_space<vmem>>, vector<1x16xf32>,
      %swap3A_55 = arith.index_cast %scan3A_50 : i32 to index
      %swap3A_56 = arith.constant 16 : index
      %swap3A_57 = tpu.vector_load %arg8[%swap3A_55, %swap3A_56] {strides = array<i32>} : memref<80x128xf32, #tpu.memory_space<vmem>>, vector<1x16xf32>,
      %swap3A_58 = vector.shape_cast %swap3A_57 : vector<1x16xf32> to vector<16xf32>
      %swap3A_59 = vector.shape_cast %broadcast_in_dim3A_1 : vector<16xf32> to vector<1x16xf32>
      tpu.vector_store %arg8[%swap3A_55, %swap3A_56], %swap3A_59 {strides = array<i32>} : memref<80x128xf32, #tpu.memory_space<vmem>>, vector<1x16xf32>,
      %swap3A_60 = arith.index_cast %scan3A_50 : i32 to index
      %swap3A_61 = arith.constant 32 : index
      %swap3A_62 = tpu.vector_load %arg8[%swap3A_60, %swap3A_61] {strides = array<i32>} : memref<80x128xf32, #tpu.memory_space<vmem>>, vector<1x16xf32>,
      %swap3A_63 = vector.shape_cast %swap3A_62 : vector<1x16xf32> to vector<16xf32>
      %swap3A_64 = vector.shape_cast %broadcast_in_dim3A_1 : vector<16xf32> to vector<1x16xf32>
      tpu.vector_store %arg8[%swap3A_60, %swap3A_61], %swap3A_64 {strides = array<i32>} : memref<80x128xf32, #tpu.memory_space<vmem>>, vector<1x16xf32>,
      %swap3A_65 = arith.index_cast %scan3A_50 : i32 to index
      %swap3A_66 = arith.constant 48 : index
      %swap3A_67 = tpu.vector_load %arg8[%swap3A_65, %swap3A_66] {strides = array<i32>} : memref<80x128xf32, #tpu.memory_space<vmem>>, vector<1x16xf32>,
      %swap3A_68 = vector.shape_cast %swap3A_67 : vector<1x16xf32> to vector<16xf32>
      %swap3A_69 = vector.shape_cast %broadcast_in_dim3A_1 : vector<16xf32> to vector<1x16xf32>
      tpu.vector_store %arg8[%swap3A_65, %swap3A_66], %swap3A_69 {strides = array<i32>} : memref<80x128xf32, #tpu.memory_space<vmem>>, vector<1x16xf32>,
      %swap3A_70 = arith.index_cast %scan3A_50 : i32 to index
      %swap3A_71 = arith.constant 64 : index
      %swap3A_72 = tpu.vector_load %arg8[%swap3A_70, %swap3A_71] {strides = array<i32>} : memref<80x128xf32, #tpu.memory_space<vmem>>, vector<1x16xf32>,
      %swap3A_73 = vector.shape_cast %swap3A_72 : vector<1x16xf32> to vector<16xf32>
      %swap3A_74 = vector.shape_cast %broadcast_in_dim3A_1 : vector<16xf32> to vector<1x16xf32>
      tpu.vector_store %arg8[%swap3A_70, %swap3A_71], %swap3A_74 {strides = array<i32>} : memref<80x128xf32, #tpu.memory_space<vmem>>, vector<1x16xf32>,
      %swap3A_75 = arith.index_cast %scan3A_50 : i32 to index
      %swap3A_76 = arith.constant 80 : index
      %swap3A_77 = tpu.vector_load %arg8[%swap3A_75, %swap3A_76] {strides = array<i32>} : memref<80x128xf32, #tpu.memory_space<vmem>>, vector<1x16xf32>,
      %swap3A_78 = vector.shape_cast %swap3A_77 : vector<1x16xf32> to vector<16xf32>
      %swap3A_79 = vector.shape_cast %broadcast_in_dim3A_1 : vector<16xf32> to vector<1x16xf32>
      tpu.vector_store %arg8[%swap3A_75, %swap3A_76], %swap3A_79 {strides = array<i32>} : memref<80x128xf32, #tpu.memory_space<vmem>>, vector<1x16xf32>,
      %swap3A_80 = arith.index_cast %scan3A_50 : i32 to index
      %swap3A_81 = arith.constant 96 : index
      %swap3A_82 = tpu.vector_load %arg8[%swap3A_80, %swap3A_81] {strides = array<i32>} : memref<80x128xf32, #tpu.memory_space<vmem>>, vector<1x16xf32>,
      %swap3A_83 = vector.shape_cast %swap3A_82 : vector<1x16xf32> to vector<16xf32>
      %swap3A_84 = vector.shape_cast %broadcast_in_dim3A_1 : vector<16xf32> to vector<1x16xf32>
      tpu.vector_store %arg8[%swap3A_80, %swap3A_81], %swap3A_84 {strides = array<i32>} : memref<80x128xf32, #tpu.memory_space<vmem>>, vector<1x16xf32>,
      %swap3A_85 = arith.index_cast %scan3A_50 : i32 to index
      %swap3A_86 = arith.constant 112 : index
      %swap3A_87 = tpu.vector_load %arg8[%swap3A_85, %swap3A_86] {strides = array<i32>} : memref<80x128xf32, #tpu.memory_space<vmem>>, vector<1x16xf32>,
      %swap3A_88 = vector.shape_cast %swap3A_87 : vector<1x16xf32> to vector<16xf32>
      %swap3A_89 = vector.shape_cast %broadcast_in_dim3A_1 : vector<16xf32> to vector<1x16xf32>
      tpu.vector_store %arg8[%swap3A_85, %swap3A_86], %swap3A_89 {strides = array<i32>} : memref<80x128xf32, #tpu.memory_space<vmem>>, vector<1x16xf32>,
    }
    %scan3A_6 = arith.constant 80 : i32
    %mul3A_7 = arith.constant 640 : i32
    %mul3A_8 = arith.muli %arg1, %mul3A_7 : i32
    %add3A_9 = arith.constant 0 : i32
    %add3A_10 = arith.addi %mul3A_8, %add3A_9 : i32
    "tpu.region"() ({
      %run_scoped3A = tpu.sem_alloc : memref<!tpu.dma_semaphore, #tpu.memory_space<semaphore_mem>>
      %dma_start3A = arith.constant 0 : i32
      %dma_start3A_50 = tpu.memref_slice %arg9[%add3A_10, %dma_start3A] : memref<10240x128xf32, #tpu.memory_space<vmem_shared>> -> memref<80x128xf32, #tpu.memory_space<vmem_shared>>
      %dma_start3A_51 = arith.constant 0 : i32
      %dma_start3A_52 = tpu.memref_slice %arg9[%add3A_10, %dma_start3A_51] : memref<10240x128xf32, #tpu.memory_space<vmem_shared>> -> memref<80x128xf32, #tpu.memory_space<vmem_shared>>
      tpu.enqueue_dma source(%arg8 : memref<80x128xf32, #tpu.memory_space<vmem>>) target(%dma_start3A_52 : memref<80x128xf32, #tpu.memory_space<vmem_shared>>) target_semaphore(%run_scoped3A : memref<!tpu.dma_semaphore, #tpu.memory_space<semaphore_mem>>)
      %dma_wait3A = arith.constant 0 : i32
      %dma_wait3A_53 = tpu.memref_slice %arg9[%add3A_10, %dma_wait3A] : memref<10240x128xf32, #tpu.memory_space<vmem_shared>> -> memref<80x128xf32, #tpu.memory_space<vmem_shared>>
      %dma_wait3A_54 = arith.constant 0 : i32
      %dma_wait3A_55 = tpu.memref_slice %arg9[%add3A_10, %dma_wait3A_54] : memref<10240x128xf32, #tpu.memory_space<vmem_shared>> -> memref<80x128xf32, #tpu.memory_space<vmem_shared>>
      tpu.wait_dma2 semaphore(%run_scoped3A : memref<!tpu.dma_semaphore, #tpu.memory_space<semaphore_mem>>) src(%arg8 : memref<80x128xf32, #tpu.memory_space<vmem>>) dst(%dma_wait3A_55 : memref<80x128xf32, #tpu.memory_space<vmem_shared>>)
      tpu.yield
    }) : () -> ()
    %mul3A_11 = arith.constant 640 : i32
    %mul3A_12 = arith.muli %arg1, %mul3A_11 : i32
    %add3A_13 = arith.constant 80 : i32
    %add3A_14 = arith.addi %mul3A_12, %add3A_13 : i32
    "tpu.region"() ({
      %run_scoped3A = tpu.sem_alloc : memref<!tpu.dma_semaphore, #tpu.memory_space<semaphore_mem>>
      %dma_start3A = arith.constant 0 : i32
      %dma_start3A_50 = tpu.memref_slice %arg9[%add3A_14, %dma_start3A] : memref<10240x128xf32, #tpu.memory_space<vmem_shared>> -> memref<80x128xf32, #tpu.memory_space<vmem_shared>>
      %dma_start3A_51 = arith.constant 0 : i32
      %dma_start3A_52 = tpu.memref_slice %arg9[%add3A_14, %dma_start3A_51] : memref<10240x128xf32, #tpu.memory_space<vmem_shared>> -> memref<80x128xf32, #tpu.memory_space<vmem_shared>>
      tpu.enqueue_dma source(%arg8 : memref<80x128xf32, #tpu.memory_space<vmem>>) target(%dma_start3A_52 : memref<80x128xf32, #tpu.memory_space<vmem_shared>>) target_semaphore(%run_scoped3A : memref<!tpu.dma_semaphore, #tpu.memory_space<semaphore_mem>>)
      %dma_wait3A = arith.constant 0 : i32
      %dma_wait3A_53 = tpu.memref_slice %arg9[%add3A_14, %dma_wait3A] : memref<10240x128xf32, #tpu.memory_space<vmem_shared>> -> memref<80x128xf32, #tpu.memory_space<vmem_shared>>
      %dma_wait3A_54 = arith.constant 0 : i32
      %dma_wait3A_55 = tpu.memref_slice %arg9[%add3A_14, %dma_wait3A_54] : memref<10240x128xf32, #tpu.memory_space<vmem_shared>> -> memref<80x128xf32, #tpu.memory_space<vmem_shared>>
      tpu.wait_dma2 semaphore(%run_scoped3A : memref<!tpu.dma_semaphore, #tpu.memory_space<semaphore_mem>>) src(%arg8 : memref<80x128xf32, #tpu.memory_space<vmem>>) dst(%dma_wait3A_55 : memref<80x128xf32, #tpu.memory_space<vmem_shared>>)
      tpu.yield
    }) : () -> ()
    %mul3A_15 = arith.constant 640 : i32
    %mul3A_16 = arith.muli %arg1, %mul3A_15 : i32
    %add3A_17 = arith.constant 160 : i32
    %add3A_18 = arith.addi %mul3A_16, %add3A_17 : i32
    "tpu.region"() ({
      %run_scoped3A = tpu.sem_alloc : memref<!tpu.dma_semaphore, #tpu.memory_space<semaphore_mem>>
      %dma_start3A = arith.constant 0 : i32
      %dma_start3A_50 = tpu.memref_slice %arg9[%add3A_18, %dma_start3A] : memref<10240x128xf32, #tpu.memory_space<vmem_shared>> -> memref<80x128xf32, #tpu.memory_space<vmem_shared>>
      %dma_start3A_51 = arith.constant 0 : i32
      %dma_start3A_52 = tpu.memref_slice %arg9[%add3A_18, %dma_start3A_51] : memref<10240x128xf32, #tpu.memory_space<vmem_shared>> -> memref<80x128xf32, #tpu.memory_space<vmem_shared>>
      tpu.enqueue_dma source(%arg8 : memref<80x128xf32, #tpu.memory_space<vmem>>) target(%dma_start3A_52 : memref<80x128xf32, #tpu.memory_space<vmem_shared>>) target_semaphore(%run_scoped3A : memref<!tpu.dma_semaphore, #tpu.memory_space<semaphore_mem>>)
      %dma_wait3A = arith.constant 0 : i32
      %dma_wait3A_53 = tpu.memref_slice %arg9[%add3A_18, %dma_wait3A] : memref<10240x128xf32, #tpu.memory_space<vmem_shared>> -> memref<80x128xf32, #tpu.memory_space<vmem_shared>>
      %dma_wait3A_54 = arith.constant 0 : i32
      %dma_wait3A_55 = tpu.memref_slice %arg9[%add3A_18, %dma_wait3A_54] : memref<10240x128xf32, #tpu.memory_space<vmem_shared>> -> memref<80x128xf32, #tpu.memory_space<vmem_shared>>
      tpu.wait_dma2 semaphore(%run_scoped3A : memref<!tpu.dma_semaphore, #tpu.memory_space<semaphore_mem>>) src(%arg8 : memref<80x128xf32, #tpu.memory_space<vmem>>) dst(%dma_wait3A_55 : memref<80x128xf32, #tpu.memory_space<vmem_shared>>)
      tpu.yield
    }) : () -> ()
    %mul3A_19 = arith.constant 640 : i32
    %mul3A_20 = arith.muli %arg1, %mul3A_19 : i32
    %add3A_21 = arith.constant 240 : i32
    %add3A_22 = arith.addi %mul3A_20, %add3A_21 : i32
    "tpu.region"() ({
      %run_scoped3A = tpu.sem_alloc : memref<!tpu.dma_semaphore, #tpu.memory_space<semaphore_mem>>
      %dma_start3A = arith.constant 0 : i32
      %dma_start3A_50 = tpu.memref_slice %arg9[%add3A_22, %dma_start3A] : memref<10240x128xf32, #tpu.memory_space<vmem_shared>> -> memref<80x128xf32, #tpu.memory_space<vmem_shared>>
      %dma_start3A_51 = arith.constant 0 : i32
      %dma_start3A_52 = tpu.memref_slice %arg9[%add3A_22, %dma_start3A_51] : memref<10240x128xf32, #tpu.memory_space<vmem_shared>> -> memref<80x128xf32, #tpu.memory_space<vmem_shared>>
      tpu.enqueue_dma source(%arg8 : memref<80x128xf32, #tpu.memory_space<vmem>>) target(%dma_start3A_52 : memref<80x128xf32, #tpu.memory_space<vmem_shared>>) target_semaphore(%run_scoped3A : memref<!tpu.dma_semaphore, #tpu.memory_space<semaphore_mem>>)
      %dma_wait3A = arith.constant 0 : i32
      %dma_wait3A_53 = tpu.memref_slice %arg9[%add3A_22, %dma_wait3A] : memref<10240x128xf32, #tpu.memory_space<vmem_shared>> -> memref<80x128xf32, #tpu.memory_space<vmem_shared>>
      %dma_wait3A_54 = arith.constant 0 : i32
      %dma_wait3A_55 = tpu.memref_slice %arg9[%add3A_22, %dma_wait3A_54] : memref<10240x128xf32, #tpu.memory_space<vmem_shared>> -> memref<80x128xf32, #tpu.memory_space<vmem_shared>>
      tpu.wait_dma2 semaphore(%run_scoped3A : memref<!tpu.dma_semaphore, #tpu.memory_space<semaphore_mem>>) src(%arg8 : memref<80x128xf32, #tpu.memory_space<vmem>>) dst(%dma_wait3A_55 : memref<80x128xf32, #tpu.memory_space<vmem_shared>>)
      tpu.yield
    }) : () -> ()
    %mul3A_23 = arith.constant 640 : i32
    %mul3A_24 = arith.muli %arg1, %mul3A_23 : i32
    %add3A_25 = arith.constant 320 : i32
    %add3A_26 = arith.addi %mul3A_24, %add3A_25 : i32
    "tpu.region"() ({
      %run_scoped3A = tpu.sem_alloc : memref<!tpu.dma_semaphore, #tpu.memory_space<semaphore_mem>>
      %dma_start3A = arith.constant 0 : i32
      %dma_start3A_50 = tpu.memref_slice %arg9[%add3A_26, %dma_start3A] : memref<10240x128xf32, #tpu.memory_space<vmem_shared>> -> memref<80x128xf32, #tpu.memory_space<vmem_shared>>
      %dma_start3A_51 = arith.constant 0 : i32
      %dma_start3A_52 = tpu.memref_slice %arg9[%add3A_26, %dma_start3A_51] : memref<10240x128xf32, #tpu.memory_space<vmem_shared>> -> memref<80x128xf32, #tpu.memory_space<vmem_shared>>
      tpu.enqueue_dma source(%arg8 : memref<80x128xf32, #tpu.memory_space<vmem>>) target(%dma_start3A_52 : memref<80x128xf32, #tpu.memory_space<vmem_shared>>) target_semaphore(%run_scoped3A : memref<!tpu.dma_semaphore, #tpu.memory_space<semaphore_mem>>)
      %dma_wait3A = arith.constant 0 : i32
      %dma_wait3A_53 = tpu.memref_slice %arg9[%add3A_26, %dma_wait3A] : memref<10240x128xf32, #tpu.memory_space<vmem_shared>> -> memref<80x128xf32, #tpu.memory_space<vmem_shared>>
      %dma_wait3A_54 = arith.constant 0 : i32
      %dma_wait3A_55 = tpu.memref_slice %arg9[%add3A_26, %dma_wait3A_54] : memref<10240x128xf32, #tpu.memory_space<vmem_shared>> -> memref<80x128xf32, #tpu.memory_space<vmem_shared>>
      tpu.wait_dma2 semaphore(%run_scoped3A : memref<!tpu.dma_semaphore, #tpu.memory_space<semaphore_mem>>) src(%arg8 : memref<80x128xf32, #tpu.memory_space<vmem>>) dst(%dma_wait3A_55 : memref<80x128xf32, #tpu.memory_space<vmem_shared>>)
      tpu.yield
    }) : () -> ()
    %mul3A_27 = arith.constant 640 : i32
    %mul3A_28 = arith.muli %arg1, %mul3A_27 : i32
    %add3A_29 = arith.constant 400 : i32
    %add3A_30 = arith.addi %mul3A_28, %add3A_29 : i32
    "tpu.region"() ({
      %run_scoped3A = tpu.sem_alloc : memref<!tpu.dma_semaphore, #tpu.memory_space<semaphore_mem>>
      %dma_start3A = arith.constant 0 : i32
      %dma_start3A_50 = tpu.memref_slice %arg9[%add3A_30, %dma_start3A] : memref<10240x128xf32, #tpu.memory_space<vmem_shared>> -> memref<80x128xf32, #tpu.memory_space<vmem_shared>>
      %dma_start3A_51 = arith.constant 0 : i32
      %dma_start3A_52 = tpu.memref_slice %arg9[%add3A_30, %dma_start3A_51] : memref<10240x128xf32, #tpu.memory_space<vmem_shared>> -> memref<80x128xf32, #tpu.memory_space<vmem_shared>>
      tpu.enqueue_dma source(%arg8 : memref<80x128xf32, #tpu.memory_space<vmem>>) target(%dma_start3A_52 : memref<80x128xf32, #tpu.memory_space<vmem_shared>>) target_semaphore(%run_scoped3A : memref<!tpu.dma_semaphore, #tpu.memory_space<semaphore_mem>>)
      %dma_wait3A = arith.constant 0 : i32
      %dma_wait3A_53 = tpu.memref_slice %arg9[%add3A_30, %dma_wait3A] : memref<10240x128xf32, #tpu.memory_space<vmem_shared>> -> memref<80x128xf32, #tpu.memory_space<vmem_shared>>
      %dma_wait3A_54 = arith.constant 0 : i32
      %dma_wait3A_55 = tpu.memref_slice %arg9[%add3A_30, %dma_wait3A_54] : memref<10240x128xf32, #tpu.memory_space<vmem_shared>> -> memref<80x128xf32, #tpu.memory_space<vmem_shared>>
      tpu.wait_dma2 semaphore(%run_scoped3A : memref<!tpu.dma_semaphore, #tpu.memory_space<semaphore_mem>>) src(%arg8 : memref<80x128xf32, #tpu.memory_space<vmem>>) dst(%dma_wait3A_55 : memref<80x128xf32, #tpu.memory_space<vmem_shared>>)
      tpu.yield
    }) : () -> ()
    %mul3A_31 = arith.constant 640 : i32
    %mul3A_32 = arith.muli %arg1, %mul3A_31 : i32
    %add3A_33 = arith.constant 480 : i32
    %add3A_34 = arith.addi %mul3A_32, %add3A_33 : i32
    "tpu.region"() ({
      %run_scoped3A = tpu.sem_alloc : memref<!tpu.dma_semaphore, #tpu.memory_space<semaphore_mem>>
      %dma_start3A = arith.constant 0 : i32
      %dma_start3A_50 = tpu.memref_slice %arg9[%add3A_34, %dma_start3A] : memref<10240x128xf32, #tpu.memory_space<vmem_shared>> -> memref<80x128xf32, #tpu.memory_space<vmem_shared>>
      %dma_start3A_51 = arith.constant 0 : i32
      %dma_start3A_52 = tpu.memref_slice %arg9[%add3A_34, %dma_start3A_51] : memref<10240x128xf32, #tpu.memory_space<vmem_shared>> -> memref<80x128xf32, #tpu.memory_space<vmem_shared>>
      tpu.enqueue_dma source(%arg8 : memref<80x128xf32, #tpu.memory_space<vmem>>) target(%dma_start3A_52 : memref<80x128xf32, #tpu.memory_space<vmem_shared>>) target_semaphore(%run_scoped3A : memref<!tpu.dma_semaphore, #tpu.memory_space<semaphore_mem>>)
      %dma_wait3A = arith.constant 0 : i32
      %dma_wait3A_53 = tpu.memref_slice %arg9[%add3A_34, %dma_wait3A] : memref<10240x128xf32, #tpu.memory_space<vmem_shared>> -> memref<80x128xf32, #tpu.memory_space<vmem_shared>>
      %dma_wait3A_54 = arith.constant 0 : i32
      %dma_wait3A_55 = tpu.memref_slice %arg9[%add3A_34, %dma_wait3A_54] : memref<10240x128xf32, #tpu.memory_space<vmem_shared>> -> memref<80x128xf32, #tpu.memory_space<vmem_shared>>
      tpu.wait_dma2 semaphore(%run_scoped3A : memref<!tpu.dma_semaphore, #tpu.memory_space<semaphore_mem>>) src(%arg8 : memref<80x128xf32, #tpu.memory_space<vmem>>) dst(%dma_wait3A_55 : memref<80x128xf32, #tpu.memory_space<vmem_shared>>)
      tpu.yield
    }) : () -> ()
    %mul3A_35 = arith.constant 640 : i32
    %mul3A_36 = arith.muli %arg1, %mul3A_35 : i32
    %add3A_37 = arith.constant 560 : i32
    %add3A_38 = arith.addi %mul3A_36, %add3A_37 : i32
    "tpu.region"() ({
      %run_scoped3A = tpu.sem_alloc : memref<!tpu.dma_semaphore, #tpu.memory_space<semaphore_mem>>
      %dma_start3A = arith.constant 0 : i32
      %dma_start3A_50 = tpu.memref_slice %arg9[%add3A_38, %dma_start3A] : memref<10240x128xf32, #tpu.memory_space<vmem_shared>> -> memref<80x128xf32, #tpu.memory_space<vmem_shared>>
      %dma_start3A_51 = arith.constant 0 : i32
      %dma_start3A_52 = tpu.memref_slice %arg9[%add3A_38, %dma_start3A_51] : memref<10240x128xf32, #tpu.memory_space<vmem_shared>> -> memref<80x128xf32, #tpu.memory_space<vmem_shared>>
      tpu.enqueue_dma source(%arg8 : memref<80x128xf32, #tpu.memory_space<vmem>>) target(%dma_start3A_52 : memref<80x128xf32, #tpu.memory_space<vmem_shared>>) target_semaphore(%run_scoped3A : memref<!tpu.dma_semaphore, #tpu.memory_space<semaphore_mem>>)
      %dma_wait3A = arith.constant 0 : i32
      %dma_wait3A_53 = tpu.memref_slice %arg9[%add3A_38, %dma_wait3A] : memref<10240x128xf32, #tpu.memory_space<vmem_shared>> -> memref<80x128xf32, #tpu.memory_space<vmem_shared>>
      %dma_wait3A_54 = arith.constant 0 : i32
      %dma_wait3A_55 = tpu.memref_slice %arg9[%add3A_38, %dma_wait3A_54] : memref<10240x128xf32, #tpu.memory_space<vmem_shared>> -> memref<80x128xf32, #tpu.memory_space<vmem_shared>>
      tpu.wait_dma2 semaphore(%run_scoped3A : memref<!tpu.dma_semaphore, #tpu.memory_space<semaphore_mem>>) src(%arg8 : memref<80x128xf32, #tpu.memory_space<vmem>>) dst(%dma_wait3A_55 : memref<80x128xf32, #tpu.memory_space<vmem_shared>>)
      tpu.yield
    }) : () -> ()
    %barrier3A = arith.constant 0 : index
    tpu.barrier barrier_id(%barrier3A)
    %scan3A_39 = arith.constant 0 : i32
    %scan3A_40 = arith.constant 0 : i32
    %scan3A_41 = arith.constant 125 : i32
    %scan3A_42 = arith.addi %scan3A_40, %scan3A_41 : i32
    %scan3A_43 = arith.constant 1 : i32
    scf.for %scan3A_50 = %scan3A_40 to %scan3A_42 step %scan3A_43  : i32 {
      %mul3A_51 = arith.constant 10000 : i32
      %mul3A_52 = arith.muli %add3A, %mul3A_51 : i32
      %mul3A_53 = arith.constant 80 : i32
      %mul3A_54 = arith.muli %scan3A_50, %mul3A_53 : i32
      %add3A_55 = arith.addi %mul3A_52, %mul3A_54 : i32
      "tpu.region"() ({
        %run_scoped3A = tpu.sem_alloc : memref<!tpu.dma_semaphore, #tpu.memory_space<semaphore_mem>>
        %dma_start3A_60 = tpu.memref_slice %arg2[%add3A_55] : memref<320000xi32, #tpu.memory_space<hbm>> -> memref<80xi32, #tpu.memory_space<hbm>>
        %dma_start3A_61 = tpu.memref_slice %arg2[%add3A_55] : memref<320000xi32, #tpu.memory_space<hbm>> -> memref<80xi32, #tpu.memory_space<hbm>>
        tpu.enqueue_dma source(%dma_start3A_61 : memref<80xi32, #tpu.memory_space<hbm>>) target(%arg6 : memref<80xi32, #tpu.memory_space<vmem>>) target_semaphore(%run_scoped3A : memref<!tpu.dma_semaphore, #tpu.memory_space<semaphore_mem>>)
        %dma_wait3A_62 = tpu.memref_slice %arg2[%add3A_55] : memref<320000xi32, #tpu.memory_space<hbm>> -> memref<80xi32, #tpu.memory_space<hbm>>
        %dma_wait3A_63 = tpu.memref_slice %arg2[%add3A_55] : memref<320000xi32, #tpu.memory_space<hbm>> -> memref<80xi32, #tpu.memory_space<hbm>>
        tpu.wait_dma2 semaphore(%run_scoped3A : memref<!tpu.dma_semaphore, #tpu.memory_space<semaphore_mem>>) src(%dma_wait3A_63 : memref<80xi32, #tpu.memory_space<hbm>>) dst(%arg6 : memref<80xi32, #tpu.memory_space<vmem>>)
        tpu.yield
      }) : () -> ()
      "tpu.region"() ({
        %run_scoped3A = tpu.sem_alloc : memref<!tpu.dma_semaphore, #tpu.memory_space<semaphore_mem>>
        %dma_start3A_60 = tpu.memref_slice %arg3[%add3A_55] : memref<320000xi32, #tpu.memory_space<hbm>> -> memref<80xi32, #tpu.memory_space<hbm>>
        %dma_start3A_61 = tpu.memref_slice %arg3[%add3A_55] : memref<320000xi32, #tpu.memory_space<hbm>> -> memref<80xi32, #tpu.memory_space<hbm>>
        tpu.enqueue_dma source(%dma_start3A_61 : memref<80xi32, #tpu.memory_space<hbm>>) target(%arg7 : memref<80xi32, #tpu.memory_space<vmem>>) target_semaphore(%run_scoped3A : memref<!tpu.dma_semaphore, #tpu.memory_space<semaphore_mem>>)
        %dma_wait3A_62 = tpu.memref_slice %arg3[%add3A_55] : memref<320000xi32, #tpu.memory_space<hbm>> -> memref<80xi32, #tpu.memory_space<hbm>>
        %dma_wait3A_63 = tpu.memref_slice %arg3[%add3A_55] : memref<320000xi32, #tpu.memory_space<hbm>> -> memref<80xi32, #tpu.memory_space<hbm>>
        tpu.wait_dma2 semaphore(%run_scoped3A : memref<!tpu.dma_semaphore, #tpu.memory_space<semaphore_mem>>) src(%dma_wait3A_63 : memref<80xi32, #tpu.memory_space<hbm>>) dst(%arg7 : memref<80xi32, #tpu.memory_space<vmem>>)
        tpu.yield
      }) : () -> ()
      %dma_start3A = arith.constant 0 : i32
      %dma_start3A_56 = arith.constant 0 : i32
      %dma_start3A_57 = tpu.memref_slice %arg4[%dma_start3A, %dma_start3A_56] : memref<10240x128xf32, #tpu.memory_space<hbm>> -> memref<10240x128xf32, #tpu.memory_space<hbm>>
      tpu.enqueue_indirect_dma source(%dma_start3A_57 : memref<10240x128xf32, #tpu.memory_space<hbm>>) target(%arg8 : memref<80x128xf32, #tpu.memory_space<vmem>>) offsets(%arg6 : memref<80xi32, #tpu.memory_space<vmem>>) semaphore(%arg10 : memref<!tpu.dma_semaphore, #tpu.memory_space<semaphore_mem>>)
      %dma_wait3A = arith.constant 0 : i32
      %dma_wait3A_58 = arith.constant 0 : i32
      %dma_wait3A_59 = tpu.memref_slice %arg4[%dma_wait3A, %dma_wait3A_58] : memref<10240x128xf32, #tpu.memory_space<hbm>> -> memref<10240x128xf32, #tpu.memory_space<hbm>>
      tpu.wait_indirect_dma semaphore(%arg10 : memref<!tpu.dma_semaphore, #tpu.memory_space<semaphore_mem>>) src(%dma_wait3A_59 : memref<10240x128xf32, #tpu.memory_space<hbm>>) dst(%arg8 : memref<80x128xf32, #tpu.memory_space<vmem>>)
      "tpu.region"() ({
        %run_scoped3A = tpu.sem_alloc : memref<!tpu.dma_semaphore, #tpu.memory_space<semaphore_mem>>
        %dma_start3A_60 = arith.constant 0 : i32
        %dma_start3A_61 = arith.constant 0 : i32
        %dma_start3A_62 = tpu.memref_slice %arg9[%dma_start3A_60, %dma_start3A_61] : memref<10240x128xf32, #tpu.memory_space<vmem_shared>> -> memref<10240x128xf32, #tpu.memory_space<vmem_shared>>
        tpu.enqueue_indirect_dma source(%arg8 : memref<80x128xf32, #tpu.memory_space<vmem>>) target(%dma_start3A_62 : memref<10240x128xf32, #tpu.memory_space<vmem_shared>>) offsets(%arg7 : memref<80xi32, #tpu.memory_space<vmem>>) semaphore(%run_scoped3A : memref<!tpu.dma_semaphore, #tpu.memory_space<semaphore_mem>>) {add = true}
        %dma_wait3A_63 = arith.constant 0 : i32
        %dma_wait3A_64 = arith.constant 0 : i32
        %dma_wait3A_65 = tpu.memref_slice %arg9[%dma_wait3A_63, %dma_wait3A_64] : memref<10240x128xf32, #tpu.memory_space<vmem_shared>> -> memref<10240x128xf32, #tpu.memory_space<vmem_shared>>
        tpu.wait_indirect_dma semaphore(%run_scoped3A : memref<!tpu.dma_semaphore, #tpu.memory_space<semaphore_mem>>) src(%arg8 : memref<80x128xf32, #tpu.memory_space<vmem>>) dst(%dma_wait3A_65 : memref<10240x128xf32, #tpu.memory_space<vmem_shared>>)
        tpu.yield
      }) : () -> ()
    }
    %scan3A_44 = arith.constant 125 : i32
    %barrier3A_45 = arith.constant 0 : index
    tpu.barrier barrier_id(%barrier3A_45)
    %mul3A_46 = arith.constant 640 : i32
    %mul3A_47 = arith.muli %arg1, %mul3A_46 : i32
    %mul3A_48 = arith.constant 640 : i32
    %mul3A_49 = arith.muli %arg1, %mul3A_48 : i32
    "tpu.region"() ({
      %run_scoped3A = tpu.sem_alloc : memref<!tpu.dma_semaphore, #tpu.memory_space<semaphore_mem>>
      %dma_start3A = arith.constant 0 : i32
      %dma_start3A_50 = tpu.memref_slice %arg5[%arg0, %mul3A_49, %dma_start3A] : memref<2x10240x128xf32, #tpu.memory_space<hbm>> -> memref<1x640x128xf32, #tpu.memory_space<hbm>>
      %dma_start3A_51 = tpu.memref_squeeze %dma_start3A_50 : memref<1x640x128xf32, #tpu.memory_space<hbm>> -> memref<640x128xf32, #tpu.memory_space<hbm>>
      %dma_start3A_52 = arith.constant 0 : i32
      %dma_start3A_53 = tpu.memref_slice %arg9[%mul3A_47, %dma_start3A_52] : memref<10240x128xf32, #tpu.memory_space<vmem_shared>> -> memref<640x128xf32, #tpu.memory_space<vmem_shared>>
      tpu.enqueue_dma source(%dma_start3A_53 : memref<640x128xf32, #tpu.memory_space<vmem_shared>>) target(%dma_start3A_51 : memref<640x128xf32, #tpu.memory_space<hbm>>) target_semaphore(%run_scoped3A : memref<!tpu.dma_semaphore, #tpu.memory_space<semaphore_mem>>)
      %dma_wait3A = arith.constant 0 : i32
      %dma_wait3A_54 = tpu.memref_slice %arg5[%arg0, %mul3A_49, %dma_wait3A] : memref<2x10240x128xf32, #tpu.memory_space<hbm>> -> memref<1x640x128xf32, #tpu.memory_space<hbm>>
      %dma_wait3A_55 = tpu.memref_squeeze %dma_wait3A_54 : memref<1x640x128xf32, #tpu.memory_space<hbm>> -> memref<640x128xf32, #tpu.memory_space<hbm>>
      %dma_wait3A_56 = arith.constant 0 : i32
      %dma_wait3A_57 = tpu.memref_slice %arg9[%mul3A_47, %dma_wait3A_56] : memref<10240x128xf32, #tpu.memory_space<vmem_shared>> -> memref<640x128xf32, #tpu.memory_space<vmem_shared>>
      tpu.wait_dma2 semaphore(%run_scoped3A : memref<!tpu.dma_semaphore, #tpu.memory_space<semaphore_mem>>) src(%dma_wait3A_57 : memref<640x128xf32, #tpu.memory_space<vmem_shared>>) dst(%dma_wait3A_55 : memref<640x128xf32, #tpu.memory_space<hbm>>)
      tpu.yield
    }) : () -> ()
    return
  }
}

module attributes {stable_mosaic.version = 14 : i64} {
  func.func @_tc_b_body(%arg0: i32, %arg1: memref<1024x128xf32, #tpu.memory_space<vmem>>, %arg2: memref<128x128xf32, #tpu.memory_space<vmem>>, %arg3: memref<1x128xf32, #tpu.memory_space<vmem>>, %arg4: memref<1024x16xf32, #tpu.memory_space<vmem>>, %arg5: memref<1024x16xf32, #tpu.memory_space<vmem>>, %arg6: memref<1024x128xf32, #tpu.memory_space<vmem>>, %arg7: memref<1024x128xf32, #tpu.memory_space<vmem>>) attributes {dimension_semantics = [#tpu.dimension_semantics<arbitrary>], iteration_bounds = array<i64: 10>, scalar_prefetch = 0 : i64, scratch_operands = 0 : i64, tpu.core_type = #tpu.core_type<tc>, window_params = [{transform_indices = @transform_0, window_bounds = array<i64: 1024, 128>}, {pipeline_mode = #tpu.pipeline_mode<synchronous>, transform_indices = @transform_1, window_bounds = array<i64: 128, 128>}, {pipeline_mode = #tpu.pipeline_mode<synchronous>, transform_indices = @transform_2, window_bounds = array<i64: 1, 128>}, {transform_indices = @transform_3, window_bounds = array<i64: 1024, 16>}, {transform_indices = @transform_4, window_bounds = array<i64: 1024, 16>}, {transform_indices = @transform_5, window_bounds = array<i64: 1024, 128>}, {transform_indices = @transform_6, window_bounds = array<i64: 1024, 128>}]} {
    %get3A = arith.constant 0 : index
    %get3A_0 = arith.constant 0 : index
    %get3A_1 = vector.load %arg4[%get3A, %get3A_0] : memref<1024x16xf32, #tpu.memory_space<vmem>>, vector<1024x1xf32>
    %get3A_2 = arith.constant 0 : index
    %get3A_3 = arith.constant 0 : index
    %get3A_4 = vector.load %arg5[%get3A_2, %get3A_3] : memref<1024x16xf32, #tpu.memory_space<vmem>>, vector<1024x1xf32>
    %add3A = arith.addf %get3A_1, %get3A_4 : vector<1024x1xf32>
    %add3A_5 = arith.constant 1.000000e+00 : f32
    %add3A_6 = vector.broadcast %add3A_5 : f32 to vector<1024x1xf32>
    %add3A_7 = arith.addf %add3A, %add3A_6 : vector<1024x1xf32>
    %rsqrt3A = math.rsqrt %add3A_7 : vector<1024x1xf32>
    %broadcast_in_dim3A = vector.shape_cast %rsqrt3A : vector<1024x1xf32> to vector<1024x1xf32>
    %broadcast_in_dim3A_8 = vector.broadcast %broadcast_in_dim3A : vector<1024x1xf32> to vector<1024x128xf32>
    %swap3A = arith.constant 0 : index
    %swap3A_9 = arith.constant 0 : index
    %swap3A_10 = vector.load %arg6[%swap3A, %swap3A_9] : memref<1024x128xf32, #tpu.memory_space<vmem>>, vector<1024x128xf32>
    tpu.vector_store %arg6[%swap3A, %swap3A_9], %broadcast_in_dim3A_8 {strides = array<i32>} : memref<1024x128xf32, #tpu.memory_space<vmem>>, vector<1024x128xf32>,
    %get3A_11 = arith.constant 0 : index
    %get3A_12 = arith.constant 0 : index
    %get3A_13 = vector.load %arg1[%get3A_11, %get3A_12] : memref<1024x128xf32, #tpu.memory_space<vmem>>, vector<1024x128xf32>
    %get3A_14 = arith.constant 0 : index
    %get3A_15 = arith.constant 0 : index
    %get3A_16 = vector.load %arg2[%get3A_14, %get3A_15] : memref<128x128xf32, #tpu.memory_space<vmem>>, vector<128x128xf32>
    %dot_general3A = arith.constant dense<0.000000e+00> : vector<1024x128xf32>
    %dot_general3A_17 = tpu.matmul %get3A_13, %get3A_16, %dot_general3A {dimension_numbers = #tpu.dot_dimension_numbers<[1], [0], [0], [1], [0, 0, 1, 1], [], []>, precision = #tpu.contract_precision<fp32>, transpose_lhs_hint = false} : vector<1024x128xf32>, vector<128x128xf32>, vector<1024x128xf32> -> vector<1024x128xf32>
    %get3A_18 = arith.constant 0 : index
    %get3A_19 = arith.constant 0 : index
    %get3A_20 = vector.load %arg3[%get3A_18, %get3A_19] : memref<1x128xf32, #tpu.memory_space<vmem>>, vector<1x128xf32>
    %add3A_21 = vector.broadcast %get3A_20 : vector<1x128xf32> to vector<1024x128xf32>
    %add3A_22 = arith.addf %dot_general3A_17, %add3A_21 : vector<1024x128xf32>
    %mul3A = vector.broadcast %rsqrt3A : vector<1024x1xf32> to vector<1024x128xf32>
    %mul3A_23 = arith.mulf %mul3A, %add3A_22 : vector<1024x128xf32>
    %swap3A_24 = arith.constant 0 : index
    %swap3A_25 = arith.constant 0 : index
    %swap3A_26 = vector.load %arg7[%swap3A_24, %swap3A_25] : memref<1024x128xf32, #tpu.memory_space<vmem>>, vector<1024x128xf32>
    tpu.vector_store %arg7[%swap3A_24, %swap3A_25], %mul3A_23 {strides = array<i32>} : memref<1024x128xf32, #tpu.memory_space<vmem>>, vector<1024x128xf32>,
    return
  }
  func.func @transform_0(%arg0: i32) -> (i32, i32) {
    %c0_i32 = arith.constant 0 : i32
    %c0_i32_0 = arith.constant 0 : i32
    return %arg0, %c0_i32 : i32, i32
  }
  func.func @transform_1(%arg0: i32) -> (i32, i32) {
    %c0_i32 = arith.constant 0 : i32
    %c0_i32_0 = arith.constant 0 : i32
    %c0_i32_1 = arith.constant 0 : i32
    return %c0_i32, %c0_i32_0 : i32, i32
  }
  func.func @transform_2(%arg0: i32) -> (i32, i32) {
    %c0_i32 = arith.constant 0 : i32
    %c0_i32_0 = arith.constant 0 : i32
    %c0_i32_1 = arith.constant 0 : i32
    return %c0_i32, %c0_i32_0 : i32, i32
  }
  func.func @transform_3(%arg0: i32) -> (i32, i32) {
    %c0_i32 = arith.constant 0 : i32
    %c0_i32_0 = arith.constant 0 : i32
    return %arg0, %c0_i32 : i32, i32
  }
  func.func @transform_4(%arg0: i32) -> (i32, i32) {
    %c0_i32 = arith.constant 0 : i32
    %c0_i32_0 = arith.constant 0 : i32
    return %arg0, %c0_i32 : i32, i32
  }
  func.func @transform_5(%arg0: i32) -> (i32, i32) {
    %c0_i32 = arith.constant 0 : i32
    %c0_i32_0 = arith.constant 0 : i32
    return %arg0, %c0_i32 : i32, i32
  }
  func.func @transform_6(%arg0: i32) -> (i32, i32) {
    %c0_i32 = arith.constant 0 : i32
    %c0_i32_0 = arith.constant 0 : i32
    return %arg0, %c0_i32 : i32, i32
  }
}

module attributes {stable_mosaic.version = 14 : i64} {
  func.func @_tc_d_body(%arg0: i32, %arg1: memref<1024x128xf32, #tpu.memory_space<vmem>>, %arg2: memref<1024x128xf32, #tpu.memory_space<vmem>>, %arg3: memref<1024x16xf32, #tpu.memory_space<vmem>>, %arg4: memref<1024x16xf32, #tpu.memory_space<vmem>>, %arg5: memref<1024x128xf32, #tpu.memory_space<vmem>>, %arg6: memref<1024x128xf32, #tpu.memory_space<vmem>>, %arg7: memref<16x128xf32, #tpu.memory_space<vmem>>, %arg8: memref<128x128xf32, #tpu.memory_space<vmem>>, %arg9: memref<1x128xf32, #tpu.memory_space<vmem>>, %arg10: memref<16x128xf32, #tpu.memory_space<vmem>>, %arg11: memref<1024x128xf32, #tpu.memory_space<vmem>>, %arg12: memref<1024x128xf32, #tpu.memory_space<vmem>>) attributes {dimension_semantics = [#tpu.dimension_semantics<arbitrary>], iteration_bounds = array<i64: 10>, scalar_prefetch = 0 : i64, scratch_operands = 0 : i64, tpu.core_type = #tpu.core_type<tc>, window_params = [{transform_indices = @transform_0, window_bounds = array<i64: 1024, 128>}, {transform_indices = @transform_1, window_bounds = array<i64: 1024, 128>}, {transform_indices = @transform_2, window_bounds = array<i64: 1024, 16>}, {transform_indices = @transform_3, window_bounds = array<i64: 1024, 16>}, {transform_indices = @transform_4, window_bounds = array<i64: 1024, 128>}, {transform_indices = @transform_5, window_bounds = array<i64: 1024, 128>}, {pipeline_mode = #tpu.pipeline_mode<synchronous>, transform_indices = @transform_6, window_bounds = array<i64: 16, 128>}, {pipeline_mode = #tpu.pipeline_mode<synchronous>, transform_indices = @transform_7, window_bounds = array<i64: 128, 128>}, {pipeline_mode = #tpu.pipeline_mode<synchronous>, transform_indices = @transform_8, window_bounds = array<i64: 1, 128>}, {pipeline_mode = #tpu.pipeline_mode<synchronous>, transform_indices = @transform_9, window_bounds = array<i64: 16, 128>}, {transform_indices = @transform_10, window_bounds = array<i64: 1024, 128>}, {transform_indices = @transform_11, window_bounds = array<i64: 1024, 128>}]} {
    %get3A = arith.constant 0 : index
    %get3A_0 = arith.constant 0 : index
    %get3A_1 = vector.load %arg6[%get3A, %get3A_0] : memref<1024x128xf32, #tpu.memory_space<vmem>>, vector<1024x1xf32>
    %get3A_2 = arith.constant 0 : index
    %get3A_3 = arith.constant 0 : index
    %get3A_4 = vector.load %arg6[%get3A_2, %get3A_3] : memref<1024x128xf32, #tpu.memory_space<vmem>>, vector<1024x16xf32>
    %get3A_5 = arith.constant 0 : index
    %get3A_6 = arith.constant 0 : index
    %get3A_7 = vector.load %arg3[%get3A_5, %get3A_6] : memref<1024x16xf32, #tpu.memory_space<vmem>>, vector<1024x16xf32>
    %get3A_8 = arith.constant 0 : index
    %get3A_9 = arith.constant 0 : index
    %get3A_10 = vector.load %arg4[%get3A_8, %get3A_9] : memref<1024x16xf32, #tpu.memory_space<vmem>>, vector<1024x16xf32>
    %add3A = arith.addf %get3A_7, %get3A_10 : vector<1024x16xf32>
    %mul3A = arith.mulf %get3A_4, %add3A : vector<1024x16xf32>
    %get3A_11 = arith.constant 0 : index
    %get3A_12 = arith.constant 0 : index
    %get3A_13 = vector.load %arg7[%get3A_11, %get3A_12] : memref<16x128xf32, #tpu.memory_space<vmem>>, vector<16x128xf32>
    %dot_general3A = arith.constant dense<0.000000e+00> : vector<1024x128xf32>
    %dot_general3A_14 = tpu.matmul %mul3A, %get3A_13, %dot_general3A {dimension_numbers = #tpu.dot_dimension_numbers<[1], [0], [0], [1], [0, 0, 1, 1], [], []>, precision = #tpu.contract_precision<fp32>, transpose_lhs_hint = false} : vector<1024x16xf32>, vector<16x128xf32>, vector<1024x128xf32> -> vector<1024x128xf32>
    %get3A_15 = arith.constant 0 : index
    %get3A_16 = arith.constant 0 : index
    %get3A_17 = vector.load %arg1[%get3A_15, %get3A_16] : memref<1024x128xf32, #tpu.memory_space<vmem>>, vector<1024x128xf32>
    %get3A_18 = arith.constant 0 : index
    %get3A_19 = arith.constant 0 : index
    %get3A_20 = vector.load %arg2[%get3A_18, %get3A_19] : memref<1024x128xf32, #tpu.memory_space<vmem>>, vector<1024x128xf32>
    %add3A_21 = arith.addf %get3A_17, %get3A_20 : vector<1024x128xf32>
    %get3A_22 = arith.constant 0 : index
    %get3A_23 = arith.constant 0 : index
    %get3A_24 = vector.load %arg5[%get3A_22, %get3A_23] : memref<1024x128xf32, #tpu.memory_space<vmem>>, vector<1024x128xf32>
    %add3A_25 = arith.addf %add3A_21, %get3A_24 : vector<1024x128xf32>
    %mul3A_26 = vector.broadcast %get3A_1 : vector<1024x1xf32> to vector<1024x128xf32>
    %mul3A_27 = arith.mulf %mul3A_26, %add3A_25 : vector<1024x128xf32>
    %add3A_28 = arith.addf %mul3A_27, %dot_general3A_14 : vector<1024x128xf32>
    %max3A = arith.constant 0.000000e+00 : f32
    %max3A_29 = vector.broadcast %max3A : f32 to vector<1024x128xf32>
    %max3A_30 = arith.maximumf %add3A_28, %max3A_29 : vector<1024x128xf32>
    %get3A_31 = arith.constant 0 : index
    %get3A_32 = arith.constant 0 : index
    %get3A_33 = vector.load %arg8[%get3A_31, %get3A_32] : memref<128x128xf32, #tpu.memory_space<vmem>>, vector<128x128xf32>
    %dot_general3A_34 = arith.constant dense<0.000000e+00> : vector<1024x128xf32>
    %dot_general3A_35 = tpu.matmul %max3A_30, %get3A_33, %dot_general3A_34 {dimension_numbers = #tpu.dot_dimension_numbers<[1], [0], [0], [1], [0, 0, 1, 1], [], []>, precision = #tpu.contract_precision<fp32>, transpose_lhs_hint = false} : vector<1024x128xf32>, vector<128x128xf32>, vector<1024x128xf32> -> vector<1024x128xf32>
    %get3A_36 = arith.constant 0 : index
    %get3A_37 = arith.constant 0 : index
    %get3A_38 = vector.load %arg9[%get3A_36, %get3A_37] : memref<1x128xf32, #tpu.memory_space<vmem>>, vector<1x128xf32>
    %add3A_39 = vector.broadcast %get3A_38 : vector<1x128xf32> to vector<1024x128xf32>
    %add3A_40 = arith.addf %dot_general3A_35, %add3A_39 : vector<1024x128xf32>
    %mul3A_41 = vector.broadcast %get3A_1 : vector<1024x1xf32> to vector<1024x128xf32>
    %mul3A_42 = arith.mulf %mul3A_41, %add3A_40 : vector<1024x128xf32>
    %swap3A = arith.constant 0 : index
    %swap3A_43 = arith.constant 0 : index
    %swap3A_44 = vector.load %arg11[%swap3A, %swap3A_43] : memref<1024x128xf32, #tpu.memory_space<vmem>>, vector<1024x128xf32>
    tpu.vector_store %arg11[%swap3A, %swap3A_43], %mul3A_42 {strides = array<i32>} : memref<1024x128xf32, #tpu.memory_space<vmem>>, vector<1024x128xf32>,
    %get3A_45 = arith.constant 0 : index
    %get3A_46 = arith.constant 0 : index
    %get3A_47 = vector.load %arg10[%get3A_45, %get3A_46] : memref<16x128xf32, #tpu.memory_space<vmem>>, vector<16x128xf32>
    %dot_general3A_48 = arith.constant dense<0.000000e+00> : vector<1024x128xf32>
    %dot_general3A_49 = tpu.matmul %mul3A, %get3A_47, %dot_general3A_48 {dimension_numbers = #tpu.dot_dimension_numbers<[1], [0], [0], [1], [0, 0, 1, 1], [], []>, precision = #tpu.contract_precision<fp32>, transpose_lhs_hint = false} : vector<1024x16xf32>, vector<16x128xf32>, vector<1024x128xf32> -> vector<1024x128xf32>
    %swap3A_50 = arith.constant 0 : index
    %swap3A_51 = arith.constant 0 : index
    %swap3A_52 = vector.load %arg12[%swap3A_50, %swap3A_51] : memref<1024x128xf32, #tpu.memory_space<vmem>>, vector<1024x128xf32>
    tpu.vector_store %arg12[%swap3A_50, %swap3A_51], %dot_general3A_49 {strides = array<i32>} : memref<1024x128xf32, #tpu.memory_space<vmem>>, vector<1024x128xf32>,
    return
  }
  func.func @transform_0(%arg0: i32) -> (i32, i32) {
    %c0_i32 = arith.constant 0 : i32
    %c0_i32_0 = arith.constant 0 : i32
    return %arg0, %c0_i32 : i32, i32
  }
  func.func @transform_1(%arg0: i32) -> (i32, i32) {
    %c0_i32 = arith.constant 0 : i32
    %c0_i32_0 = arith.constant 0 : i32
    return %arg0, %c0_i32 : i32, i32
  }
  func.func @transform_2(%arg0: i32) -> (i32, i32) {
    %c0_i32 = arith.constant 0 : i32
    %c0_i32_0 = arith.constant 0 : i32
    return %arg0, %c0_i32 : i32, i32
  }
  func.func @transform_3(%arg0: i32) -> (i32, i32) {
    %c0_i32 = arith.constant 0 : i32
    %c0_i32_0 = arith.constant 0 : i32
    return %arg0, %c0_i32 : i32, i32
  }
  func.func @transform_4(%arg0: i32) -> (i32, i32) {
    %c0_i32 = arith.constant 0 : i32
    %c0_i32_0 = arith.constant 0 : i32
    return %arg0, %c0_i32 : i32, i32
  }
  func.func @transform_5(%arg0: i32) -> (i32, i32) {
    %c0_i32 = arith.constant 0 : i32
    %c0_i32_0 = arith.constant 0 : i32
    return %arg0, %c0_i32 : i32, i32
  }
  func.func @transform_6(%arg0: i32) -> (i32, i32) {
    %c0_i32 = arith.constant 0 : i32
    %c0_i32_0 = arith.constant 0 : i32
    %c0_i32_1 = arith.constant 0 : i32
    return %c0_i32, %c0_i32_0 : i32, i32
  }
  func.func @transform_7(%arg0: i32) -> (i32, i32) {
    %c0_i32 = arith.constant 0 : i32
    %c0_i32_0 = arith.constant 0 : i32
    %c0_i32_1 = arith.constant 0 : i32
    return %c0_i32, %c0_i32_0 : i32, i32
  }
  func.func @transform_8(%arg0: i32) -> (i32, i32) {
    %c0_i32 = arith.constant 0 : i32
    %c0_i32_0 = arith.constant 0 : i32
    %c0_i32_1 = arith.constant 0 : i32
    return %c0_i32, %c0_i32_0 : i32, i32
  }
  func.func @transform_9(%arg0: i32) -> (i32, i32) {
    %c0_i32 = arith.constant 0 : i32
    %c0_i32_0 = arith.constant 0 : i32
    %c0_i32_1 = arith.constant 0 : i32
    return %c0_i32, %c0_i32_0 : i32, i32
  }
  func.func @transform_10(%arg0: i32) -> (i32, i32) {
    %c0_i32 = arith.constant 0 : i32
    %c0_i32_0 = arith.constant 0 : i32
    return %arg0, %c0_i32 : i32, i32
  }
  func.func @transform_11(%arg0: i32) -> (i32, i32) {
    %c0_i32 = arith.constant 0 : i32
    %c0_i32_0 = arith.constant 0 : i32
    return %arg0, %c0_i32 : i32, i32
  }
}

module attributes {stable_mosaic.version = 14 : i64} {
  func.func @_tc_f_body(%arg0: i32, %arg1: memref<1024x128xf32, #tpu.memory_space<vmem>>, %arg2: memref<1024x128xf32, #tpu.memory_space<vmem>>, %arg3: memref<1024x128xf32, #tpu.memory_space<vmem>>, %arg4: memref<1024x128xf32, #tpu.memory_space<vmem>>, %arg5: memref<1024x128xf32, #tpu.memory_space<vmem>>, %arg6: memref<1024x128xf32, #tpu.memory_space<vmem>>) attributes {dimension_semantics = [#tpu.dimension_semantics<arbitrary>], iteration_bounds = array<i64: 10>, scalar_prefetch = 0 : i64, scratch_operands = 0 : i64, tpu.core_type = #tpu.core_type<tc>, window_params = [{transform_indices = @transform_0, window_bounds = array<i64: 1024, 128>}, {transform_indices = @transform_1, window_bounds = array<i64: 1024, 128>}, {transform_indices = @transform_2, window_bounds = array<i64: 1024, 128>}, {transform_indices = @transform_3, window_bounds = array<i64: 1024, 128>}, {transform_indices = @transform_4, window_bounds = array<i64: 1024, 128>}, {transform_indices = @transform_5, window_bounds = array<i64: 1024, 128>}]} {
    %get3A = arith.constant 0 : index
    %get3A_0 = arith.constant 0 : index
    %get3A_1 = vector.load %arg5[%get3A, %get3A_0] : memref<1024x128xf32, #tpu.memory_space<vmem>>, vector<1024x1xf32>
    %get3A_2 = arith.constant 0 : index
    %get3A_3 = arith.constant 0 : index
    %get3A_4 = vector.load %arg1[%get3A_2, %get3A_3] : memref<1024x128xf32, #tpu.memory_space<vmem>>, vector<1024x128xf32>
    %get3A_5 = arith.constant 0 : index
    %get3A_6 = arith.constant 0 : index
    %get3A_7 = vector.load %arg2[%get3A_5, %get3A_6] : memref<1024x128xf32, #tpu.memory_space<vmem>>, vector<1024x128xf32>
    %add3A = arith.addf %get3A_4, %get3A_7 : vector<1024x128xf32>
    %get3A_8 = arith.constant 0 : index
    %get3A_9 = arith.constant 0 : index
    %get3A_10 = vector.load %arg3[%get3A_8, %get3A_9] : memref<1024x128xf32, #tpu.memory_space<vmem>>, vector<1024x128xf32>
    %add3A_11 = arith.addf %add3A, %get3A_10 : vector<1024x128xf32>
    %mul3A = vector.broadcast %get3A_1 : vector<1024x1xf32> to vector<1024x128xf32>
    %mul3A_12 = arith.mulf %mul3A, %add3A_11 : vector<1024x128xf32>
    %get3A_13 = arith.constant 0 : index
    %get3A_14 = arith.constant 0 : index
    %get3A_15 = vector.load %arg4[%get3A_13, %get3A_14] : memref<1024x128xf32, #tpu.memory_space<vmem>>, vector<1024x128xf32>
    %add3A_16 = arith.addf %mul3A_12, %get3A_15 : vector<1024x128xf32>
    %swap3A = arith.constant 0 : index
    %swap3A_17 = arith.constant 0 : index
    %swap3A_18 = vector.load %arg6[%swap3A, %swap3A_17] : memref<1024x128xf32, #tpu.memory_space<vmem>>, vector<1024x128xf32>
    tpu.vector_store %arg6[%swap3A, %swap3A_17], %add3A_16 {strides = array<i32>} : memref<1024x128xf32, #tpu.memory_space<vmem>>, vector<1024x128xf32>,
    return
  }
  func.func @transform_0(%arg0: i32) -> (i32, i32) {
    %c0_i32 = arith.constant 0 : i32
    %c0_i32_0 = arith.constant 0 : i32
    return %arg0, %c0_i32 : i32, i32
  }
  func.func @transform_1(%arg0: i32) -> (i32, i32) {
    %c0_i32 = arith.constant 0 : i32
    %c0_i32_0 = arith.constant 0 : i32
    return %arg0, %c0_i32 : i32, i32
  }
  func.func @transform_2(%arg0: i32) -> (i32, i32) {
    %c0_i32 = arith.constant 0 : i32
    %c0_i32_0 = arith.constant 0 : i32
    return %arg0, %c0_i32 : i32, i32
  }
  func.func @transform_3(%arg0: i32) -> (i32, i32) {
    %c0_i32 = arith.constant 0 : i32
    %c0_i32_0 = arith.constant 0 : i32
    return %arg0, %c0_i32 : i32, i32
  }
  func.func @transform_4(%arg0: i32) -> (i32, i32) {
    %c0_i32 = arith.constant 0 : i32
    %c0_i32_0 = arith.constant 0 : i32
    return %arg0, %c0_i32 : i32, i32
  }
  func.func @transform_5(%arg0: i32) -> (i32, i32) {
    %c0_i32 = arith.constant 0 : i32
    %c0_i32_0 = arith.constant 0 : i32
    return %arg0, %c0_i32 : i32, i32
  }
}

</mosaic_0001>

<sc_bundles>
// kernel: kernel.12.cloned.1.call-start
scs
__scs_entry_jumppad:
0x0: {  	(pc) =	sbr.rel $0x88, $3  }
0x1: {  	(tag) =	ssettag $0x0;
	lr =	simm.s32 $0x1  }
0x2: {  	[smem:$0x3F98] =	sst lr;
	_ =	strace $0xD0000000  }
0x3: {  	_ = 	snop  }
0x4: {  	_ = 	snop  }
0x5: {  	_ = 	snop  }
0x6: {  	_ = 	snop  }
0x7: {  	_ = 	snop  }
__scs_overlays_trampoline_lowered:
0x8: {  	[smem:$0x3FA7] =	sst s0  }
0x9: {  	[smem:$0x3FA8] =	sst s1  }
0xa: {  	[smem:$0x3FA9] =	sst s2  }
0xb: {  	[smem:$0x3FAA] =	sst s3  }
0xc: {  	[smem:$0x3FAB] =	sst s4  }
0xd: {  	[smem:$0x3FAC] =	sst s5  }
0xe: {  	[smem:$0x3FAD] =	sst s6  }
0xf: {  	[smem:$0x3FAE] =	sst s7  }
0x10: {  	[smem:$0x3FAF] =	sst s8  }
0x11: {  	[smem:$0x3FB0] =	sst s9;
	s0 =	simm.s32 @!p0 $0x0  }
0x12: {  	s1 =	sld [smem:$0x3F96];
	s0 =	simm.s32 @p0 $0x1  }
0x13: {  	[smem:$0x3FB1] =	sst s0;
	s0 =	simm.s32 @!p1 $0x0  }
0x14: {  	s2 =	sld [smem:$0x3F95];
	s0 =	simm.s32 @p1 $0x1  }
0x15: {  	[smem:$0x3FB2] =	sst s0;
	s0 =	simm.s32 @!p2 $0x0  }
0x16: {  	s3 =	sld [smem:$0x3FDB];
	s0 =	simm.s32 @p2 $0x1  }
0x17: {  	s4 =	simm.s32 $0x1BF5;
	[smem:$0x3FB4] =	sst s0  }
0x18: {  	s0 =	sld [smem:$0x3F97];
	_ =	swait.ge [sflag:s4], $0x0  }
0x19: {  	s7 =	sld [smem:$0x3F98]  }
0x1a: {  	s8 =	sadd.s32 $0xFFFFE003, lr  }
0x1b: {  	s9 =	sadd.s32 $0xFFFFFEF7, lr;
	s5 =	simm.s32 $0xFFFFFFFF;
	p2 =	slt.u32 s8, $0xFFFFF086  }
0x1c: {  	p1 =	slt.u32 s9, $0xF7A;
	s5 =	simm.s32 @!p2 $0x0  }
0x1d: {  	s5 =	simm.s32 @p1 $0x1;
	p0 =	seq.s32 s7, s2  }
0x1e: {  	s7 =	smul.u32 @!p0 $0xF7A, s2;
	p2 =	seq.s32 @!p0 s5, $0x0  }
0x1f: {  	s9 =	smul.u32 $0xF7A, s1;
	s8 =	simm.s32 @!p0 $0x1BF5;
	p2 =	por !p2, p0  }
0x20: {  	[sflag:s8] =	ssyncset.s32 @!p0 $0xFFFFF086;
	s6 =	sadd.s32 @!p0 s3, s7;
	s7 =	simm.s32 @!p0 $0x108  }
0x21: {  	s3 =	sadd.s32 s3, s9;
	s6 =	sadd.s32 @!p0 $0x88, s6;
	s7 =	simm.s32 @p2 $0x1082  }
0x22: {  	[simem:s7], [sflag:s8] =	dma.local @!p0 [hbm:s6], $0xF7A  }
0x23: {  	s9 =	sor.u32 $0xD0000000, s2;
	s6 =	simm.s32 $0x108;
	_ =	swait.ge @!p0 [sflag:s8], $0x0  }
0x24: {  	s3 =	sadd.s32 $0x88, s3;
	s6 =	simm.s32 @!p1 $0x1082;
	[sflag:s4] =	ssyncset.s32 $0xFFFFF086  }
0x25: {  	[simem:s6], [sflag:s4] =	dma.local [hbm:s3], $0xF7A  }
0x26: {  	[smem:$0x3F98] =	sst s1;
	(tag) =	ssettag s2;
	_ =	strace s9  }
0x27: {  	s1 =	sld [smem:$0x3FA8]  }
0x28: {  	s2 =	sld [smem:$0x3FA9]  }
0x29: {  	s4 =	sld [smem:$0x3FAB]  }
0x2a: {  	p0 =	seq.s32 s5, $0x0;
	s5 =	sld [smem:$0x3FAC]  }
0x2b: {  	s6 =	sld [smem:$0x3FAD]  }
0x2c: {  	s7 =	sld [smem:$0x3FAE]  }
0x2d: {  	s3 =	simm.s32 $0x108;
	s8 =	sld [smem:$0x3FAF]  }
0x2e: {  	s3 =	simm.s32 @!p0 $0x1082;
	s9 =	sld [smem:$0x3FB0]  }
0x2f: {  	lr =	sadd.s32 s0, s3;
	s0 =	sld [smem:$0x3FA7]  }
0x30: {  	s3 =	sld [smem:$0x3FAA]  }
0x31: {  	[smem:$0x3FB3] =	sst s10  }
0x32: {  	s10 =	sld [smem:$0x3FB1];
	_ =	sdelay $0x3  }
0x33: {  	p0 =	seq.s32 s10, $0x1;
	s10 =	sld [smem:$0x3FB3];
	_ =	sdelay $0x3  }
0x34: {  	[smem:$0x3FB3] =	sst s10  }
0x35: {  	s10 =	sld [smem:$0x3FB2];
	_ =	sdelay $0x3  }
0x36: {  	p1 =	seq.s32 s10, $0x1;
	s10 =	sld [smem:$0x3FB3];
	_ =	sdelay $0x3  }
0x37: {  	[smem:$0x3FB3] =	sst s10  }
0x38: {  	s10 =	sld [smem:$0x3FB4]  }
0x39: {  	_ = 	snop;
	(pc) =	sbr.ind lr, $3  }
0x3a: {  	_ = 	snop  }
0x3b: {  	_ = 	snop  }
0x3c: {  	p2 =	seq.s32 s10, $0x1;
	s10 =	sld [smem:$0x3FB3]  }
0x3d: {  	_ =	shalt  }
0x3e: {  	_ =	shalt  }
0x3f: {  	_ =	shalt  }
0x40: {  	_ =	shalt  }
0x41: {  	_ =	shalt  }
0x42: {  	_ =	shalt  }
0x43: {  	_ =	shalt  }
0x44: {  	_ =	shalt  }
0x45: {  	_ =	shalt  }
0x46: {  	_ =	shalt  }
0x47: {  	_ =	shalt  }
0x48: {  	_ =	shalt  }
0x49: {  	_ =	shalt  }
0x4a: {  	_ =	shalt  }
0x4b: {  	_ =	shalt  }
0x4c: {  	_ =	shalt  }
0x4d: {  	_ =	shalt  }
0x4e: {  	_ =	shalt  }
0x4f: {  	_ =	shalt  }
0x50: {  	_ =	shalt  }
0x51: {  	_ =	shalt  }
0x52: {  	_ =	shalt  }
0x53: {  	_ =	shalt  }
0x54: {  	_ =	shalt  }
0x55: {  	_ =	shalt  }
0x56: {  	_ =	shalt  }
0x57: {  	_ =	shalt  }
0x58: {  	_ =	shalt  }
0x59: {  	_ =	shalt  }
0x5a: {  	_ =	shalt  }
0x5b: {  	_ =	shalt  }
0x5c: {  	_ =	shalt  }
0x5d: {  	_ =	shalt  }
0x5e: {  	_ =	shalt  }
0x5f: {  	_ =	shalt  }
0x60: {  	_ =	shalt  }
0x61: {  	_ =	shalt  }
0x62: {  	_ =	shalt  }
0x63: {  	_ =	shalt  }
0x64: {  	_ =	shalt  }
0x65: {  	_ =	shalt  }
0x66: {  	_ =	shalt  }
0x67: {  	_ =	shalt  }
0x68: {  	_ =	shalt  }
0x69: {  	_ =	shalt  }
0x6a: {  	_ =	shalt  }
0x6b: {  	_ =	shalt  }
0x6c: {  	_ =	shalt  }
0x6d: {  	_ =	shalt  }
0x6e: {  	_ =	shalt  }
0x6f: {  	_ =	shalt  }
0x70: {  	_ =	shalt  }
0x71: {  	_ =	shalt  }
0x72: {  	_ =	shalt  }
0x73: {  	_ =	shalt  }
0x74: {  	_ =	shalt  }
0x75: {  	_ =	shalt  }
0x76: {  	_ =	shalt  }
0x77: {  	_ =	shalt  }
0x78: {  	_ =	shalt  }
0x79: {  	_ =	shalt  }
0x7a: {  	_ =	shalt  }
0x7b: {  	_ =	shalt  }
0x7c: {  	_ =	shalt  }
0x7d: {  	_ =	shalt  }
0x7e: {  	_ =	shalt  }
0x7f: {  	_ =	shalt  }
0x80: {  	_ =	shalt  }
0x81: {  	_ =	shalt  }
0x82: {  	_ =	shalt  }
0x83: {  	_ =	shalt  }
0x84: {  	_ =	shalt  }
0x85: {  	_ =	shalt  }
0x86: {  	_ =	shalt  }
0x87: {  	_ =	shalt  }
.Lfunc_end0:
.L_simem_size_0:
called_computation.1_lowered:
.L_overlay_start_0:
0x88: {  	s2 =	sld [smem:$0x3FD9]  }
0x89: {  	s3 =	sld [smem:$0x3FFE];
	_ =	sdelay $0x1  }
0x8a: {  	s1 =	srdreg.scid  }
0x8b: {  	s0 =	sand.u32 $0x1, s1  }
0x8c: {  	s17 =	sshll.u32 s0, $0xA;
	s2 =	sadd.s32 s3, s2  }
0x8d: {  	s2 =	sadd.s32 s2, s17  }
0x8e: {  	[smem:$0x3FBF] =	sst s2  }
0x8f: {  	_ = 	snop  }
0x90: {  	s18 =	sld [smem:$0x3FD0];
	(tm) =	ssettm $0x1  }
0x91: {  	s19 =	sld [smem:$0x3FFB];
	_ =	sdelay $0x3  }
0x92: {  	_ =	strace s19  }
0x93: {  	s2 =	sld [smem:$0x3FFC];
	_ =	sdelay $0x3  }
0x94: {  	_ =	strace s2  }
0x95: {  	s2 =	sld [smem:$0x3FFD];
	_ =	sdelay $0x3  }
0x96: {  	_ =	strace s2  }
0x97: {  	_ =	strace $0x8FFFFFFF  }
0x98: {  	s20 =	sld [smem:$0x3FDB];
	_ =	sdelay $0x1  }
0x99: {  	s4 =	simm.s32 $_scs_section_size  }
0x9a: {  	s5 =	simm.s32 $_size__tile_overlayer_lowered;
	s6 =	simm.s32 $_tile_overlayer_lowered  }
0x9b: {  	s7 =	simm.s32 $0x1BFF;
	s21 =	sshll.u32 s6, $0x1;
	s4 =	sadd.s32 s4, s20  }
0x9c: {  	s22 =	simm.s32 $0x0;
	s5 =	sshll.u32 s5, $0x1;
	s6 =	sadd.s32 s21, s4  }
0x9d: {  	[timem:s22], [sflag:s7] =	dma.local [hbm:s6], s5  }
0x9e: {  	_ =	swait.ge [sflag:s7], s5  }
0x9f: {  	s5 =	ssub.s32 $0x0, s5;
	[sflag:s7] =	ssyncset.done $0x0  }
0xa0: {  	[sflag:s7] =	ssyncadd.s32 s5;
	_ =	sdelay $0x1  }
0xa1: {  	s23 =	simm.s32 $0x1B8B  }
0xa2: {  	_ =	swait.ge [sflag:s23], $0x1  }
0xa3: {  	[sflag:s23] =	ssyncset.done $0x0  }
0xa4: {  	[sflag:s23] =	ssyncadd.s32 $0xFFFFFFFF  }
0xa5: {  	s5 =	sld [smem:$0x0]  }
0xa6: {  	s6 =	sand.u32 $0xFFFFFFFE, s1  }
0xa7: {  	p0 =	sne.s32 s1, s6  }
0xa8: {  	s6 =	sshll.u32 @p0 s6, $0xE  }
0xa9: {  	s6 =	sadd.s32 @p0 $0x11B8D, s6;
	s7 =	sshll.u32 @p0 s5, $0x11  }
0xaa: {  	s6 =	sor.u32 @p0 s7, s6  }
0xab: {  	[sflag:s6] =	ssyncadd.remote.s32 @p0 $0x1;
	_ =	sdelay $0x1  }
0xac: {  	s6 =	simm.s32 @p0 $0x1B8D  }
0xad: {  	_ =	swait.eq @p0 [sflag:s6], $0x1  }
0xae: {  	[sflag:s6] =	ssyncadd.s32 @p0 $0xFFFFFFFF  }
0xaf: {  	s7 =	sshll.u32 @!p0 s1, $0xE  }
0xb0: {  	s7 =	sor.u32 @!p0 $0x4000, s7;
	s6 =	simm.s32 @!p0 $0x1B8D  }
0xb1: {  	s5 =	sshll.u32 @!p0 s5, $0x11;
	s7 =	sadd.s32 @!p0 $0x11B8D, s7;
	_ =	swait.eq @!p0 [sflag:s6], $0x1  }
0xb2: {  	s5 =	sor.u32 @!p0 s5, s7;
	[sflag:s6] =	ssyncadd.s32 @!p0 $0xFFFFFFFF  }
0xb3: {  	s25 =	simm.s32 $0x1B8E;
	s24 =	sld [smem:$0x3FFE];
	[sflag:s5] =	ssyncadd.remote.s32 @!p0 $0x1  }
0xb4: {  	s26 =	simm.s32 $execute0_lowered;
	[smem:$0x3FD2] =	sst s25  }
0xb5: {  	s6 =	sshll.u32 s26, $0x1;
	_ =	strace $0x8000004C;
	[dreg:$0x1] =	wrdreg $0xFFFFFFFF  }
0xb6: {  	s28 =	simm.s32 $_size_execute0_lowered;
	s4 =	sadd.s32 s4, s6;
	[dreg:$0x0] =	wrdreg $0x0  }
0xb7: {  	s6 =	sshll.u32 s28, $0x1;
	[dreg:$0x2] =	wrdreg s4  }
0xb8: {  	[dreg:$0x3] =	wrdreg s6  }
0xb9: {  	[dreg:$0x4] =	wrdreg $0xC0  }
0xba: {  	_ =	task [dreg:s22], $0x5FFFF  }
0xbb: {  	[dreg:$0x1] =	wrdreg $0xFFFFFFFF  }
0xbc: {  	[dreg:$0x0] =	wrdreg $0x60  }
0xbd: {  	[dreg:$0x2] =	wrdreg s24  }
0xbe: {  	[dreg:$0x3] =	wrdreg s18  }
0xbf: {  	[dreg:$0x4] =	wrdreg $0x29000  }
0xc0: {  	[dreg:$0x5] =	wrdreg $0x9  }
0xc1: {  	_ =	task.clear_ibuf [dreg:s22], $0x6FFFF;
	_ =	strace $0x9000004C  }
0xc2: {  	s29 =	simm.s32 $0x9;
	_ =	strace $0x8000004E  }
0xc3: {  	_ =	swait.ge [sflag:s29], $0x1  }
0xc4: {  	[sflag:s29] =	ssyncadd.s32 $0xFFFFFFFF  }
0xc5: {  	_ =	strace $0x9000004E  }
0xc6: {  	_ =	sfence  }
0xc7: {  	s30 =	sld [smem:$0x0];
	_ =	sdelay $0x2  }
0xc8: {  	s31 =	sshll.u32 s1, $0xD;
	s1 =	sshrl.u32 s1, $0x2  }
0xc9: {  	s4 =	sand.u32 $0x4000, s31;
	s1 =	sadd.s32 s1, s30  }
0xca: {  	s0 =	sor.u32 s4, s0;
	s1 =	sshll.u32 s1, $0x11  }
0xcb: {  	s0 =	sor.u32 s1, s0  }
0xcc: {  	s0 =	sadd.s32 $0x8F2B, s0  }
0xcd: {  	[sflag:s0] =	ssyncadd.remote.s32 $0x1  }
0xce: {  	_ =	sfence.sel $0xFFFF  }
0xcf: {  	[dreg:$0x0] =	wrdreg $0xFFFFFFFF;
	(pc) =	sbr.abs _section_cstart, $3  }
0xd0: {  	[dreg:$0x1] =	wrdreg $0xFFFFFFFF  }
0xd1: {  	_ =	task.clear_ibuf [dreg:s22], $0x2FFFF;
	_ =	strace $0x9FFFFFFF  }
0xd2: {  	(tm) =	ssettm $0x7FFFFFFF  }
0xd3: {  	_ =	shalt  }
tec
execute0_lowered:
.L_overlay_start_1:
0x0: {  	(tag) =	ssettag $0x1  }
0x1: {  	s5 =	rddreg [dreg:$0x0]  }
0x2: {  	s15 =	rddreg [dreg:$0x1]  }
0x3: {  	s0 =	srdreg.scid;
	s2 =	rddreg [dreg:$0x2]  }
0x4: {  	s1 =	rddreg [dreg:$0x3];
	s6 =	sand.u32 $0x1, s0  }
0x5: {  	s0 =	stileid.u32;
	s4 =	smul.u32 $0x27100, s6  }
0x6: {  	s3 =	simm.s32 $0x0;
	s18 =	simm.s32 $0x2;
	s7 =	smul.u32 $0x2710, s0  }
0x7: {  	s19 =	simm.s32 $0x80;
	s20 =	simm.s32 $0x50;
	s8 =	smul.u32 $0x140000, s6  }
0x8: {  	s21 =	simm.s32 $0x1;
	s22 =	simm.s32 $0x0;
	s29 =	smul.u32 $0x14000, s0  }
0x9: {  	[smem:$0x7FF] =	sst s3;
	s9 =	smul.u32 $0x50000, s0;
	s6 =	ssub.s32 $0x2, s6  }
0xa: {  	_ =	strace $0x8000004D;
	s31 =	sshrl.u32 s6, $0x1;
	s4 =	sadd.s32 s7, s4  }
0xb: {  	s7 =	sadd.s32 s29, s8;
	s30 =	sshrl.u32 s9, $0x2;
	s14 =	ssub.s32 s6, s31  }
0xc: {  	s16 =	sshrl.u32 s4, $0x3;
	s4 =	sadd.s32 $0x36400, s5;
	s7 =	sshrl.u32 s7, $0x3  }
0xd: {  	s17 =	sadd.s32 s16, s5;
	s13 =	sadd.s32 s7, s5;
	s5 =	sadd.s32 s30, s2  }
0xe: {  	s14 =	smax.u32 s14, $0x1;
	s15 =	sadd.s32 s16, s15;
	s6 =	sadd.s32 $0x2800, s5  }
0xf: {  	s7 =	sadd.s32 $0x5000, s5;
	s8 =	sadd.s32 $0x7800, s5;
	s9 =	sadd.s32 $0xA000, s5  }
0x10: {  	s10 =	sadd.s32 $0xC800, s5;
	s11 =	sadd.s32 $0xF000, s5;
	s12 =	sadd.s32 $0x11800, s5  }
0x11: {  	v0 =	vimm.f32 $0.0e+00;
	s13 =	sadd.s32 $0x590400, s13;
	s16 =	sadd.s32 $0x4600, s17;
	s17 =	simm.s32 $0x100  }
.LBB2_1:
0x12: {  	s23 =	simm.s32 $0x0;
	s24 =	simm.s32 $0x200  }
.LBB2_2:
0x13: {  	p0 =	sne.s32 s24, $0x9E00;
	[tilespmem:s23+$0x170] =	vst v0  }
0x14: {  	[tilespmem:s23+$0x100] =	vst v0  }
0x15: {  	[tilespmem:s23+$0x110] =	vst v0  }
.Ltmp0:
0x16: {  	[tilespmem:s23+$0x120] =	vst v0;
	(pc) =	sbr.rel @p0 .LBB2_2-.Ltmp0, $4  }
0x17: {  	[tilespmem:s23+$0x130] =	vst v0  }
0x18: {  	[tilespmem:s23+$0x140] =	vst v0  }
0x19: {  	[tilespmem:s23+$0x150] =	vst v0  }
0x1a: {  	[tilespmem:s23+$0x160] =	vst v0;
	s23 =	sshra.s32 s24, $0x2;
	s24 =	sadd.s32 $0x200, s24  }
0x1b: {  	[tilespmem:s23+$0x170] =	vst v0  }
0x1c: {  	[tilespmem:s23+$0x100] =	vst v0  }
0x1d: {  	[tilespmem:s23+$0x110] =	vst v0  }
0x1e: {  	[tilespmem:s23+$0x120] =	vst v0  }
0x1f: {  	[tilespmem:s23+$0x130] =	vst v0  }
0x20: {  	[tilespmem:s23+$0x140] =	vst v0  }
0x21: {  	[tilespmem:s23+$0x150] =	vst v0  }
0x22: {  	[tilespmem:s23+$0x160] =	vst v0  }
0x23: {  	[spmem:s5] =	stream.linear.scatter [tilespmem:s17], [sflag:$0x2], $0x2800, $0x38;
	[tilespmem:$0x16900] =	vst v63  }
0x24: {  	_ =	swait.ge [sflag:s18], $0x2800  }
0x25: {  	[sflag:s18] =	ssyncset.done $0x0  }
0x26: {  	[sflag:s18] =	ssyncadd.s32 $0xFFFFD800  }
0x27: {  	[spmem:s6] =	stream.linear.scatter [tilespmem:s17], [sflag:$0x2], $0x2800, $0x38;
	[tilespmem:$0x16900] =	vst v63  }
0x28: {  	_ =	swait.ge [sflag:s18], $0x2800  }
0x29: {  	[sflag:s18] =	ssyncset.done $0x0  }
0x2a: {  	[sflag:s18] =	ssyncadd.s32 $0xFFFFD800  }
0x2b: {  	[spmem:s7] =	stream.linear.scatter [tilespmem:s17], [sflag:$0x2], $0x2800, $0x38;
	[tilespmem:$0x16900] =	vst v63  }
0x2c: {  	_ =	swait.ge [sflag:s18], $0x2800  }
0x2d: {  	[sflag:s18] =	ssyncset.done $0x0  }
0x2e: {  	[sflag:s18] =	ssyncadd.s32 $0xFFFFD800  }
0x2f: {  	[spmem:s8] =	stream.linear.scatter [tilespmem:s17], [sflag:$0x2], $0x2800, $0x38;
	[tilespmem:$0x16900] =	vst v63  }
0x30: {  	_ =	swait.ge [sflag:s18], $0x2800  }
0x31: {  	[sflag:s18] =	ssyncset.done $0x0  }
0x32: {  	[sflag:s18] =	ssyncadd.s32 $0xFFFFD800  }
0x33: {  	[spmem:s9] =	stream.linear.scatter [tilespmem:s17], [sflag:$0x2], $0x2800, $0x38;
	[tilespmem:$0x16900] =	vst v63  }
0x34: {  	_ =	swait.ge [sflag:s18], $0x2800  }
0x35: {  	[sflag:s18] =	ssyncset.done $0x0  }
0x36: {  	[sflag:s18] =	ssyncadd.s32 $0xFFFFD800  }
0x37: {  	[spmem:s10] =	stream.linear.scatter [tilespmem:s17], [sflag:$0x2], $0x2800, $0x38;
	[tilespmem:$0x16900] =	vst v63  }
0x38: {  	_ =	swait.ge [sflag:s18], $0x2800  }
0x39: {  	[sflag:s18] =	ssyncset.done $0x0  }
0x3a: {  	[sflag:s18] =	ssyncadd.s32 $0xFFFFD800  }
0x3b: {  	[spmem:s11] =	stream.linear.scatter [tilespmem:s17], [sflag:$0x2], $0x2800, $0x38;
	[tilespmem:$0x16900] =	vst v63  }
0x3c: {  	_ =	swait.ge [sflag:s18], $0x2800  }
0x3d: {  	[sflag:s18] =	ssyncset.done $0x0  }
0x3e: {  	[sflag:s18] =	ssyncadd.s32 $0xFFFFD800  }
0x3f: {  	[spmem:s12] =	stream.linear.scatter [tilespmem:s17], [sflag:$0x2], $0x2800, $0x38;
	[tilespmem:$0x16900] =	vst v63  }
0x40: {  	_ =	swait.ge [sflag:s18], $0x2800  }
0x41: {  	[sflag:s18] =	ssyncset.done $0x0  }
0x42: {  	[sflag:s18] =	ssyncadd.s32 $0xFFFFD800  }
0x43: {  	s30 =	sadd.s32 $0x0, s16;
	[bflag:$0x0] =	sbarrier.arrive $0xFFFF  }
0x44: {  	[tilespmem:s3], [sflag:$0x2] =	stream.linear.gather [hbm4b:s30+s3], $0x50, $0x38;
	[tilespmem:$0x16900] =	vst v63  }
0x45: {  	_ =	swait.ge [sflag:s18], $0x50  }
0x46: {  	[sflag:s18] =	ssyncset.done $0x0  }
0x47: {  	s31 =	sadd.s32 $0x0, s15;
	[sflag:s18] =	ssyncadd.s32 $0xFFFFFFB0  }
0x48: {  	[tilespmem:s19], [sflag:$0x2] =	stream.linear.gather [hbm4b:s31+s3], $0x50, $0x38;
	[tilespmem:$0x16900] =	vst v63  }
0x49: {  	_ =	swait.ge [sflag:s18], $0x50  }
0x4a: {  	[sflag:s18] =	ssyncset.done $0x0  }
0x4b: {  	[sflag:s18] =	ssyncadd.s32 $0xFFFFFFB0  }
0x4c: {  	[tilespmem:s17], [sflag:$0x1] =	stream.indirect.gather [hbm4b:s4+s20], $0x80, s3, s20, $0xb8;
	[tilespmem:$0x16900] =	vst v63  }
0x4d: {  	_ =	swait.ge [sflag:s21], $0x2800  }
0x4e: {  	[sflag:s21] =	ssyncset.done $0x0  }
0x4f: {  	[sflag:s21] =	ssyncadd.s32 $0xFFFFD800  }
0x50: {  	[spmem:s2] =	stream.indirect.scatter.add.f32 [tilespmem:s17], [sflag:$0x2], $0x80, s19, s20, $0xb8;
	[tilespmem:$0x16900] =	vst v63  }
0x51: {  	_ =	swait.ge [sflag:s18], $0x2800  }
0x52: {  	s23 =	simm.s32 $0xA;
	s24 =	simm.s32 $0x14;
	[sflag:s18] =	ssyncset.done $0x0  }
.LBB2_4:
0x53: {  	s25 =	sadd.s32 s23, s16  }
0x54: {  	[sflag:s18] =	ssyncadd.s32 $0xFFFFD800;
	s26 =	smov.u32 s24;
	s28 =	sadd.s32 $0xA, s24  }
0x55: {  	[tilespmem:s3], [sflag:$0x2] =	stream.linear.gather [hbm4b:s25+s3], $0x50, $0x38;
	[tilespmem:$0x16900] =	vst v63  }
0x56: {  	p0 =	sne.s32 s24, $0x4D8;
	_ =	swait.ge [sflag:s18], $0x50  }
0x57: {  	[sflag:s18] =	ssyncset.done $0x0  }
0x58: {  	s24 =	sadd.s32 s23, s15;
	s23 =	smov.u32 s26;
	[sflag:s18] =	ssyncadd.s32 $0xFFFFFFB0  }
0x59: {  	[tilespmem:s19], [sflag:$0x2] =	stream.linear.gather [hbm4b:s24+s3], $0x50, $0x38;
	[tilespmem:$0x16900] =	vst v63  }
0x5a: {  	_ =	swait.ge [sflag:s18], $0x50  }
0x5b: {  	[sflag:s18] =	ssyncset.done $0x0  }
0x5c: {  	[sflag:s18] =	ssyncadd.s32 $0xFFFFFFB0  }
0x5d: {  	[tilespmem:s17], [sflag:$0x1] =	stream.indirect.gather [hbm4b:s4+s20], $0x80, s3, s20, $0xb8;
	[tilespmem:$0x16900] =	vst v63  }
0x5e: {  	_ =	swait.ge [sflag:s21], $0x2800  }
.Ltmp1:
0x5f: {  	[sflag:s21] =	ssyncset.done $0x0;
	(pc) =	sbr.rel @p0 .LBB2_4-.Ltmp1, $4  }
0x60: {  	[sflag:s21] =	ssyncadd.s32 $0xFFFFD800  }
0x61: {  	[spmem:s2] =	stream.indirect.scatter.add.f32 [tilespmem:s17], [sflag:$0x2], $0x80, s19, s20, $0xb8;
	[tilespmem:$0x16900] =	vst v63  }
0x62: {  	_ =	swait.ge [sflag:s18], $0x2800  }
0x63: {  	s24 =	smov.u32 s28;
	[sflag:s18] =	ssyncset.done $0x0  }
0x64: {  	s24 =	sadd.s32 s23, s16;
	[sflag:s18] =	ssyncadd.s32 $0xFFFFD800  }
0x65: {  	[tilespmem:s3], [sflag:$0x2] =	stream.linear.gather [hbm4b:s24+s3], $0x50, $0x38;
	[tilespmem:$0x16900] =	vst v63  }
0x66: {  	_ =	swait.ge [sflag:s18], $0x50  }
0x67: {  	[sflag:s18] =	ssyncset.done $0x0  }
0x68: {  	s29 =	sadd.s32 s23, s15;
	[sflag:s18] =	ssyncadd.s32 $0xFFFFFFB0  }
0x69: {  	[tilespmem:s19], [sflag:$0x2] =	stream.linear.gather [hbm4b:s29+s3], $0x50, $0x38;
	[tilespmem:$0x16900] =	vst v63  }
0x6a: {  	_ =	swait.ge [sflag:s18], $0x50  }
0x6b: {  	[sflag:s18] =	ssyncset.done $0x0  }
0x6c: {  	[sflag:s18] =	ssyncadd.s32 $0xFFFFFFB0  }
0x6d: {  	[tilespmem:s17], [sflag:$0x1] =	stream.indirect.gather [hbm4b:s4+s20], $0x80, s3, s20, $0xb8;
	[tilespmem:$0x16900] =	vst v63  }
0x6e: {  	_ =	swait.ge [sflag:s21], $0x2800  }
0x6f: {  	[sflag:s21] =	ssyncset.done $0x0  }
0x70: {  	[sflag:s21] =	ssyncadd.s32 $0xFFFFD800  }
0x71: {  	[spmem:s2] =	stream.indirect.scatter.add.f32 [tilespmem:s17], [sflag:$0x2], $0x80, s19, s20, $0xb8;
	[tilespmem:$0x16900] =	vst v63  }
0x72: {  	_ =	swait.ge [sflag:s18], $0x2800  }
0x73: {  	s30 =	sshll.u32 s0, $0x6;
	s22 =	sadd.s32 $0x1, s22;
	[sflag:s18] =	ssyncset.done $0x0  }
0x74: {  	s31 =	sshrl.u32 s5, $0x3;
	p0 =	sne.s32 s22, s14;
	[sflag:s18] =	ssyncadd.s32 $0xFFFFD800  }
.Ltmp2:
0x75: {  	s23 =	sor.u32 $0x1C02, s30;
	[bflag:$0x0] =	sbarrier.arrive $0xFFFF;
	(pc) =	sbr.rel @p0 .LBB2_1-.Ltmp2, $4  }
0x76: {  	[hbm:s13], [sflag:s23] =	dma.local [spmem:s31], $0x2800  }
0x77: {  	_ =	swait.ge [sflag:s18], $0x2800  }
0x78: {  	[sflag:s18] =	ssyncset.done $0x0  }
0x79: {  	[sflag:s18] =	ssyncadd.s32 $0xFFFFD800  }
0x7a: {  	_ =	sfence.sel $0x180000  }
0x7b: {  	[bflag:$0x0] =	sbarrier.arrive $0xFFFF  }
0x7c: {  	p0 =	sne.s32 s0, $0x0;
	_ =	strace $0x9000004D  }
0x7d: {  	s0 =	sadd.s32 @!p0 $0x100000, s1;
	[bflag:$0x2] =	sbarrier.arrive $0xFFFF  }
0x7e: {  	[sflag:s0] =	ssyncadd.tile.s32 @!p0 $0x1;
	_ =	shalt  }
.Lfunc_end2:
_tile_overlayer_lowered:
.L_overlay_start_2:
0x7f: {  	(tag) =	ssettag $0x2  }
0x80: {  	s0 =	rddreg [dreg:$0x0];
	s2 =	stileid.u32  }
0x81: {  	s1 =	rddreg [dreg:$0x1];
	p0 =	sne.s32 s2, $0x0  }
0x82: {  	s3 =	rddreg [dreg:$0x2];
	[bflag:$0x3] =	sbarrier.arrive $0xFFFF;
	s2 =	simm.s32 @!p0 $0x1C02  }
0x83: {  	[timem:s3], [sflag:s2] =	dma.local @!p0 [hbm:s0], s1  }
0x84: {  	s0 =	simm.s32 @!p0 $0x2  }
0x85: {  	_ =	swait.ge @!p0 [sflag:s0], s1  }
0x86: {  	s1 =	ssub.s32 @!p0 $0x0, s1;
	[sflag:s0] =	ssyncset.done @!p0 $0x0  }
0x87: {  	[sflag:s0] =	ssyncadd.s32 @!p0 s1  }
0x88: {  	[bflag:$0x3] =	sbarrier.arrive $0xFFFF  }
0x89: {  	_ =	shalt  }

// kernel: kernel.15.cloned.1.call-start
scs
__scs_entry_jumppad:
0x0: {  	(pc) =	sbr.rel $0x88, $3  }
0x1: {  	(tag) =	ssettag $0x0;
	lr =	simm.s32 $0x1  }
0x2: {  	[smem:$0x3F98] =	sst lr;
	_ =	strace $0xD0000000  }
0x3: {  	_ = 	snop  }
0x4: {  	_ = 	snop  }
0x5: {  	_ = 	snop  }
0x6: {  	_ = 	snop  }
0x7: {  	_ = 	snop  }
__scs_overlays_trampoline_lowered:
0x8: {  	[smem:$0x3FA7] =	sst s0  }
0x9: {  	[smem:$0x3FA8] =	sst s1  }
0xa: {  	[smem:$0x3FA9] =	sst s2  }
0xb: {  	[smem:$0x3FAA] =	sst s3  }
0xc: {  	[smem:$0x3FAB] =	sst s4  }
0xd: {  	[smem:$0x3FAC] =	sst s5  }
0xe: {  	[smem:$0x3FAD] =	sst s6  }
0xf: {  	[smem:$0x3FAE] =	sst s7  }
0x10: {  	[smem:$0x3FAF] =	sst s8  }
0x11: {  	[smem:$0x3FB0] =	sst s9;
	s0 =	simm.s32 @!p0 $0x0  }
0x12: {  	s1 =	sld [smem:$0x3F96];
	s0 =	simm.s32 @p0 $0x1  }
0x13: {  	[smem:$0x3FB1] =	sst s0;
	s0 =	simm.s32 @!p1 $0x0  }
0x14: {  	s2 =	sld [smem:$0x3F95];
	s0 =	simm.s32 @p1 $0x1  }
0x15: {  	[smem:$0x3FB2] =	sst s0;
	s0 =	simm.s32 @!p2 $0x0  }
0x16: {  	s3 =	sld [smem:$0x3FDB];
	s0 =	simm.s32 @p2 $0x1  }
0x17: {  	s4 =	simm.s32 $0x1BF5;
	[smem:$0x3FB4] =	sst s0  }
0x18: {  	s0 =	sld [smem:$0x3F97];
	_ =	swait.ge [sflag:s4], $0x0  }
0x19: {  	s7 =	sld [smem:$0x3F98]  }
0x1a: {  	s8 =	sadd.s32 $0xFFFFE003, lr  }
0x1b: {  	s9 =	sadd.s32 $0xFFFFFEF7, lr;
	s5 =	simm.s32 $0xFFFFFFFF;
	p2 =	slt.u32 s8, $0xFFFFF086  }
0x1c: {  	p1 =	slt.u32 s9, $0xF7A;
	s5 =	simm.s32 @!p2 $0x0  }
0x1d: {  	s5 =	simm.s32 @p1 $0x1;
	p0 =	seq.s32 s7, s2  }
0x1e: {  	s7 =	smul.u32 @!p0 $0xF7A, s2;
	p2 =	seq.s32 @!p0 s5, $0x0  }
0x1f: {  	s9 =	smul.u32 $0xF7A, s1;
	s8 =	simm.s32 @!p0 $0x1BF5;
	p2 =	por !p2, p0  }
0x20: {  	[sflag:s8] =	ssyncset.s32 @!p0 $0xFFFFF086;
	s6 =	sadd.s32 @!p0 s3, s7;
	s7 =	simm.s32 @!p0 $0x108  }
0x21: {  	s3 =	sadd.s32 s3, s9;
	s6 =	sadd.s32 @!p0 $0x88, s6;
	s7 =	simm.s32 @p2 $0x1082  }
0x22: {  	[simem:s7], [sflag:s8] =	dma.local @!p0 [hbm:s6], $0xF7A  }
0x23: {  	s9 =	sor.u32 $0xD0000000, s2;
	s6 =	simm.s32 $0x108;
	_ =	swait.ge @!p0 [sflag:s8], $0x0  }
0x24: {  	s3 =	sadd.s32 $0x88, s3;
	s6 =	simm.s32 @!p1 $0x1082;
	[sflag:s4] =	ssyncset.s32 $0xFFFFF086  }
0x25: {  	[simem:s6], [sflag:s4] =	dma.local [hbm:s3], $0xF7A  }
0x26: {  	[smem:$0x3F98] =	sst s1;
	(tag) =	ssettag s2;
	_ =	strace s9  }
0x27: {  	s1 =	sld [smem:$0x3FA8]  }
0x28: {  	s2 =	sld [smem:$0x3FA9]  }
0x29: {  	s4 =	sld [smem:$0x3FAB]  }
0x2a: {  	p0 =	seq.s32 s5, $0x0;
	s5 =	sld [smem:$0x3FAC]  }
0x2b: {  	s6 =	sld [smem:$0x3FAD]  }
0x2c: {  	s7 =	sld [smem:$0x3FAE]  }
0x2d: {  	s3 =	simm.s32 $0x108;
	s8 =	sld [smem:$0x3FAF]  }
0x2e: {  	s3 =	simm.s32 @!p0 $0x1082;
	s9 =	sld [smem:$0x3FB0]  }
0x2f: {  	lr =	sadd.s32 s0, s3;
	s0 =	sld [smem:$0x3FA7]  }
0x30: {  	s3 =	sld [smem:$0x3FAA]  }
0x31: {  	[smem:$0x3FB3] =	sst s10  }
0x32: {  	s10 =	sld [smem:$0x3FB1];
	_ =	sdelay $0x3  }
0x33: {  	p0 =	seq.s32 s10, $0x1;
	s10 =	sld [smem:$0x3FB3];
	_ =	sdelay $0x3  }
0x34: {  	[smem:$0x3FB3] =	sst s10  }
0x35: {  	s10 =	sld [smem:$0x3FB2];
	_ =	sdelay $0x3  }
0x36: {  	p1 =	seq.s32 s10, $0x1;
	s10 =	sld [smem:$0x3FB3];
	_ =	sdelay $0x3  }
0x37: {  	[smem:$0x3FB3] =	sst s10  }
0x38: {  	s10 =	sld [smem:$0x3FB4]  }
0x39: {  	_ = 	snop;
	(pc) =	sbr.ind lr, $3  }
0x3a: {  	_ = 	snop  }
0x3b: {  	_ = 	snop  }
0x3c: {  	p2 =	seq.s32 s10, $0x1;
	s10 =	sld [smem:$0x3FB3]  }
0x3d: {  	_ =	shalt  }
0x3e: {  	_ =	shalt  }
0x3f: {  	_ =	shalt  }
0x40: {  	_ =	shalt  }
0x41: {  	_ =	shalt  }
0x42: {  	_ =	shalt  }
0x43: {  	_ =	shalt  }
0x44: {  	_ =	shalt  }
0x45: {  	_ =	shalt  }
0x46: {  	_ =	shalt  }
0x47: {  	_ =	shalt  }
0x48: {  	_ =	shalt  }
0x49: {  	_ =	shalt  }
0x4a: {  	_ =	shalt  }
0x4b: {  	_ =	shalt  }
0x4c: {  	_ =	shalt  }
0x4d: {  	_ =	shalt  }
0x4e: {  	_ =	shalt  }
0x4f: {  	_ =	shalt  }
0x50: {  	_ =	shalt  }
0x51: {  	_ =	shalt  }
0x52: {  	_ =	shalt  }
0x53: {  	_ =	shalt  }
0x54: {  	_ =	shalt  }
0x55: {  	_ =	shalt  }
0x56: {  	_ =	shalt  }
0x57: {  	_ =	shalt  }
0x58: {  	_ =	shalt  }
0x59: {  	_ =	shalt  }
0x5a: {  	_ =	shalt  }
0x5b: {  	_ =	shalt  }
0x5c: {  	_ =	shalt  }
0x5d: {  	_ =	shalt  }
0x5e: {  	_ =	shalt  }
0x5f: {  	_ =	shalt  }
0x60: {  	_ =	shalt  }
0x61: {  	_ =	shalt  }
0x62: {  	_ =	shalt  }
0x63: {  	_ =	shalt  }
0x64: {  	_ =	shalt  }
0x65: {  	_ =	shalt  }
0x66: {  	_ =	shalt  }
0x67: {  	_ =	shalt  }
0x68: {  	_ =	shalt  }
0x69: {  	_ =	shalt  }
0x6a: {  	_ =	shalt  }
0x6b: {  	_ =	shalt  }
0x6c: {  	_ =	shalt  }
0x6d: {  	_ =	shalt  }
0x6e: {  	_ =	shalt  }
0x6f: {  	_ =	shalt  }
0x70: {  	_ =	shalt  }
0x71: {  	_ =	shalt  }
0x72: {  	_ =	shalt  }
0x73: {  	_ =	shalt  }
0x74: {  	_ =	shalt  }
0x75: {  	_ =	shalt  }
0x76: {  	_ =	shalt  }
0x77: {  	_ =	shalt  }
0x78: {  	_ =	shalt  }
0x79: {  	_ =	shalt  }
0x7a: {  	_ =	shalt  }
0x7b: {  	_ =	shalt  }
0x7c: {  	_ =	shalt  }
0x7d: {  	_ =	shalt  }
0x7e: {  	_ =	shalt  }
0x7f: {  	_ =	shalt  }
0x80: {  	_ =	shalt  }
0x81: {  	_ =	shalt  }
0x82: {  	_ =	shalt  }
0x83: {  	_ =	shalt  }
0x84: {  	_ =	shalt  }
0x85: {  	_ =	shalt  }
0x86: {  	_ =	shalt  }
0x87: {  	_ =	shalt  }
.Lfunc_end0:
.L_simem_size_0:
called_computation.2_lowered:
.L_overlay_start_0:
0x88: {  	s2 =	sld [smem:$0x3FD9]  }
0x89: {  	s3 =	sld [smem:$0x3FFE];
	_ =	sdelay $0x1  }
0x8a: {  	s1 =	srdreg.scid  }
0x8b: {  	s0 =	sand.u32 $0x1, s1  }
0x8c: {  	s17 =	sshll.u32 s0, $0xA;
	s2 =	sadd.s32 s3, s2  }
0x8d: {  	s2 =	sadd.s32 s2, s17  }
0x8e: {  	[smem:$0x3FBF] =	sst s2  }
0x8f: {  	_ = 	snop  }
0x90: {  	s2 =	sld [smem:$0x3FD0];
	(tm) =	ssettm $0x1  }
0x91: {  	s18 =	sld [smem:$0x3FFB];
	_ =	sdelay $0x3  }
0x92: {  	_ =	strace s18  }
0x93: {  	s3 =	sld [smem:$0x3FFC];
	_ =	sdelay $0x3  }
0x94: {  	_ =	strace s3  }
0x95: {  	s3 =	sld [smem:$0x3FFD];
	_ =	sdelay $0x3  }
0x96: {  	_ =	strace s3  }
0x97: {  	_ =	strace $0x8FFFFFFF  }
0x98: {  	s19 =	sld [smem:$0x3FDB];
	_ =	sdelay $0x1  }
0x99: {  	s4 =	simm.s32 $_scs_section_size  }
0x9a: {  	s5 =	simm.s32 $_size__tile_overlayer_lowered;
	s6 =	simm.s32 $_tile_overlayer_lowered  }
0x9b: {  	s22 =	simm.s32 $0x1BFF;
	s21 =	sshll.u32 s6, $0x1;
	s3 =	sadd.s32 s4, s19  }
0x9c: {  	s7 =	simm.s32 $0x0;
	s20 =	sshll.u32 s5, $0x1;
	s5 =	sadd.s32 s21, s3  }
0x9d: {  	[timem:s7], [sflag:s22] =	dma.local [hbm:s5], s20  }
0x9e: {  	_ =	swait.ge [sflag:s22], s20  }
0x9f: {  	s4 =	ssub.s32 $0x0, s20;
	[sflag:s22] =	ssyncset.done $0x0  }
0xa0: {  	[sflag:s22] =	ssyncadd.s32 s4;
	_ =	sdelay $0x1  }
0xa1: {  	s23 =	simm.s32 $0x1B8B  }
0xa2: {  	_ =	swait.ge [sflag:s23], $0x1  }
0xa3: {  	[sflag:s23] =	ssyncset.done $0x0  }
0xa4: {  	s25 =	simm.s32 $0x1B8E;
	s24 =	sld [smem:$0x3FFE];
	[sflag:s23] =	ssyncadd.s32 $0xFFFFFFFF  }
0xa5: {  	s26 =	simm.s32 $execute0_lowered;
	[smem:$0x3FD2] =	sst s25  }
0xa6: {  	s5 =	sshll.u32 s26, $0x1;
	_ =	strace $0x80000049;
	[dreg:$0x1] =	wrdreg $0xFFFFFFFF  }
0xa7: {  	s28 =	simm.s32 $_size_execute0_lowered;
	s3 =	sadd.s32 s3, s5;
	[dreg:$0x0] =	wrdreg $0x0  }
0xa8: {  	s5 =	sshll.u32 s28, $0x1;
	[dreg:$0x2] =	wrdreg s3  }
0xa9: {  	[dreg:$0x3] =	wrdreg s5  }
0xaa: {  	[dreg:$0x4] =	wrdreg $0xC0  }
0xab: {  	_ =	task [dreg:s7], $0x5FFFF  }
0xac: {  	[dreg:$0x1] =	wrdreg $0xFFFFFFFF  }
0xad: {  	[dreg:$0x0] =	wrdreg $0x60  }
0xae: {  	[dreg:$0x2] =	wrdreg s24  }
0xaf: {  	[dreg:$0x3] =	wrdreg s2  }
0xb0: {  	[dreg:$0x4] =	wrdreg $0x79000  }
0xb1: {  	[dreg:$0x5] =	wrdreg $0xA  }
0xb2: {  	_ =	task.clear_ibuf [dreg:s7], $0x6FFFF;
	_ =	strace $0x90000049  }
0xb3: {  	s29 =	simm.s32 $0xA;
	_ =	strace $0x8000004B  }
0xb4: {  	_ =	swait.ge [sflag:s29], $0x1  }
0xb5: {  	[sflag:s29] =	ssyncadd.s32 $0xFFFFFFFF  }
0xb6: {  	_ =	strace $0x9000004B  }
0xb7: {  	_ =	sfence  }
0xb8: {  	s30 =	sld [smem:$0x0];
	_ =	sdelay $0x2  }
0xb9: {  	s31 =	sshll.u32 s1, $0xD;
	s1 =	sshrl.u32 s1, $0x2  }
0xba: {  	s3 =	sand.u32 $0x4000, s31;
	s1 =	sadd.s32 s1, s30  }
0xbb: {  	s0 =	sor.u32 s3, s0;
	s1 =	sshll.u32 s1, $0x11  }
0xbc: {  	s0 =	sor.u32 s1, s0  }
0xbd: {  	s0 =	sadd.s32 $0x8F2B, s0  }
0xbe: {  	[sflag:s0] =	ssyncadd.remote.s32 $0x1  }
0xbf: {  	_ =	sfence.sel $0xFFFF  }
0xc0: {  	[dreg:$0x0] =	wrdreg $0xFFFFFFFF;
	(pc) =	sbr.abs _section_cstart, $3  }
0xc1: {  	[dreg:$0x1] =	wrdreg $0xFFFFFFFF  }
0xc2: {  	_ =	task.clear_ibuf [dreg:s7], $0x2FFFF;
	_ =	strace $0x9FFFFFFF  }
0xc3: {  	(tm) =	ssettm $0x7FFFFFFF  }
tec
execute0_lowered:
.L_overlay_start_1:
0x0: {  	(tag) =	ssettag $0x1  }
0x1: {  	s8 =	rddreg [dreg:$0x0]  }
0x2: {  	s1 =	rddreg [dreg:$0x1]  }
0x3: {  	s2 =	rddreg [dreg:$0x2];
	s3 =	srdreg.scid  }
0x4: {  	s0 =	rddreg [dreg:$0x3];
	s4 =	simm.s32 $0x0;
	s19 =	simm.s32 $0x5100  }
0x5: {  	s20 =	simm.s32 $0x2;
	s21 =	simm.s32 $0x80;
	s22 =	simm.s32 $0x50  }
0x6: {  	s23 =	simm.s32 $0x100;
	s24 =	simm.s32 $0x1;
	s25 =	simm.s32 $0x2900  }
0x7: {  	s9 =	sand.u32 $0x1, s3;
	s3 =	stileid.u32;
	[smem:$0x7FF] =	sst s4  }
0x8: {  	s5 =	sadd.s32 $0x4600, s8;
	s6 =	sadd.s32 $0xE400, s8;
	s7 =	smul.u32 $0x140000, s9  }
0x9: {  	s10 =	smul.u32 $0x14000, s3;
	_ =	strace $0x8000004A;
	s12 =	ssub.s32 $0x2, s9  }
0xa: {  	s11 =	smul.u32 $0x50000, s3;
	s9 =	sshll.u32 s9, $0x4;
	s30 =	sshrl.u32 s12, $0x1  }
0xb: {  	s16 =	sor.u32 s3, s9;
	s10 =	sadd.s32 s10, s7;
	s7 =	sadd.s32 $0x5E400, s8  }
0xc: {  	s31 =	sshrl.u32 s11, $0x2;
	s18 =	ssub.s32 s12, s30;
	s10 =	sshrl.u32 s10, $0x3  }
0xd: {  	s16 =	smul.u32 $0x2710, s16;
	s17 =	sadd.s32 s10, s8;
	s8 =	sadd.s32 s31, s2  }
0xe: {  	s18 =	smax.u32 s18, $0x1;
	s9 =	sadd.s32 $0x2800, s8;
	s10 =	sadd.s32 $0x5000, s8  }
0xf: {  	s11 =	sadd.s32 $0x7800, s8;
	s12 =	sadd.s32 $0xA000, s8;
	s13 =	sadd.s32 $0xC800, s8  }
0x10: {  	v0 =	vimm.f32 $0.0e+00;
	s14 =	sadd.s32 $0xF000, s8;
	s15 =	sadd.s32 $0x11800, s8;
	s17 =	sadd.s32 $0x540400, s17  }
.LBB2_1:
0x11: {  	s26 =	simm.s32 $0x200;
	s28 =	simm.s32 $0x0  }
.LBB2_2:
0x12: {  	p0 =	sne.s32 s26, $0x9E00;
	[tilespmem:s28+$0x5100] =	vst v0;
	s28 =	smov.u32 s26;
	s26 =	sadd.s32 $0x200, s26  }
.Ltmp0:
0x13: {  	(pc) =	sbr.rel @p0 .LBB2_2-.Ltmp0, $2  }
0x14: {  	_ =	sdelay $0x2  }
0x15: {  	s28 =	sshra.s32 s28, $0x2  }
0x16: {  	[tilespmem:s28+$0x5100] =	vst v0  }
0x17: {  	[spmem:s8] =	stream.linear.scatter [tilespmem:s19], [sflag:$0x2], $0x2800, $0x38;
	[tilespmem:$0xA100] =	vst v63  }
0x18: {  	_ =	swait.ge [sflag:s20], $0x2800  }
0x19: {  	[sflag:s20] =	ssyncset.done $0x0  }
0x1a: {  	[sflag:s20] =	ssyncadd.s32 $0xFFFFD800  }
0x1b: {  	[spmem:s9] =	stream.linear.scatter [tilespmem:s19], [sflag:$0x2], $0x2800, $0x38;
	[tilespmem:$0xA100] =	vst v63  }
0x1c: {  	_ =	swait.ge [sflag:s20], $0x2800  }
0x1d: {  	[sflag:s20] =	ssyncset.done $0x0  }
0x1e: {  	[sflag:s20] =	ssyncadd.s32 $0xFFFFD800  }
0x1f: {  	[spmem:s10] =	stream.linear.scatter [tilespmem:s19], [sflag:$0x2], $0x2800, $0x38;
	[tilespmem:$0xA100] =	vst v63  }
0x20: {  	_ =	swait.ge [sflag:s20], $0x2800  }
0x21: {  	[sflag:s20] =	ssyncset.done $0x0  }
0x22: {  	[sflag:s20] =	ssyncadd.s32 $0xFFFFD800  }
0x23: {  	[spmem:s11] =	stream.linear.scatter [tilespmem:s19], [sflag:$0x2], $0x2800, $0x38;
	[tilespmem:$0xA100] =	vst v63  }
0x24: {  	_ =	swait.ge [sflag:s20], $0x2800  }
0x25: {  	[sflag:s20] =	ssyncset.done $0x0  }
0x26: {  	[sflag:s20] =	ssyncadd.s32 $0xFFFFD800  }
0x27: {  	[spmem:s12] =	stream.linear.scatter [tilespmem:s19], [sflag:$0x2], $0x2800, $0x38;
	[tilespmem:$0xA100] =	vst v63  }
0x28: {  	_ =	swait.ge [sflag:s20], $0x2800  }
0x29: {  	[sflag:s20] =	ssyncset.done $0x0  }
0x2a: {  	[sflag:s20] =	ssyncadd.s32 $0xFFFFD800  }
0x2b: {  	[spmem:s13] =	stream.linear.scatter [tilespmem:s19], [sflag:$0x2], $0x2800, $0x38;
	[tilespmem:$0xA100] =	vst v63  }
0x2c: {  	_ =	swait.ge [sflag:s20], $0x2800  }
0x2d: {  	[sflag:s20] =	ssyncset.done $0x0  }
0x2e: {  	[sflag:s20] =	ssyncadd.s32 $0xFFFFD800  }
0x2f: {  	[spmem:s14] =	stream.linear.scatter [tilespmem:s19], [sflag:$0x2], $0x2800, $0x38;
	[tilespmem:$0xA100] =	vst v63  }
0x30: {  	_ =	swait.ge [sflag:s20], $0x2800  }
0x31: {  	[sflag:s20] =	ssyncset.done $0x0  }
0x32: {  	[sflag:s20] =	ssyncadd.s32 $0xFFFFD800  }
0x33: {  	[spmem:s15] =	stream.linear.scatter [tilespmem:s19], [sflag:$0x2], $0x2800, $0x38;
	[tilespmem:$0xA100] =	vst v63  }
0x34: {  	_ =	swait.ge [sflag:s20], $0x2800  }
0x35: {  	[sflag:s20] =	ssyncset.done $0x0  }
0x36: {  	[sflag:s20] =	ssyncadd.s32 $0xFFFFD800  }
0x37: {  	s26 =	simm.s32 $0x0;
	s28 =	simm.s32 $0x0;
	[bflag:$0x0] =	sbarrier.arrive $0xFFFF  }
.LBB2_4:
0x38: {  	s29 =	smul.u32 $0x50, s28;
	_ =	sdelay $0x1  }
0x39: {  	s29 =	sadd.s32 s16, s29  }
0x3a: {  	s30 =	sshrl.u32 s29, $0x3  }
0x3b: {  	s31 =	sadd.s32 s5, s30  }
0x3c: {  	[tilespmem:s26], [sflag:$0x2] =	stream.linear.gather [hbm4b:s31+s26], $0x50, $0x38;
	[tilespmem:$0xA100] =	vst v63  }
0x3d: {  	_ =	swait.ge [sflag:s20], $0x50  }
0x3e: {  	[sflag:s20] =	ssyncset.done $0x0  }
0x3f: {  	s30 =	sadd.s32 s1, s30;
	[sflag:s20] =	ssyncadd.s32 $0xFFFFFFB0  }
0x40: {  	[tilespmem:s21], [sflag:$0x2] =	stream.linear.gather [hbm4b:s30+s26], $0x50, $0x38;
	[tilespmem:$0xA100] =	vst v63  }
0x41: {  	_ =	swait.ge [sflag:s20], $0x50  }
0x42: {  	[sflag:s20] =	ssyncset.done $0x0  }
0x43: {  	[sflag:s20] =	ssyncadd.s32 $0xFFFFFFB0  }
0x44: {  	[tilespmem:s23], [sflag:$0x1] =	stream.indirect.gather [hbm4b:s6+s22], $0x80, s26, s22, $0xb8;
	[tilespmem:$0xA100] =	vst v63  }
0x45: {  	_ =	swait.ge [sflag:s24], $0x2800  }
0x46: {  	s29 =	sshll.u32 s29, $0x4;
	[sflag:s24] =	ssyncset.done $0x0  }
0x47: {  	s29 =	sadd.s32 s7, s29;
	[sflag:s24] =	ssyncadd.s32 $0xFFFFD800  }
0x48: {  	[tilespmem:s25], [sflag:$0x2] =	stream.linear.gather [hbm4b:s29+s26], $0x2800, $0x38;
	[tilespmem:$0xA100] =	vst v63  }
0x49: {  	_ =	swait.ge [sflag:s20], $0x2800  }
0x4a: {  	[sflag:s20] =	ssyncset.done $0x0  }
0x4b: {  	s29 =	simm.s32 $0x0;
	[sflag:s20] =	ssyncadd.s32 $0xFFFFD800  }
0x4c: {  	v1 =	vld [tilespmem:s29+$0x100]  }
0x4d: {  	s30 =	simm.s32 $0x200;
	v2 =	vld [tilespmem:s29+$0x2900]  }
.LBB2_5:
0x4e: {  	_ = 	snop  }
0x4f: {  	p0 =	sne.s32 s30, $0x9E00  }
.Ltmp1:
0x50: {  	_ = 	snop;
	(pc) =	sbr.rel @p0 .LBB2_5-.Ltmp1, $4  }
0x51: {  	_ = 	snop  }
0x52: {  	s31 =	sshra.s32 s30, $0x2;
	v3 =	vmul.f32 v2, v1  }
0x53: {  	v1 =	vld [tilespmem:s31+$0x100]  }
0x54: {  	s30 =	sadd.s32 $0x200, s30;
	v2 =	vld [tilespmem:s31+$0x2900];
	[tilespmem:s29+$0x5100] =	vst v3;
	s29 =	smov.u32 s31  }
0x55: {  	_ =	sdelay $0x3  }
0x56: {  	s28 =	sadd.s32 $0x1, s28;
	v1 =	vmul.f32 v2, v1  }
0x57: {  	p0 =	sne.s32 s28, $0x7D  }
.Ltmp2:
0x58: {  	[tilespmem:s29+$0x5100] =	vst v1;
	(pc) =	sbr.rel @p0 .LBB2_4-.Ltmp2, $4  }
0x59: {  	[spmem:s2] =	stream.indirect.scatter.add.f32 [tilespmem:s19], [sflag:$0x2], $0x10, s21, s22, $0xb8;
	[tilespmem:$0xA100] =	vst v63  }
0x5a: {  	_ =	swait.ge [sflag:s20], $0x500  }
0x5b: {  	[sflag:s20] =	ssyncset.done $0x0  }
0x5c: {  	[sflag:s20] =	ssyncadd.s32 $0xFFFFFB00  }
0x5d: {  	s4 =	sadd.s32 $0x1, s4  }
0x5e: {  	s26 =	sshll.u32 s3, $0x6;
	[bflag:$0x0] =	sbarrier.arrive $0xFFFF;
	p0 =	sne.s32 s4, s18  }
.Ltmp3:
0x5f: {  	s28 =	sshrl.u32 s8, $0x3;
	s26 =	sor.u32 $0x1C02, s26;
	(pc) =	sbr.rel @p0 .LBB2_1-.Ltmp3, $4  }
0x60: {  	[hbm:s17], [sflag:s26] =	dma.local [spmem:s28], $0x2800  }
0x61: {  	_ =	swait.ge [sflag:s20], $0x2800  }
0x62: {  	[sflag:s20] =	ssyncset.done $0x0  }
0x63: {  	[sflag:s20] =	ssyncadd.s32 $0xFFFFD800  }
0x64: {  	_ =	sfence.sel $0x180000  }
0x65: {  	[bflag:$0x0] =	sbarrier.arrive $0xFFFF  }
0x66: {  	p0 =	sne.s32 s3, $0x0;
	_ =	strace $0x9000004A  }
0x67: {  	s0 =	sadd.s32 @!p0 $0x100000, s0;
	[bflag:$0x2] =	sbarrier.arrive $0xFFFF  }
0x68: {  	[sflag:s0] =	ssyncadd.tile.s32 @!p0 $0x1;
	_ =	shalt  }
.Lfunc_end2:
_tile_overlayer_lowered:
.L_overlay_start_2:
0x69: {  	(tag) =	ssettag $0x2  }
0x6a: {  	s0 =	rddreg [dreg:$0x0];
	s2 =	stileid.u32  }
0x6b: {  	s1 =	rddreg [dreg:$0x1];
	p0 =	sne.s32 s2, $0x0  }
0x6c: {  	s3 =	rddreg [dreg:$0x2];
	[bflag:$0x3] =	sbarrier.arrive $0xFFFF;
	s2 =	simm.s32 @!p0 $0x1C02  }
0x6d: {  	[timem:s3], [sflag:s2] =	dma.local @!p0 [hbm:s0], s1  }
0x6e: {  	s0 =	simm.s32 @!p0 $0x2  }
0x6f: {  	_ =	swait.ge @!p0 [sflag:s0], s1  }
0x70: {  	s1 =	ssub.s32 @!p0 $0x0, s1;
	[sflag:s0] =	ssyncset.done @!p0 $0x0  }
0x71: {  	[sflag:s0] =	ssyncadd.s32 @!p0 s1  }
0x72: {  	[bflag:$0x3] =	sbarrier.arrive $0xFFFF  }
0x73: {  	_ =	shalt  }

// kernel: kernel.18.cloned.1.call-start
scs
__scs_entry_jumppad:
0x0: {  	(pc) =	sbr.rel $0x88, $3  }
0x1: {  	(tag) =	ssettag $0x0;
	lr =	simm.s32 $0x1  }
0x2: {  	[smem:$0x3F98] =	sst lr;
	_ =	strace $0xD0000000  }
0x3: {  	_ = 	snop  }
0x4: {  	_ = 	snop  }
0x5: {  	_ = 	snop  }
0x6: {  	_ = 	snop  }
0x7: {  	_ = 	snop  }
__scs_overlays_trampoline_lowered:
0x8: {  	[smem:$0x3FA7] =	sst s0  }
0x9: {  	[smem:$0x3FA8] =	sst s1  }
0xa: {  	[smem:$0x3FA9] =	sst s2  }
0xb: {  	[smem:$0x3FAA] =	sst s3  }
0xc: {  	[smem:$0x3FAB] =	sst s4  }
0xd: {  	[smem:$0x3FAC] =	sst s5  }
0xe: {  	[smem:$0x3FAD] =	sst s6  }
0xf: {  	[smem:$0x3FAE] =	sst s7  }
0x10: {  	[smem:$0x3FAF] =	sst s8  }
0x11: {  	[smem:$0x3FB0] =	sst s9;
	s0 =	simm.s32 @!p0 $0x0  }
0x12: {  	s1 =	sld [smem:$0x3F96];
	s0 =	simm.s32 @p0 $0x1  }
0x13: {  	[smem:$0x3FB1] =	sst s0;
	s0 =	simm.s32 @!p1 $0x0  }
0x14: {  	s2 =	sld [smem:$0x3F95];
	s0 =	simm.s32 @p1 $0x1  }
0x15: {  	[smem:$0x3FB2] =	sst s0;
	s0 =	simm.s32 @!p2 $0x0  }
0x16: {  	s3 =	sld [smem:$0x3FDB];
	s0 =	simm.s32 @p2 $0x1  }
0x17: {  	s4 =	simm.s32 $0x1BF5;
	[smem:$0x3FB4] =	sst s0  }
0x18: {  	s0 =	sld [smem:$0x3F97];
	_ =	swait.ge [sflag:s4], $0x0  }
0x19: {  	s7 =	sld [smem:$0x3F98]  }
0x1a: {  	s8 =	sadd.s32 $0xFFFFE003, lr  }
0x1b: {  	s9 =	sadd.s32 $0xFFFFFEF7, lr;
	s5 =	simm.s32 $0xFFFFFFFF;
	p2 =	slt.u32 s8, $0xFFFFF086  }
0x1c: {  	p1 =	slt.u32 s9, $0xF7A;
	s5 =	simm.s32 @!p2 $0x0  }
0x1d: {  	s5 =	simm.s32 @p1 $0x1;
	p0 =	seq.s32 s7, s2  }
0x1e: {  	s7 =	smul.u32 @!p0 $0xF7A, s2;
	p2 =	seq.s32 @!p0 s5, $0x0  }
0x1f: {  	s9 =	smul.u32 $0xF7A, s1;
	s8 =	simm.s32 @!p0 $0x1BF5;
	p2 =	por !p2, p0  }
0x20: {  	[sflag:s8] =	ssyncset.s32 @!p0 $0xFFFFF086;
	s6 =	sadd.s32 @!p0 s3, s7;
	s7 =	simm.s32 @!p0 $0x108  }
0x21: {  	s3 =	sadd.s32 s3, s9;
	s6 =	sadd.s32 @!p0 $0x88, s6;
	s7 =	simm.s32 @p2 $0x1082  }
0x22: {  	[simem:s7], [sflag:s8] =	dma.local @!p0 [hbm:s6], $0xF7A  }
0x23: {  	s9 =	sor.u32 $0xD0000000, s2;
	s6 =	simm.s32 $0x108;
	_ =	swait.ge @!p0 [sflag:s8], $0x0  }
0x24: {  	s3 =	sadd.s32 $0x88, s3;
	s6 =	simm.s32 @!p1 $0x1082;
	[sflag:s4] =	ssyncset.s32 $0xFFFFF086  }
0x25: {  	[simem:s6], [sflag:s4] =	dma.local [hbm:s3], $0xF7A  }
0x26: {  	[smem:$0x3F98] =	sst s1;
	(tag) =	ssettag s2;
	_ =	strace s9  }
0x27: {  	s1 =	sld [smem:$0x3FA8]  }
0x28: {  	s2 =	sld [smem:$0x3FA9]  }
0x29: {  	s4 =	sld [smem:$0x3FAB]  }
0x2a: {  	p0 =	seq.s32 s5, $0x0;
	s5 =	sld [smem:$0x3FAC]  }
0x2b: {  	s6 =	sld [smem:$0x3FAD]  }
0x2c: {  	s7 =	sld [smem:$0x3FAE]  }
0x2d: {  	s3 =	simm.s32 $0x108;
	s8 =	sld [smem:$0x3FAF]  }
0x2e: {  	s3 =	simm.s32 @!p0 $0x1082;
	s9 =	sld [smem:$0x3FB0]  }
0x2f: {  	lr =	sadd.s32 s0, s3;
	s0 =	sld [smem:$0x3FA7]  }
0x30: {  	s3 =	sld [smem:$0x3FAA]  }
0x31: {  	[smem:$0x3FB3] =	sst s10  }
0x32: {  	s10 =	sld [smem:$0x3FB1];
	_ =	sdelay $0x3  }
0x33: {  	p0 =	seq.s32 s10, $0x1;
	s10 =	sld [smem:$0x3FB3];
	_ =	sdelay $0x3  }
0x34: {  	[smem:$0x3FB3] =	sst s10  }
0x35: {  	s10 =	sld [smem:$0x3FB2];
	_ =	sdelay $0x3  }
0x36: {  	p1 =	seq.s32 s10, $0x1;
	s10 =	sld [smem:$0x3FB3];
	_ =	sdelay $0x3  }
0x37: {  	[smem:$0x3FB3] =	sst s10  }
0x38: {  	s10 =	sld [smem:$0x3FB4]  }
0x39: {  	_ = 	snop;
	(pc) =	sbr.ind lr, $3  }
0x3a: {  	_ = 	snop  }
0x3b: {  	_ = 	snop  }
0x3c: {  	p2 =	seq.s32 s10, $0x1;
	s10 =	sld [smem:$0x3FB3]  }
0x3d: {  	_ =	shalt  }
0x3e: {  	_ =	shalt  }
0x3f: {  	_ =	shalt  }
0x40: {  	_ =	shalt  }
0x41: {  	_ =	shalt  }
0x42: {  	_ =	shalt  }
0x43: {  	_ =	shalt  }
0x44: {  	_ =	shalt  }
0x45: {  	_ =	shalt  }
0x46: {  	_ =	shalt  }
0x47: {  	_ =	shalt  }
0x48: {  	_ =	shalt  }
0x49: {  	_ =	shalt  }
0x4a: {  	_ =	shalt  }
0x4b: {  	_ =	shalt  }
0x4c: {  	_ =	shalt  }
0x4d: {  	_ =	shalt  }
0x4e: {  	_ =	shalt  }
0x4f: {  	_ =	shalt  }
0x50: {  	_ =	shalt  }
0x51: {  	_ =	shalt  }
0x52: {  	_ =	shalt  }
0x53: {  	_ =	shalt  }
0x54: {  	_ =	shalt  }
0x55: {  	_ =	shalt  }
0x56: {  	_ =	shalt  }
0x57: {  	_ =	shalt  }
0x58: {  	_ =	shalt  }
0x59: {  	_ =	shalt  }
0x5a: {  	_ =	shalt  }
0x5b: {  	_ =	shalt  }
0x5c: {  	_ =	shalt  }
0x5d: {  	_ =	shalt  }
0x5e: {  	_ =	shalt  }
0x5f: {  	_ =	shalt  }
0x60: {  	_ =	shalt  }
0x61: {  	_ =	shalt  }
0x62: {  	_ =	shalt  }
0x63: {  	_ =	shalt  }
0x64: {  	_ =	shalt  }
0x65: {  	_ =	shalt  }
0x66: {  	_ =	shalt  }
0x67: {  	_ =	shalt  }
0x68: {  	_ =	shalt  }
0x69: {  	_ =	shalt  }
0x6a: {  	_ =	shalt  }
0x6b: {  	_ =	shalt  }
0x6c: {  	_ =	shalt  }
0x6d: {  	_ =	shalt  }
0x6e: {  	_ =	shalt  }
0x6f: {  	_ =	shalt  }
0x70: {  	_ =	shalt  }
0x71: {  	_ =	shalt  }
0x72: {  	_ =	shalt  }
0x73: {  	_ =	shalt  }
0x74: {  	_ =	shalt  }
0x75: {  	_ =	shalt  }
0x76: {  	_ =	shalt  }
0x77: {  	_ =	shalt  }
0x78: {  	_ =	shalt  }
0x79: {  	_ =	shalt  }
0x7a: {  	_ =	shalt  }
0x7b: {  	_ =	shalt  }
0x7c: {  	_ =	shalt  }
0x7d: {  	_ =	shalt  }
0x7e: {  	_ =	shalt  }
0x7f: {  	_ =	shalt  }
0x80: {  	_ =	shalt  }
0x81: {  	_ =	shalt  }
0x82: {  	_ =	shalt  }
0x83: {  	_ =	shalt  }
0x84: {  	_ =	shalt  }
0x85: {  	_ =	shalt  }
0x86: {  	_ =	shalt  }
0x87: {  	_ =	shalt  }
.Lfunc_end0:
.L_simem_size_0:
called_computation.3_lowered:
.L_overlay_start_0:
0x88: {  	s2 =	sld [smem:$0x3FD9]  }
0x89: {  	s3 =	sld [smem:$0x3FFE];
	_ =	sdelay $0x1  }
0x8a: {  	s1 =	srdreg.scid  }
0x8b: {  	s0 =	sand.u32 $0x1, s1  }
0x8c: {  	s17 =	sshll.u32 s0, $0xA;
	s2 =	sadd.s32 s3, s2  }
0x8d: {  	s2 =	sadd.s32 s2, s17  }
0x8e: {  	[smem:$0x3FBF] =	sst s2  }
0x8f: {  	_ = 	snop  }
0x90: {  	s2 =	sld [smem:$0x3FD0];
	(tm) =	ssettm $0x1  }
0x91: {  	s18 =	sld [smem:$0x3FFB];
	_ =	sdelay $0x3  }
0x92: {  	_ =	strace s18  }
0x93: {  	s3 =	sld [smem:$0x3FFC];
	_ =	sdelay $0x3  }
0x94: {  	_ =	strace s3  }
0x95: {  	s3 =	sld [smem:$0x3FFD];
	_ =	sdelay $0x3  }
0x96: {  	_ =	strace s3  }
0x97: {  	_ =	strace $0x8FFFFFFF  }
0x98: {  	s19 =	sld [smem:$0x3FDB];
	_ =	sdelay $0x1  }
0x99: {  	s4 =	simm.s32 $_scs_section_size  }
0x9a: {  	s5 =	simm.s32 $_size__tile_overlayer_lowered;
	s6 =	simm.s32 $_tile_overlayer_lowered  }
0x9b: {  	s22 =	simm.s32 $0x1BFF;
	s21 =	sshll.u32 s6, $0x1;
	s3 =	sadd.s32 s4, s19  }
0x9c: {  	s7 =	simm.s32 $0x0;
	s20 =	sshll.u32 s5, $0x1;
	s5 =	sadd.s32 s21, s3  }
0x9d: {  	[timem:s7], [sflag:s22] =	dma.local [hbm:s5], s20  }
0x9e: {  	_ =	swait.ge [sflag:s22], s20  }
0x9f: {  	s4 =	ssub.s32 $0x0, s20;
	[sflag:s22] =	ssyncset.done $0x0  }
0xa0: {  	[sflag:s22] =	ssyncadd.s32 s4;
	_ =	sdelay $0x1  }
0xa1: {  	s23 =	simm.s32 $0x1B8B  }
0xa2: {  	_ =	swait.ge [sflag:s23], $0x1  }
0xa3: {  	[sflag:s23] =	ssyncset.done $0x0  }
0xa4: {  	s25 =	simm.s32 $0x1B8E;
	s24 =	sld [smem:$0x3FFE];
	[sflag:s23] =	ssyncadd.s32 $0xFFFFFFFF  }
0xa5: {  	s26 =	simm.s32 $execute0_lowered;
	[smem:$0x3FD2] =	sst s25  }
0xa6: {  	s5 =	sshll.u32 s26, $0x1;
	_ =	strace $0x8000004F;
	[dreg:$0x1] =	wrdreg $0xFFFFFFFF  }
0xa7: {  	s28 =	simm.s32 $_size_execute0_lowered;
	s3 =	sadd.s32 s3, s5;
	[dreg:$0x0] =	wrdreg $0x0  }
0xa8: {  	s5 =	sshll.u32 s28, $0x1;
	[dreg:$0x2] =	wrdreg s3  }
0xa9: {  	[dreg:$0x3] =	wrdreg s5  }
0xaa: {  	[dreg:$0x4] =	wrdreg $0xC0  }
0xab: {  	_ =	task [dreg:s7], $0x5FFFF  }
0xac: {  	[dreg:$0x1] =	wrdreg $0xFFFFFFFF  }
0xad: {  	[dreg:$0x0] =	wrdreg $0x60  }
0xae: {  	[dreg:$0x2] =	wrdreg s24  }
0xaf: {  	[dreg:$0x3] =	wrdreg s2  }
0xb0: {  	[dreg:$0x4] =	wrdreg $0x29000  }
0xb1: {  	[dreg:$0x5] =	wrdreg $0x9  }
0xb2: {  	_ =	task.clear_ibuf [dreg:s7], $0x6FFFF;
	_ =	strace $0x9000004F  }
0xb3: {  	s29 =	simm.s32 $0x9;
	_ =	strace $0x80000051  }
0xb4: {  	_ =	swait.ge [sflag:s29], $0x1  }
0xb5: {  	[sflag:s29] =	ssyncadd.s32 $0xFFFFFFFF  }
0xb6: {  	_ =	strace $0x90000051  }
0xb7: {  	_ =	sfence  }
0xb8: {  	s30 =	sld [smem:$0x0];
	_ =	sdelay $0x2  }
0xb9: {  	s31 =	sshll.u32 s1, $0xD;
	s1 =	sshrl.u32 s1, $0x2  }
0xba: {  	s3 =	sand.u32 $0x4000, s31;
	s1 =	sadd.s32 s1, s30  }
0xbb: {  	s0 =	sor.u32 s3, s0;
	s1 =	sshll.u32 s1, $0x11  }
0xbc: {  	s0 =	sor.u32 s1, s0  }
0xbd: {  	s0 =	sadd.s32 $0x8F2B, s0  }
0xbe: {  	[sflag:s0] =	ssyncadd.remote.s32 $0x1  }
0xbf: {  	_ =	sfence.sel $0xFFFF  }
0xc0: {  	[dreg:$0x0] =	wrdreg $0xFFFFFFFF;
	(pc) =	sbr.abs _section_cstart, $3  }
0xc1: {  	[dreg:$0x1] =	wrdreg $0xFFFFFFFF  }
0xc2: {  	_ =	task.clear_ibuf [dreg:s7], $0x2FFFF;
	_ =	strace $0x9FFFFFFF  }
0xc3: {  	(tm) =	ssettm $0x7FFFFFFF  }
tec
execute0_lowered:
.L_overlay_start_1:
0x0: {  	(tag) =	ssettag $0x1  }
0x1: {  	s5 =	rddreg [dreg:$0x0]  }
0x2: {  	s15 =	rddreg [dreg:$0x1]  }
0x3: {  	s0 =	srdreg.scid;
	s2 =	rddreg [dreg:$0x2]  }
0x4: {  	s1 =	rddreg [dreg:$0x3];
	s6 =	sand.u32 $0x1, s0  }
0x5: {  	s0 =	stileid.u32;
	s4 =	smul.u32 $0x27100, s6  }
0x6: {  	s3 =	simm.s32 $0x0;
	s18 =	simm.s32 $0x2;
	s7 =	smul.u32 $0x2710, s0  }
0x7: {  	s19 =	simm.s32 $0x80;
	s20 =	simm.s32 $0x50;
	s8 =	smul.u32 $0x140000, s6  }
0x8: {  	s21 =	simm.s32 $0x1;
	s22 =	simm.s32 $0x0;
	s29 =	smul.u32 $0x14000, s0  }
0x9: {  	[smem:$0x7FF] =	sst s3;
	s9 =	smul.u32 $0x50000, s0;
	s6 =	ssub.s32 $0x2, s6  }
0xa: {  	_ =	strace $0x80000050;
	s31 =	sshrl.u32 s6, $0x1;
	s4 =	sadd.s32 s7, s4  }
0xb: {  	s7 =	sadd.s32 s29, s8;
	s30 =	sshrl.u32 s9, $0x2;
	s14 =	ssub.s32 s6, s31  }
0xc: {  	s16 =	sshrl.u32 s4, $0x3;
	s4 =	sadd.s32 $0x36400, s5;
	s7 =	sshrl.u32 s7, $0x3  }
0xd: {  	s17 =	sadd.s32 s16, s5;
	s13 =	sadd.s32 s7, s5;
	s5 =	sadd.s32 s30, s2  }
0xe: {  	s14 =	smax.u32 s14, $0x1;
	s15 =	sadd.s32 s16, s15;
	s6 =	sadd.s32 $0x2800, s5  }
0xf: {  	s7 =	sadd.s32 $0x5000, s5;
	s8 =	sadd.s32 $0x7800, s5;
	s9 =	sadd.s32 $0xA000, s5  }
0x10: {  	s10 =	sadd.s32 $0xC800, s5;
	s11 =	sadd.s32 $0xF000, s5;
	s12 =	sadd.s32 $0x11800, s5  }
0x11: {  	v0 =	vimm.f32 $0.0e+00;
	s13 =	sadd.s32 $0x86400, s13;
	s16 =	sadd.s32 $0x4600, s17;
	s17 =	simm.s32 $0x100  }
.LBB2_1:
0x12: {  	s23 =	simm.s32 $0x0;
	s24 =	simm.s32 $0x200  }
.LBB2_2:
0x13: {  	p0 =	sne.s32 s24, $0x9E00;
	[tilespmem:s23+$0x170] =	vst v0  }
0x14: {  	[tilespmem:s23+$0x100] =	vst v0  }
0x15: {  	[tilespmem:s23+$0x110] =	vst v0  }
.Ltmp0:
0x16: {  	[tilespmem:s23+$0x120] =	vst v0;
	(pc) =	sbr.rel @p0 .LBB2_2-.Ltmp0, $4  }
0x17: {  	[tilespmem:s23+$0x130] =	vst v0  }
0x18: {  	[tilespmem:s23+$0x140] =	vst v0  }
0x19: {  	[tilespmem:s23+$0x150] =	vst v0  }
0x1a: {  	[tilespmem:s23+$0x160] =	vst v0;
	s23 =	sshra.s32 s24, $0x2;
	s24 =	sadd.s32 $0x200, s24  }
0x1b: {  	[tilespmem:s23+$0x170] =	vst v0  }
0x1c: {  	[tilespmem:s23+$0x100] =	vst v0  }
0x1d: {  	[tilespmem:s23+$0x110] =	vst v0  }
0x1e: {  	[tilespmem:s23+$0x120] =	vst v0  }
0x1f: {  	[tilespmem:s23+$0x130] =	vst v0  }
0x20: {  	[tilespmem:s23+$0x140] =	vst v0  }
0x21: {  	[tilespmem:s23+$0x150] =	vst v0  }
0x22: {  	[tilespmem:s23+$0x160] =	vst v0  }
0x23: {  	[spmem:s5] =	stream.linear.scatter [tilespmem:s17], [sflag:$0x2], $0x2800, $0x38;
	[tilespmem:$0x16900] =	vst v63  }
0x24: {  	_ =	swait.ge [sflag:s18], $0x2800  }
0x25: {  	[sflag:s18] =	ssyncset.done $0x0  }
0x26: {  	[sflag:s18] =	ssyncadd.s32 $0xFFFFD800  }
0x27: {  	[spmem:s6] =	stream.linear.scatter [tilespmem:s17], [sflag:$0x2], $0x2800, $0x38;
	[tilespmem:$0x16900] =	vst v63  }
0x28: {  	_ =	swait.ge [sflag:s18], $0x2800  }
0x29: {  	[sflag:s18] =	ssyncset.done $0x0  }
0x2a: {  	[sflag:s18] =	ssyncadd.s32 $0xFFFFD800  }
0x2b: {  	[spmem:s7] =	stream.linear.scatter [tilespmem:s17], [sflag:$0x2], $0x2800, $0x38;
	[tilespmem:$0x16900] =	vst v63  }
0x2c: {  	_ =	swait.ge [sflag:s18], $0x2800  }
0x2d: {  	[sflag:s18] =	ssyncset.done $0x0  }
0x2e: {  	[sflag:s18] =	ssyncadd.s32 $0xFFFFD800  }
0x2f: {  	[spmem:s8] =	stream.linear.scatter [tilespmem:s17], [sflag:$0x2], $0x2800, $0x38;
	[tilespmem:$0x16900] =	vst v63  }
0x30: {  	_ =	swait.ge [sflag:s18], $0x2800  }
0x31: {  	[sflag:s18] =	ssyncset.done $0x0  }
0x32: {  	[sflag:s18] =	ssyncadd.s32 $0xFFFFD800  }
0x33: {  	[spmem:s9] =	stream.linear.scatter [tilespmem:s17], [sflag:$0x2], $0x2800, $0x38;
	[tilespmem:$0x16900] =	vst v63  }
0x34: {  	_ =	swait.ge [sflag:s18], $0x2800  }
0x35: {  	[sflag:s18] =	ssyncset.done $0x0  }
0x36: {  	[sflag:s18] =	ssyncadd.s32 $0xFFFFD800  }
0x37: {  	[spmem:s10] =	stream.linear.scatter [tilespmem:s17], [sflag:$0x2], $0x2800, $0x38;
	[tilespmem:$0x16900] =	vst v63  }
0x38: {  	_ =	swait.ge [sflag:s18], $0x2800  }
0x39: {  	[sflag:s18] =	ssyncset.done $0x0  }
0x3a: {  	[sflag:s18] =	ssyncadd.s32 $0xFFFFD800  }
0x3b: {  	[spmem:s11] =	stream.linear.scatter [tilespmem:s17], [sflag:$0x2], $0x2800, $0x38;
	[tilespmem:$0x16900] =	vst v63  }
0x3c: {  	_ =	swait.ge [sflag:s18], $0x2800  }
0x3d: {  	[sflag:s18] =	ssyncset.done $0x0  }
0x3e: {  	[sflag:s18] =	ssyncadd.s32 $0xFFFFD800  }
0x3f: {  	[spmem:s12] =	stream.linear.scatter [tilespmem:s17], [sflag:$0x2], $0x2800, $0x38;
	[tilespmem:$0x16900] =	vst v63  }
0x40: {  	_ =	swait.ge [sflag:s18], $0x2800  }
0x41: {  	[sflag:s18] =	ssyncset.done $0x0  }
0x42: {  	[sflag:s18] =	ssyncadd.s32 $0xFFFFD800  }
0x43: {  	s30 =	sadd.s32 $0x0, s16;
	[bflag:$0x0] =	sbarrier.arrive $0xFFFF  }
0x44: {  	[tilespmem:s3], [sflag:$0x2] =	stream.linear.gather [hbm4b:s30+s3], $0x50, $0x38;
	[tilespmem:$0x16900] =	vst v63  }
0x45: {  	_ =	swait.ge [sflag:s18], $0x50  }
0x46: {  	[sflag:s18] =	ssyncset.done $0x0  }
0x47: {  	s31 =	sadd.s32 $0x0, s15;
	[sflag:s18] =	ssyncadd.s32 $0xFFFFFFB0  }
0x48: {  	[tilespmem:s19], [sflag:$0x2] =	stream.linear.gather [hbm4b:s31+s3], $0x50, $0x38;
	[tilespmem:$0x16900] =	vst v63  }
0x49: {  	_ =	swait.ge [sflag:s18], $0x50  }
0x4a: {  	[sflag:s18] =	ssyncset.done $0x0  }
0x4b: {  	[sflag:s18] =	ssyncadd.s32 $0xFFFFFFB0  }
0x4c: {  	[tilespmem:s17], [sflag:$0x1] =	stream.indirect.gather [hbm4b:s4+s20], $0x80, s3, s20, $0xb8;
	[tilespmem:$0x16900] =	vst v63  }
0x4d: {  	_ =	swait.ge [sflag:s21], $0x2800  }
0x4e: {  	[sflag:s21] =	ssyncset.done $0x0  }
0x4f: {  	[sflag:s21] =	ssyncadd.s32 $0xFFFFD800  }
0x50: {  	[spmem:s2] =	stream.indirect.scatter.add.f32 [tilespmem:s17], [sflag:$0x2], $0x80, s19, s20, $0xb8;
	[tilespmem:$0x16900] =	vst v63  }
0x51: {  	_ =	swait.ge [sflag:s18], $0x2800  }
0x52: {  	s23 =	simm.s32 $0xA;
	s24 =	simm.s32 $0x14;
	[sflag:s18] =	ssyncset.done $0x0  }
.LBB2_4:
0x53: {  	s25 =	sadd.s32 s23, s16  }
0x54: {  	[sflag:s18] =	ssyncadd.s32 $0xFFFFD800;
	s26 =	smov.u32 s24;
	s28 =	sadd.s32 $0xA, s24  }
0x55: {  	[tilespmem:s3], [sflag:$0x2] =	stream.linear.gather [hbm4b:s25+s3], $0x50, $0x38;
	[tilespmem:$0x16900] =	vst v63  }
0x56: {  	p0 =	sne.s32 s24, $0x4D8;
	_ =	swait.ge [sflag:s18], $0x50  }
0x57: {  	[sflag:s18] =	ssyncset.done $0x0  }
0x58: {  	s24 =	sadd.s32 s23, s15;
	s23 =	smov.u32 s26;
	[sflag:s18] =	ssyncadd.s32 $0xFFFFFFB0  }
0x59: {  	[tilespmem:s19], [sflag:$0x2] =	stream.linear.gather [hbm4b:s24+s3], $0x50, $0x38;
	[tilespmem:$0x16900] =	vst v63  }
0x5a: {  	_ =	swait.ge [sflag:s18], $0x50  }
0x5b: {  	[sflag:s18] =	ssyncset.done $0x0  }
0x5c: {  	[sflag:s18] =	ssyncadd.s32 $0xFFFFFFB0  }
0x5d: {  	[tilespmem:s17], [sflag:$0x1] =	stream.indirect.gather [hbm4b:s4+s20], $0x80, s3, s20, $0xb8;
	[tilespmem:$0x16900] =	vst v63  }
0x5e: {  	_ =	swait.ge [sflag:s21], $0x2800  }
.Ltmp1:
0x5f: {  	[sflag:s21] =	ssyncset.done $0x0;
	(pc) =	sbr.rel @p0 .LBB2_4-.Ltmp1, $4  }
0x60: {  	[sflag:s21] =	ssyncadd.s32 $0xFFFFD800  }
0x61: {  	[spmem:s2] =	stream.indirect.scatter.add.f32 [tilespmem:s17], [sflag:$0x2], $0x80, s19, s20, $0xb8;
	[tilespmem:$0x16900] =	vst v63  }
0x62: {  	_ =	swait.ge [sflag:s18], $0x2800  }
0x63: {  	s24 =	smov.u32 s28;
	[sflag:s18] =	ssyncset.done $0x0  }
0x64: {  	s24 =	sadd.s32 s23, s16;
	[sflag:s18] =	ssyncadd.s32 $0xFFFFD800  }
0x65: {  	[tilespmem:s3], [sflag:$0x2] =	stream.linear.gather [hbm4b:s24+s3], $0x50, $0x38;
	[tilespmem:$0x16900] =	vst v63  }
0x66: {  	_ =	swait.ge [sflag:s18], $0x50  }
0x67: {  	[sflag:s18] =	ssyncset.done $0x0  }
0x68: {  	s29 =	sadd.s32 s23, s15;
	[sflag:s18] =	ssyncadd.s32 $0xFFFFFFB0  }
0x69: {  	[tilespmem:s19], [sflag:$0x2] =	stream.linear.gather [hbm4b:s29+s3], $0x50, $0x38;
	[tilespmem:$0x16900] =	vst v63  }
0x6a: {  	_ =	swait.ge [sflag:s18], $0x50  }
0x6b: {  	[sflag:s18] =	ssyncset.done $0x0  }
0x6c: {  	[sflag:s18] =	ssyncadd.s32 $0xFFFFFFB0  }
0x6d: {  	[tilespmem:s17], [sflag:$0x1] =	stream.indirect.gather [hbm4b:s4+s20], $0x80, s3, s20, $0xb8;
	[tilespmem:$0x16900] =	vst v63  }
0x6e: {  	_ =	swait.ge [sflag:s21], $0x2800  }
0x6f: {  	[sflag:s21] =	ssyncset.done $0x0  }
0x70: {  	[sflag:s21] =	ssyncadd.s32 $0xFFFFD800  }
0x71: {  	[spmem:s2] =	stream.indirect.scatter.add.f32 [tilespmem:s17], [sflag:$0x2], $0x80, s19, s20, $0xb8;
	[tilespmem:$0x16900] =	vst v63  }
0x72: {  	_ =	swait.ge [sflag:s18], $0x2800  }
0x73: {  	s30 =	sshll.u32 s0, $0x6;
	s22 =	sadd.s32 $0x1, s22;
	[sflag:s18] =	ssyncset.done $0x0  }
0x74: {  	s31 =	sshrl.u32 s5, $0x3;
	p0 =	sne.s32 s22, s14;
	[sflag:s18] =	ssyncadd.s32 $0xFFFFD800  }
.Ltmp2:
0x75: {  	s23 =	sor.u32 $0x1C02, s30;
	[bflag:$0x0] =	sbarrier.arrive $0xFFFF;
	(pc) =	sbr.rel @p0 .LBB2_1-.Ltmp2, $4  }
0x76: {  	[hbm:s13], [sflag:s23] =	dma.local [spmem:s31], $0x2800  }
0x77: {  	_ =	swait.ge [sflag:s18], $0x2800  }
0x78: {  	[sflag:s18] =	ssyncset.done $0x0  }
0x79: {  	[sflag:s18] =	ssyncadd.s32 $0xFFFFD800  }
0x7a: {  	_ =	sfence.sel $0x180000  }
0x7b: {  	[bflag:$0x0] =	sbarrier.arrive $0xFFFF  }
0x7c: {  	p0 =	sne.s32 s0, $0x0;
	_ =	strace $0x90000050  }
0x7d: {  	s0 =	sadd.s32 @!p0 $0x100000, s1;
	[bflag:$0x2] =	sbarrier.arrive $0xFFFF  }
0x7e: {  	[sflag:s0] =	ssyncadd.tile.s32 @!p0 $0x1;
	_ =	shalt  }
.Lfunc_end2:
_tile_overlayer_lowered:
.L_overlay_start_2:
0x7f: {  	(tag) =	ssettag $0x2  }
0x80: {  	s0 =	rddreg [dreg:$0x0];
	s2 =	stileid.u32  }
0x81: {  	s1 =	rddreg [dreg:$0x1];
	p0 =	sne.s32 s2, $0x0  }
0x82: {  	s3 =	rddreg [dreg:$0x2];
	[bflag:$0x3] =	sbarrier.arrive $0xFFFF;
	s2 =	simm.s32 @!p0 $0x1C02  }
0x83: {  	[timem:s3], [sflag:s2] =	dma.local @!p0 [hbm:s0], s1  }
0x84: {  	s0 =	simm.s32 @!p0 $0x2  }
0x85: {  	_ =	swait.ge @!p0 [sflag:s0], s1  }
0x86: {  	s1 =	ssub.s32 @!p0 $0x0, s1;
	[sflag:s0] =	ssyncset.done @!p0 $0x0  }
0x87: {  	[sflag:s0] =	ssyncadd.s32 @!p0 s1  }
0x88: {  	[bflag:$0x3] =	sbarrier.arrive $0xFFFF  }
0x89: {  	_ =	shalt  }

// kernel: kernel.9.cloned.1.call-start
scs
__scs_entry_jumppad:
0x0: {  	(pc) =	sbr.rel $0x88, $3  }
0x1: {  	(tag) =	ssettag $0x0;
	lr =	simm.s32 $0x1  }
0x2: {  	[smem:$0x3F98] =	sst lr;
	_ =	strace $0xD0000000  }
0x3: {  	_ = 	snop  }
0x4: {  	_ = 	snop  }
0x5: {  	_ = 	snop  }
0x6: {  	_ = 	snop  }
0x7: {  	_ = 	snop  }
__scs_overlays_trampoline_lowered:
0x8: {  	[smem:$0x3FA7] =	sst s0  }
0x9: {  	[smem:$0x3FA8] =	sst s1  }
0xa: {  	[smem:$0x3FA9] =	sst s2  }
0xb: {  	[smem:$0x3FAA] =	sst s3  }
0xc: {  	[smem:$0x3FAB] =	sst s4  }
0xd: {  	[smem:$0x3FAC] =	sst s5  }
0xe: {  	[smem:$0x3FAD] =	sst s6  }
0xf: {  	[smem:$0x3FAE] =	sst s7  }
0x10: {  	[smem:$0x3FAF] =	sst s8  }
0x11: {  	[smem:$0x3FB0] =	sst s9;
	s0 =	simm.s32 @!p0 $0x0  }
0x12: {  	s1 =	sld [smem:$0x3F96];
	s0 =	simm.s32 @p0 $0x1  }
0x13: {  	[smem:$0x3FB1] =	sst s0;
	s0 =	simm.s32 @!p1 $0x0  }
0x14: {  	s2 =	sld [smem:$0x3F95];
	s0 =	simm.s32 @p1 $0x1  }
0x15: {  	[smem:$0x3FB2] =	sst s0;
	s0 =	simm.s32 @!p2 $0x0  }
0x16: {  	s3 =	sld [smem:$0x3FDB];
	s0 =	simm.s32 @p2 $0x1  }
0x17: {  	s4 =	simm.s32 $0x1BF5;
	[smem:$0x3FB4] =	sst s0  }
0x18: {  	s0 =	sld [smem:$0x3F97];
	_ =	swait.ge [sflag:s4], $0x0  }
0x19: {  	s7 =	sld [smem:$0x3F98]  }
0x1a: {  	s8 =	sadd.s32 $0xFFFFE003, lr  }
0x1b: {  	s9 =	sadd.s32 $0xFFFFFEF7, lr;
	s5 =	simm.s32 $0xFFFFFFFF;
	p2 =	slt.u32 s8, $0xFFFFF086  }
0x1c: {  	p1 =	slt.u32 s9, $0xF7A;
	s5 =	simm.s32 @!p2 $0x0  }
0x1d: {  	s5 =	simm.s32 @p1 $0x1;
	p0 =	seq.s32 s7, s2  }
0x1e: {  	s7 =	smul.u32 @!p0 $0xF7A, s2;
	p2 =	seq.s32 @!p0 s5, $0x0  }
0x1f: {  	s9 =	smul.u32 $0xF7A, s1;
	s8 =	simm.s32 @!p0 $0x1BF5;
	p2 =	por !p2, p0  }
0x20: {  	[sflag:s8] =	ssyncset.s32 @!p0 $0xFFFFF086;
	s6 =	sadd.s32 @!p0 s3, s7;
	s7 =	simm.s32 @!p0 $0x108  }
0x21: {  	s3 =	sadd.s32 s3, s9;
	s6 =	sadd.s32 @!p0 $0x88, s6;
	s7 =	simm.s32 @p2 $0x1082  }
0x22: {  	[simem:s7], [sflag:s8] =	dma.local @!p0 [hbm:s6], $0xF7A  }
0x23: {  	s9 =	sor.u32 $0xD0000000, s2;
	s6 =	simm.s32 $0x108;
	_ =	swait.ge @!p0 [sflag:s8], $0x0  }
0x24: {  	s3 =	sadd.s32 $0x88, s3;
	s6 =	simm.s32 @!p1 $0x1082;
	[sflag:s4] =	ssyncset.s32 $0xFFFFF086  }
0x25: {  	[simem:s6], [sflag:s4] =	dma.local [hbm:s3], $0xF7A  }
0x26: {  	[smem:$0x3F98] =	sst s1;
	(tag) =	ssettag s2;
	_ =	strace s9  }
0x27: {  	s1 =	sld [smem:$0x3FA8]  }
0x28: {  	s2 =	sld [smem:$0x3FA9]  }
0x29: {  	s4 =	sld [smem:$0x3FAB]  }
0x2a: {  	p0 =	seq.s32 s5, $0x0;
	s5 =	sld [smem:$0x3FAC]  }
0x2b: {  	s6 =	sld [smem:$0x3FAD]  }
0x2c: {  	s7 =	sld [smem:$0x3FAE]  }
0x2d: {  	s3 =	simm.s32 $0x108;
	s8 =	sld [smem:$0x3FAF]  }
0x2e: {  	s3 =	simm.s32 @!p0 $0x1082;
	s9 =	sld [smem:$0x3FB0]  }
0x2f: {  	lr =	sadd.s32 s0, s3;
	s0 =	sld [smem:$0x3FA7]  }
0x30: {  	s3 =	sld [smem:$0x3FAA]  }
0x31: {  	[smem:$0x3FB3] =	sst s10  }
0x32: {  	s10 =	sld [smem:$0x3FB1];
	_ =	sdelay $0x3  }
0x33: {  	p0 =	seq.s32 s10, $0x1;
	s10 =	sld [smem:$0x3FB3];
	_ =	sdelay $0x3  }
0x34: {  	[smem:$0x3FB3] =	sst s10  }
0x35: {  	s10 =	sld [smem:$0x3FB2];
	_ =	sdelay $0x3  }
0x36: {  	p1 =	seq.s32 s10, $0x1;
	s10 =	sld [smem:$0x3FB3];
	_ =	sdelay $0x3  }
0x37: {  	[smem:$0x3FB3] =	sst s10  }
0x38: {  	s10 =	sld [smem:$0x3FB4]  }
0x39: {  	_ = 	snop;
	(pc) =	sbr.ind lr, $3  }
0x3a: {  	_ = 	snop  }
0x3b: {  	_ = 	snop  }
0x3c: {  	p2 =	seq.s32 s10, $0x1;
	s10 =	sld [smem:$0x3FB3]  }
0x3d: {  	_ =	shalt  }
0x3e: {  	_ =	shalt  }
0x3f: {  	_ =	shalt  }
0x40: {  	_ =	shalt  }
0x41: {  	_ =	shalt  }
0x42: {  	_ =	shalt  }
0x43: {  	_ =	shalt  }
0x44: {  	_ =	shalt  }
0x45: {  	_ =	shalt  }
0x46: {  	_ =	shalt  }
0x47: {  	_ =	shalt  }
0x48: {  	_ =	shalt  }
0x49: {  	_ =	shalt  }
0x4a: {  	_ =	shalt  }
0x4b: {  	_ =	shalt  }
0x4c: {  	_ =	shalt  }
0x4d: {  	_ =	shalt  }
0x4e: {  	_ =	shalt  }
0x4f: {  	_ =	shalt  }
0x50: {  	_ =	shalt  }
0x51: {  	_ =	shalt  }
0x52: {  	_ =	shalt  }
0x53: {  	_ =	shalt  }
0x54: {  	_ =	shalt  }
0x55: {  	_ =	shalt  }
0x56: {  	_ =	shalt  }
0x57: {  	_ =	shalt  }
0x58: {  	_ =	shalt  }
0x59: {  	_ =	shalt  }
0x5a: {  	_ =	shalt  }
0x5b: {  	_ =	shalt  }
0x5c: {  	_ =	shalt  }
0x5d: {  	_ =	shalt  }
0x5e: {  	_ =	shalt  }
0x5f: {  	_ =	shalt  }
0x60: {  	_ =	shalt  }
0x61: {  	_ =	shalt  }
0x62: {  	_ =	shalt  }
0x63: {  	_ =	shalt  }
0x64: {  	_ =	shalt  }
0x65: {  	_ =	shalt  }
0x66: {  	_ =	shalt  }
0x67: {  	_ =	shalt  }
0x68: {  	_ =	shalt  }
0x69: {  	_ =	shalt  }
0x6a: {  	_ =	shalt  }
0x6b: {  	_ =	shalt  }
0x6c: {  	_ =	shalt  }
0x6d: {  	_ =	shalt  }
0x6e: {  	_ =	shalt  }
0x6f: {  	_ =	shalt  }
0x70: {  	_ =	shalt  }
0x71: {  	_ =	shalt  }
0x72: {  	_ =	shalt  }
0x73: {  	_ =	shalt  }
0x74: {  	_ =	shalt  }
0x75: {  	_ =	shalt  }
0x76: {  	_ =	shalt  }
0x77: {  	_ =	shalt  }
0x78: {  	_ =	shalt  }
0x79: {  	_ =	shalt  }
0x7a: {  	_ =	shalt  }
0x7b: {  	_ =	shalt  }
0x7c: {  	_ =	shalt  }
0x7d: {  	_ =	shalt  }
0x7e: {  	_ =	shalt  }
0x7f: {  	_ =	shalt  }
0x80: {  	_ =	shalt  }
0x81: {  	_ =	shalt  }
0x82: {  	_ =	shalt  }
0x83: {  	_ =	shalt  }
0x84: {  	_ =	shalt  }
0x85: {  	_ =	shalt  }
0x86: {  	_ =	shalt  }
0x87: {  	_ =	shalt  }
.Lfunc_end0:
.L_simem_size_0:
called_computation_lowered:
.L_overlay_start_0:
0x88: {  	s2 =	sld [smem:$0x3FD9]  }
0x89: {  	s3 =	sld [smem:$0x3FFE];
	_ =	sdelay $0x1  }
0x8a: {  	s1 =	srdreg.scid  }
0x8b: {  	s0 =	sand.u32 $0x1, s1  }
0x8c: {  	s17 =	sshll.u32 s0, $0xA;
	s2 =	sadd.s32 s3, s2  }
0x8d: {  	s2 =	sadd.s32 s2, s17  }
0x8e: {  	[smem:$0x3FBF] =	sst s2  }
0x8f: {  	_ = 	snop  }
0x90: {  	s2 =	sld [smem:$0x3FD0];
	(tm) =	ssettm $0x1  }
0x91: {  	s18 =	sld [smem:$0x3FFB];
	_ =	sdelay $0x3  }
0x92: {  	_ =	strace s18  }
0x93: {  	s3 =	sld [smem:$0x3FFC];
	_ =	sdelay $0x3  }
0x94: {  	_ =	strace s3  }
0x95: {  	s3 =	sld [smem:$0x3FFD];
	_ =	sdelay $0x3  }
0x96: {  	_ =	strace s3  }
0x97: {  	_ =	strace $0x8FFFFFFF  }
0x98: {  	s19 =	sld [smem:$0x3FDB];
	_ =	sdelay $0x1  }
0x99: {  	s4 =	simm.s32 $_scs_section_size  }
0x9a: {  	s5 =	simm.s32 $_size__tile_overlayer_lowered;
	s6 =	simm.s32 $_tile_overlayer_lowered  }
0x9b: {  	s22 =	simm.s32 $0x1BFF;
	s21 =	sshll.u32 s6, $0x1;
	s3 =	sadd.s32 s4, s19  }
0x9c: {  	s7 =	simm.s32 $0x0;
	s20 =	sshll.u32 s5, $0x1;
	s5 =	sadd.s32 s21, s3  }
0x9d: {  	[timem:s7], [sflag:s22] =	dma.local [hbm:s5], s20  }
0x9e: {  	_ =	swait.ge [sflag:s22], s20  }
0x9f: {  	s4 =	ssub.s32 $0x0, s20;
	[sflag:s22] =	ssyncset.done $0x0  }
0xa0: {  	[sflag:s22] =	ssyncadd.s32 s4;
	_ =	sdelay $0x1  }
0xa1: {  	s23 =	simm.s32 $0x1B8B  }
0xa2: {  	_ =	swait.ge [sflag:s23], $0x1  }
0xa3: {  	[sflag:s23] =	ssyncset.done $0x0  }
0xa4: {  	s25 =	simm.s32 $0x1B8E;
	s24 =	sld [smem:$0x3FFE];
	[sflag:s23] =	ssyncadd.s32 $0xFFFFFFFF  }
0xa5: {  	s26 =	simm.s32 $execute0_lowered;
	[smem:$0x3FD2] =	sst s25  }
0xa6: {  	s5 =	sshll.u32 s26, $0x1;
	_ =	strace $0x80000046;
	[dreg:$0x1] =	wrdreg $0xFFFFFFFF  }
0xa7: {  	s28 =	simm.s32 $_size_execute0_lowered;
	s3 =	sadd.s32 s3, s5;
	[dreg:$0x0] =	wrdreg $0x0  }
0xa8: {  	s5 =	sshll.u32 s28, $0x1;
	[dreg:$0x2] =	wrdreg s3  }
0xa9: {  	[dreg:$0x3] =	wrdreg s5  }
0xaa: {  	[dreg:$0x4] =	wrdreg $0xC0  }
0xab: {  	_ =	task [dreg:s7], $0x5FFFF  }
0xac: {  	[dreg:$0x1] =	wrdreg $0xFFFFFFFF  }
0xad: {  	[dreg:$0x0] =	wrdreg $0x60  }
0xae: {  	[dreg:$0x2] =	wrdreg s2  }
0xaf: {  	[dreg:$0x3] =	wrdreg s24  }
0xb0: {  	[dreg:$0x4] =	wrdreg $0x28800  }
0xb1: {  	[dreg:$0x5] =	wrdreg $0x9  }
0xb2: {  	_ =	task.clear_ibuf [dreg:s7], $0x6FFFF;
	_ =	strace $0x90000046  }
0xb3: {  	s29 =	simm.s32 $0x9;
	_ =	strace $0x80000048  }
0xb4: {  	_ =	swait.ge [sflag:s29], $0x1  }
0xb5: {  	[sflag:s29] =	ssyncadd.s32 $0xFFFFFFFF  }
0xb6: {  	_ =	strace $0x90000048  }
0xb7: {  	_ =	sfence  }
0xb8: {  	s30 =	sld [smem:$0x0];
	_ =	sdelay $0x2  }
0xb9: {  	s31 =	sshll.u32 s1, $0xD;
	s1 =	sshrl.u32 s1, $0x2  }
0xba: {  	s3 =	sand.u32 $0x4000, s31;
	s1 =	sadd.s32 s1, s30  }
0xbb: {  	s0 =	sor.u32 s3, s0;
	s1 =	sshll.u32 s1, $0x11  }
0xbc: {  	s0 =	sor.u32 s1, s0  }
0xbd: {  	s0 =	sadd.s32 $0x8F2B, s0  }
0xbe: {  	[sflag:s0] =	ssyncadd.remote.s32 $0x1  }
0xbf: {  	_ =	sfence.sel $0xFFFF  }
0xc0: {  	[dreg:$0x0] =	wrdreg $0xFFFFFFFF;
	(pc) =	sbr.abs _section_cstart, $3  }
0xc1: {  	[dreg:$0x1] =	wrdreg $0xFFFFFFFF  }
0xc2: {  	_ =	task.clear_ibuf [dreg:s7], $0x2FFFF;
	_ =	strace $0x9FFFFFFF  }
0xc3: {  	(tm) =	ssettm $0x7FFFFFFF  }
tec
execute0_lowered:
.L_overlay_start_1:
0x0: {  	(tag) =	ssettag $0x1  }
0x1: {  	s14 =	rddreg [dreg:$0x0]  }
0x2: {  	s4 =	rddreg [dreg:$0x1]  }
0x3: {  	s0 =	srdreg.scid;
	s2 =	rddreg [dreg:$0x2]  }
0x4: {  	s1 =	rddreg [dreg:$0x3];
	s5 =	sand.u32 $0x1, s0  }
0x5: {  	s3 =	simm.s32 $0x0;
	s0 =	stileid.u32;
	s6 =	smul.u32 $0x140000, s5  }
0x6: {  	s16 =	simm.s32 $0x1;
	s17 =	simm.s32 $0x50;
	s7 =	smul.u32 $0x14000, s0  }
0x7: {  	s20 =	simm.s32 $0x0;
	[smem:$0x7FF] =	sst s3;
	s28 =	smul.u32 $0x50000, s0  }
0x8: {  	_ =	strace $0x80000047;
	s29 =	ssub.s32 $0x2, s5;
	s11 =	smul.u32 $0x27100, s5  }
0x9: {  	s15 =	smul.u32 $0x2710, s0;
	s18 =	sshll.u32 s0, $0x6;
	s31 =	sshrl.u32 s29, $0x1  }
0xa: {  	s18 =	sor.u32 $0x1C01, s18;
	s6 =	sadd.s32 s7, s6;
	s30 =	sshrl.u32 s28, $0x2  }
0xb: {  	s13 =	ssub.s32 s29, s31;
	s15 =	sadd.s32 s15, s11;
	s6 =	sshrl.u32 s6, $0x3  }
0xc: {  	s15 =	sshrl.u32 s15, $0x3;
	s13 =	smax.u32 s13, $0x1;
	s12 =	sadd.s32 s6, s4  }
0xd: {  	s4 =	sadd.s32 s30, s2;
	s14 =	sadd.s32 s15, s14;
	s15 =	simm.s32 $0x80  }
0xe: {  	s5 =	sadd.s32 $0x2800, s4;
	s6 =	sadd.s32 $0x5000, s4;
	s7 =	sadd.s32 $0x7800, s4  }
0xf: {  	v0 =	vimm.f32 $0.0e+00;
	vm0 =	vcmask $0x300;
	s8 =	sadd.s32 $0xA000, s4;
	s9 =	sadd.s32 $0xC800, s4;
	s10 =	sadd.s32 $0xF000, s4  }
0x10: {  	v1 =	vsel vm0, $0x3F800000, v0;
	s11 =	sadd.s32 $0x11800, s4;
	s12 =	sadd.s32 $0xE400, s12;
	s19 =	sshrl.u32 s4, $0x3  }
.LBB2_1:
0x11: {  	s21 =	simm.s32 $0x200;
	s22 =	simm.s32 $0x0  }
.LBB2_2:
0x12: {  	p0 =	sne.s32 s21, $0x9E00;
	[tilespmem:s22+$0x80] =	vst v0;
	s22 =	smov.u32 s21;
	s21 =	sadd.s32 $0x200, s21  }
.Ltmp0:
0x13: {  	(pc) =	sbr.rel @p0 .LBB2_2-.Ltmp0, $2  }
0x14: {  	_ =	sdelay $0x2  }
0x15: {  	s22 =	sshra.s32 s22, $0x2  }
0x16: {  	[tilespmem:s22+$0x80] =	vst v0  }
0x17: {  	[spmem:s4] =	stream.linear.scatter [tilespmem:s15], [sflag:$0x1], $0x2800, $0x38;
	[tilespmem:$0x5080] =	vst v63  }
0x18: {  	_ =	swait.ge [sflag:s16], $0x2800  }
0x19: {  	[sflag:s16] =	ssyncset.done $0x0  }
0x1a: {  	[sflag:s16] =	ssyncadd.s32 $0xFFFFD800  }
0x1b: {  	[spmem:s5] =	stream.linear.scatter [tilespmem:s15], [sflag:$0x1], $0x2800, $0x38;
	[tilespmem:$0x5080] =	vst v63  }
0x1c: {  	_ =	swait.ge [sflag:s16], $0x2800  }
0x1d: {  	[sflag:s16] =	ssyncset.done $0x0  }
0x1e: {  	[sflag:s16] =	ssyncadd.s32 $0xFFFFD800  }
0x1f: {  	[spmem:s6] =	stream.linear.scatter [tilespmem:s15], [sflag:$0x1], $0x2800, $0x38;
	[tilespmem:$0x5080] =	vst v63  }
0x20: {  	_ =	swait.ge [sflag:s16], $0x2800  }
0x21: {  	[sflag:s16] =	ssyncset.done $0x0  }
0x22: {  	[sflag:s16] =	ssyncadd.s32 $0xFFFFD800  }
0x23: {  	[spmem:s7] =	stream.linear.scatter [tilespmem:s15], [sflag:$0x1], $0x2800, $0x38;
	[tilespmem:$0x5080] =	vst v63  }
0x24: {  	_ =	swait.ge [sflag:s16], $0x2800  }
0x25: {  	[sflag:s16] =	ssyncset.done $0x0  }
0x26: {  	[sflag:s16] =	ssyncadd.s32 $0xFFFFD800  }
0x27: {  	[spmem:s8] =	stream.linear.scatter [tilespmem:s15], [sflag:$0x1], $0x2800, $0x38;
	[tilespmem:$0x5080] =	vst v63  }
0x28: {  	_ =	swait.ge [sflag:s16], $0x2800  }
0x29: {  	[sflag:s16] =	ssyncset.done $0x0  }
0x2a: {  	[sflag:s16] =	ssyncadd.s32 $0xFFFFD800  }
0x2b: {  	[spmem:s9] =	stream.linear.scatter [tilespmem:s15], [sflag:$0x1], $0x2800, $0x38;
	[tilespmem:$0x5080] =	vst v63  }
0x2c: {  	_ =	swait.ge [sflag:s16], $0x2800  }
0x2d: {  	[sflag:s16] =	ssyncset.done $0x0  }
0x2e: {  	[sflag:s16] =	ssyncadd.s32 $0xFFFFD800  }
0x2f: {  	[spmem:s10] =	stream.linear.scatter [tilespmem:s15], [sflag:$0x1], $0x2800, $0x38;
	[tilespmem:$0x5080] =	vst v63  }
0x30: {  	_ =	swait.ge [sflag:s16], $0x2800  }
0x31: {  	[sflag:s16] =	ssyncset.done $0x0  }
0x32: {  	[sflag:s16] =	ssyncadd.s32 $0xFFFFD800  }
0x33: {  	[spmem:s11] =	stream.linear.scatter [tilespmem:s15], [sflag:$0x1], $0x2800, $0x38;
	[tilespmem:$0x5080] =	vst v63  }
0x34: {  	_ =	swait.ge [sflag:s16], $0x2800  }
0x35: {  	[sflag:s16] =	ssyncset.done $0x0  }
0x36: {  	s21 =	simm.s32 $0x200;
	s22 =	simm.s32 $0x0;
	[sflag:s16] =	ssyncadd.s32 $0xFFFFD800  }
.LBB2_4:
0x37: {  	p0 =	sne.s32 s21, $0x9E00;
	[tilespmem:s22+$0x80] =	vst v1;
	s22 =	smov.u32 s21;
	s21 =	sadd.s32 $0x200, s21  }
.Ltmp1:
0x38: {  	(pc) =	sbr.rel @p0 .LBB2_4-.Ltmp1, $2  }
0x39: {  	_ =	sdelay $0x2  }
0x3a: {  	s22 =	sshra.s32 s22, $0x2  }
0x3b: {  	[tilespmem:s22+$0x80] =	vst v1  }
0x3c: {  	s21 =	sadd.s32 $0x0, s14;
	[bflag:$0x0] =	sbarrier.arrive $0xFFFF  }
0x3d: {  	[tilespmem:s3], [sflag:$0x1] =	stream.linear.gather [hbm4b:s21+s3], $0x50, $0x38;
	[tilespmem:$0x5080] =	vst v63  }
0x3e: {  	_ =	swait.ge [sflag:s16], $0x50  }
0x3f: {  	[sflag:s16] =	ssyncset.done $0x0  }
0x40: {  	[sflag:s16] =	ssyncadd.s32 $0xFFFFFFB0  }
0x41: {  	[spmem:s2] =	stream.indirect.scatter.add.f32 [tilespmem:s15], [sflag:$0x1], $0x10, s3, s17, $0xb8;
	[tilespmem:$0x5080] =	vst v63  }
0x42: {  	_ =	swait.ge [sflag:s16], $0x500  }
0x43: {  	s22 =	simm.s32 $0x14;
	s21 =	simm.s32 $0xA;
	[sflag:s16] =	ssyncset.done $0x0  }
.LBB2_6:
0x44: {  	s23 =	sadd.s32 s21, s14  }
0x45: {  	[sflag:s16] =	ssyncadd.s32 $0xFFFFFB00;
	s21 =	smov.u32 s22;
	s24 =	sadd.s32 $0xA, s22  }
0x46: {  	[tilespmem:s3], [sflag:$0x1] =	stream.linear.gather [hbm4b:s23+s3], $0x50, $0x38;
	[tilespmem:$0x5080] =	vst v63  }
0x47: {  	p0 =	sne.s32 s22, $0x4D8;
	_ =	swait.ge [sflag:s16], $0x50  }
.Ltmp2:
0x48: {  	[sflag:s16] =	ssyncset.done $0x0;
	(pc) =	sbr.rel @p0 .LBB2_6-.Ltmp2, $4  }
0x49: {  	[sflag:s16] =	ssyncadd.s32 $0xFFFFFFB0  }
0x4a: {  	[spmem:s2] =	stream.indirect.scatter.add.f32 [tilespmem:s15], [sflag:$0x1], $0x10, s3, s17, $0xb8;
	[tilespmem:$0x5080] =	vst v63  }
0x4b: {  	_ =	swait.ge [sflag:s16], $0x500  }
0x4c: {  	s22 =	smov.u32 s24;
	[sflag:s16] =	ssyncset.done $0x0  }
0x4d: {  	s21 =	sadd.s32 s21, s14;
	[sflag:s16] =	ssyncadd.s32 $0xFFFFFB00  }
0x4e: {  	[tilespmem:s3], [sflag:$0x1] =	stream.linear.gather [hbm4b:s21+s3], $0x50, $0x38;
	[tilespmem:$0x5080] =	vst v63  }
0x4f: {  	_ =	swait.ge [sflag:s16], $0x50  }
0x50: {  	[sflag:s16] =	ssyncset.done $0x0  }
0x51: {  	[sflag:s16] =	ssyncadd.s32 $0xFFFFFFB0  }
0x52: {  	[spmem:s2] =	stream.indirect.scatter.add.f32 [tilespmem:s15], [sflag:$0x1], $0x10, s3, s17, $0xb8;
	[tilespmem:$0x5080] =	vst v63  }
0x53: {  	_ =	swait.ge [sflag:s16], $0x500  }
0x54: {  	s20 =	sadd.s32 $0x1, s20;
	[sflag:s16] =	ssyncset.done $0x0  }
0x55: {  	p0 =	sne.s32 s20, s13;
	[sflag:s16] =	ssyncadd.s32 $0xFFFFFB00  }
.Ltmp3:
0x56: {  	[bflag:$0x0] =	sbarrier.arrive $0xFFFF;
	(pc) =	sbr.rel @p0 .LBB2_1-.Ltmp3, $4  }
0x57: {  	[hbm:s12], [sflag:s18] =	dma.local [spmem:s19], $0x2800  }
0x58: {  	_ =	swait.ge [sflag:s16], $0x2800  }
0x59: {  	[sflag:s16] =	ssyncset.done $0x0  }
0x5a: {  	[sflag:s16] =	ssyncadd.s32 $0xFFFFD800  }
0x5b: {  	_ =	sfence.sel $0x180000  }
0x5c: {  	[bflag:$0x0] =	sbarrier.arrive $0xFFFF  }
0x5d: {  	p0 =	sne.s32 s0, $0x0;
	_ =	strace $0x90000047  }
0x5e: {  	s0 =	sadd.s32 @!p0 $0x100000, s1;
	[bflag:$0x2] =	sbarrier.arrive $0xFFFF  }
0x5f: {  	[sflag:s0] =	ssyncadd.tile.s32 @!p0 $0x1;
	_ =	shalt  }
.Lfunc_end2:
_tile_overlayer_lowered:
.L_overlay_start_2:
0x60: {  	(tag) =	ssettag $0x2  }
0x61: {  	s0 =	rddreg [dreg:$0x0];
	s2 =	stileid.u32  }
0x62: {  	s1 =	rddreg [dreg:$0x1];
	p0 =	sne.s32 s2, $0x0  }
0x63: {  	s3 =	rddreg [dreg:$0x2];
	[bflag:$0x3] =	sbarrier.arrive $0xFFFF;
	s2 =	simm.s32 @!p0 $0x1C01  }
0x64: {  	[timem:s3], [sflag:s2] =	dma.local @!p0 [hbm:s0], s1  }
0x65: {  	s0 =	simm.s32 @!p0 $0x1  }
0x66: {  	_ =	swait.ge @!p0 [sflag:s0], s1  }
0x67: {  	s1 =	ssub.s32 @!p0 $0x0, s1;
	[sflag:s0] =	ssyncset.done @!p0 $0x0  }
0x68: {  	[sflag:s0] =	ssyncadd.s32 @!p0 s1  }
0x69: {  	[bflag:$0x3] =	sbarrier.arrive $0xFFFF  }
0x6a: {  	_ =	shalt  }

</sc_bundles>
